<compile_context>
chip_gen: v7x
topology: tpu7x:2x2x1
jax: 0.10.2.dev20260603
libtpu: 0.0.44.dev20260713+nightly
codegen_flags: <defaults>
</compile_context>

<pallas_src>
import functools

import jax
import jax.numpy as jnp
from jax import lax
from jax.experimental import pallas as pl
from jax.experimental.pallas import tpu as pltpu
from jax.experimental.pallas import tpu_sc as plsc

_NC, _NS, _L = 2, 16, 16
_NW = _NC * _NS
_INV_SQRT_C = 1.0 / (32.0 ** 0.5)


def _allsum(a):
    lane = jnp.arange(_L, dtype=jnp.int32)
    for sft in (1, 2, 4, 8):
        a = a + a[lane ^ sft]
    return a



def _qkvs_kernel(x_ref, w_ref, b_ref, q_ref, k_ref, v_ref, s_ref):
    y = jnp.dot(x_ref[...], w_ref[...], preferred_element_type=jnp.float32)
    y = y + b_ref[...]
    d = y.shape[1] // 4
    q_ref[...] = y[:, 0:d] * _INV_SQRT_C
    k_ref[...] = y[:, d:2 * d]
    v_ref[...] = y[:, 2 * d:3 * d]
    s_ref[...] = y[:, 3 * d:4 * d]


def _mid_kernel(acc_ref, s1_ref, w_ref, b_ref,
                q_ref, k_ref, v_ref, s_ref):
    acc = acc_ref[...]
    num = acc[:, 0:128]
    den = acc[:, 128:144]
    br = num.shape[0]
    dvsr = jnp.concatenate(
        [jnp.broadcast_to(den[:, h:h + 1], (br, 32)) for h in range(4)],
        axis=1) + 1e-16
    h = num / dvsr + s1_ref[...]
    h = jnp.where(h > 0.0, h, jnp.exp(jnp.minimum(h, 0.0)) - 1.0)
    y = jnp.dot(h, w_ref[...], preferred_element_type=jnp.float32)
    y = y + b_ref[...]
    d = y.shape[1] // 4
    q_ref[...] = y[:, 0:d] * _INV_SQRT_C
    k_ref[...] = y[:, d:2 * d]
    v_ref[...] = y[:, 2 * d:3 * d]
    s_ref[...] = y[:, 3 * d:4 * d]


def _fin_kernel(acc_ref, s_ref, o_ref):
    acc = acc_ref[...]
    num = acc[:, 0:32]
    den = acc[:, 32:33]
    o_ref[...] = num / (den + 1e-16) + s_ref[...]


def _run_qkvs(x, w, b, br=1000):
    n, din = x.shape
    dout = w.shape[1]
    d = dout // 4
    outs = [jax.ShapeDtypeStruct((n, d), jnp.float32)] * 4
    return pl.pallas_call(
        _qkvs_kernel,
        grid=(n // br,),
        in_specs=[
            pl.BlockSpec((br, din), lambda i: (i, 0)),
            pl.BlockSpec((din, dout), lambda i: (0, 0)),
            pl.BlockSpec((1, dout), lambda i: (0, 0)),
        ],
        out_specs=[pl.BlockSpec((br, d), lambda i: (i, 0))] * 4,
        out_shape=outs,
    )(x, w, b)


def _run_mid(acc, s1, w, b, br=1000):
    n = s1.shape[0]
    din = s1.shape[1]
    da = acc.shape[1]
    dout = w.shape[1]
    d = dout // 4
    outs = [jax.ShapeDtypeStruct((n, d), jnp.float32)] * 4
    return pl.pallas_call(
        _mid_kernel,
        grid=(n // br,),
        in_specs=[
            pl.BlockSpec((br, da), lambda i: (i, 0)),
            pl.BlockSpec((br, din), lambda i: (i, 0)),
            pl.BlockSpec((din, dout), lambda i: (0, 0)),
            pl.BlockSpec((1, dout), lambda i: (0, 0)),
        ],
        out_specs=[pl.BlockSpec((br, d), lambda i: (i, 0))] * 4,
        out_shape=outs,
    )(acc, s1, w, b)


def _run_fin(acc, s2, br=1000):
    n = s2.shape[0]
    d = s2.shape[1]
    da = acc.shape[1]
    return pl.pallas_call(
        _fin_kernel,
        grid=(n // br,),
        in_specs=[
            pl.BlockSpec((br, da), lambda i: (i, 0)),
            pl.BlockSpec((br, d), lambda i: (i, 0)),
        ],
        out_specs=pl.BlockSpec((br, d), lambda i: (i, 0)),
        out_shape=jax.ShapeDtypeStruct((n, d), jnp.float32),
    )(acc, s2)



def _sc_edge_pass(src, dst, q, k, v):
    n, d = q.shape
    e_total = src.shape[0]
    heads = d // 32
    ew = e_total // _NS
    b = 80
    nch = ew // b
    nhalf = 5120
    rpt = nhalf // _NS
    zr = 64
    da = d + 16
    mesh = plsc.VectorSubcoreMesh(core_axis_name="c", subcore_axis_name="s")

    @functools.partial(
        pl.kernel,
        out_type=jax.ShapeDtypeStruct((_NC, nhalf + 8, da), jnp.float32),
        mesh=mesh,
        compiler_params=pltpu.CompilerParams(use_tc_tiling_on_sc=False),
        scratch_types=[
            pltpu.VMEM((b,), jnp.int32),
            pltpu.VMEM((b,), jnp.int32),
            pltpu.VMEM((b,), jnp.int32),
            pltpu.VMEM((b, d), jnp.float32),
            pltpu.VMEM((b, d), jnp.float32),
            pltpu.VMEM((b, d), jnp.float32),
            pltpu.VMEM((b, da), jnp.float32),
            pltpu.VMEM((zr, da), jnp.float32),
            pltpu.VMEM_SHARED((nhalf + 8, da), jnp.float32),
            pltpu.SemaphoreType.DMA,
        ],
    )
    def sc_k(src_ref, dst_ref, q_ref, k_ref, v_ref, acc_out,
             src_v, dst_v, idx2_v, qr, kr, vr, msg, zb, acc_sp, sem):
        c = lax.axis_index("c")
        s = lax.axis_index("s")
        zero16 = jnp.zeros((_L,), jnp.float32)
        lane = lax.iota(jnp.int32, _L)

        def zrow(r, carry):
            for i in range(da // _L):
                zb[r, pl.ds(i * _L, _L)] = zero16
            return carry
        lax.fori_loop(0, zr, zrow, 0)

        r0 = s * rpt
        for j in range(rpt // zr):
            pltpu.sync_copy(zb, acc_sp.at[pl.ds(r0 + j * zr, zr)])
        plsc.subcore_barrier()

        base_w = s * ew
        lo = c * nhalf

        def chunk(t, carry):
            base = base_w + t * b
            pltpu.sync_copy(src_ref.at[pl.ds(base, b)], src_v)
            pltpu.sync_copy(dst_ref.at[pl.ds(base, b)], dst_v)
            cp1 = pltpu.async_copy(q_ref.at[dst_v], qr, sem)
            cp2 = pltpu.async_copy(k_ref.at[src_v], kr, sem)
            cp3 = pltpu.async_copy(v_ref.at[src_v], vr, sem)
            for g in range(b // _L):
                dv = dst_v[pl.ds(g * _L, _L)]
                rel = dv - lo
                inr = (rel >= 0) & (rel < nhalf)
                idx2_v[pl.ds(g * _L, _L)] = jnp.where(inr, rel, nhalf)
            cp1.wait()
            cp2.wait()
            cp3.wait()

            @plsc.parallel_loop(0, b)
            def edge_body(e):
                dv = zero16
                for h in range(heads):
                    o = 32 * h
                    a = (qr[e, pl.ds(o, _L)] * kr[e, pl.ds(o, _L)]
                         + qr[e, pl.ds(o + _L, _L)] * kr[e, pl.ds(o + _L, _L)])
                    ev = jnp.exp(_allsum(a))
                    msg[e, pl.ds(o, _L)] = vr[e, pl.ds(o, _L)] * ev
                    msg[e, pl.ds(o + _L, _L)] = vr[e, pl.ds(o + _L, _L)] * ev
                    if heads == 1:
                        dv = ev
                    else:
                        dv = jnp.where(lane == h, ev, dv)
                msg[e, pl.ds(d, _L)] = dv

            pltpu.sync_copy(msg, acc_sp.at[idx2_v], add=True)
            return carry

        lax.fori_loop(0, nch, chunk, 0)
        plsc.subcore_barrier()
        pltpu.sync_copy(acc_sp.at[pl.ds(r0, rpt)], acc_out.at[c, pl.ds(r0, rpt)])

    acc = sc_k(src, dst, q, k, v)
    return acc[:, :nhalf, :].reshape(2 * nhalf, da)



def kernel(x, edge_index, Wq1, bq1, Wk1, bk1, Wv1, bv1, Ws1, bs1,
           Wq2, bq2, Wk2, bk2, Wv2, bv2, Ws2, bs2):
    w1 = jnp.concatenate([Wq1, Wk1, Wv1, Ws1], axis=1)
    b1 = jnp.concatenate([bq1, bk1, bv1, bs1]).reshape(1, -1)
    w2 = jnp.concatenate([Wq2, Wk2, Wv2, Ws2], axis=1)
    b2 = jnp.concatenate([bq2, bk2, bv2, bs2]).reshape(1, -1)

    src = edge_index[0]
    dst = edge_index[1]
    q1, k1, v1, s1 = _run_qkvs(x, w1, b1)
    acc1 = _sc_edge_pass(src, dst, q1, k1, v1)
    q2, k2, v2, s2 = _run_mid(acc1, s1, w2, b2)
    acc2 = _sc_edge_pass(src, dst, q2, k2, v2)
    return _run_fin(acc2, s2)

# --- scband reference (transcript-rebuilt; emitter-appended) ---
"""Pipeline reference for scband-transformer-spatial-encoder-62947040690574 (READ-ONLY COPY).

The authoritative reference and input builder live on the scoring server;
editing this copy changes nothing except your own understanding.
"""

import jax, jax.numpy as jnp
import numpy as np


def _seg_softmax(logits, seg, n):
    m = jax.ops.segment_max(logits, seg, num_segments=n)
    m = jnp.where(jnp.isfinite(m), m, 0.0)
    e = jnp.exp(logits - m[seg])
    s = jax.ops.segment_sum(e, seg, num_segments=n)
    return e / (s[seg] + 1e-16)


def _tconv(x, src, dst, Wq, bq, Wk, bk, Wv, bv, Ws, bs, heads, C, concat):
    N = x.shape[0]
    q = (x @ Wq + bq).reshape(N, heads, C)
    k = (x @ Wk + bk).reshape(N, heads, C)
    v = (x @ Wv + bv).reshape(N, heads, C)
    alpha = (q[dst] * k[src]).sum(-1) / jnp.sqrt(jnp.float32(C))
    alpha = _seg_softmax(alpha, dst, N)
    msg = v[src] * alpha[:, :, None]
    out = jax.ops.segment_sum(msg, dst, num_segments=N)
    if concat:
        out = out.reshape(N, heads * C)
    else:
        out = out.mean(axis=1)
    return out + x @ Ws + bs


def setup_inputs(seed: int = 0):
    key = jax.random.key(seed)
    ks = jax.random.split(key, 20)
    N, E, din, hid, H = 10000, 320000, 128, 32, 4
    d1 = hid * H  # 128
    inp = {}
    inp['x'] = jax.random.normal(ks[0], (N, din), dtype=jnp.float32)
    inp['edge_index'] = jax.random.randint(ks[1], (2, E), 0, N, dtype=jnp.int32)
    s = 0.05
    inp['Wq1'] = jax.random.normal(ks[2], (din, d1), dtype=jnp.float32) * s
    inp['bq1'] = jnp.zeros((d1,), dtype=jnp.float32)
    inp['Wk1'] = jax.random.normal(ks[3], (din, d1), dtype=jnp.float32) * s
    inp['bk1'] = jnp.zeros((d1,), dtype=jnp.float32)
    inp['Wv1'] = jax.random.normal(ks[4], (din, d1), dtype=jnp.float32) * s
    inp['bv1'] = jnp.zeros((d1,), dtype=jnp.float32)
    inp['Ws1'] = jax.random.normal(ks[5], (din, d1), dtype=jnp.float32) * s
    inp['bs1'] = jnp.zeros((d1,), dtype=jnp.float32)
    inp['Wq2'] = jax.random.normal(ks[6], (d1, hid), dtype=jnp.float32) * s
    inp['bq2'] = jnp.zeros((hid,), dtype=jnp.float32)
    inp['Wk2'] = jax.random.normal(ks[7], (d1, hid), dtype=jnp.float32) * s
    inp['bk2'] = jnp.zeros((hid,), dtype=jnp.float32)
    inp['Wv2'] = jax.random.normal(ks[8], (d1, hid), dtype=jnp.float32) * s
    inp['bv2'] = jnp.zeros((hid,), dtype=jnp.float32)
    inp['Ws2'] = jax.random.normal(ks[9], (d1, hid), dtype=jnp.float32) * s
    inp['bs2'] = jnp.zeros((hid,), dtype=jnp.float32)
    return inp


def reference(x, edge_index, Wq1, bq1, Wk1, bk1, Wv1, bv1, Ws1, bs1, Wq2, bq2, Wk2, bk2, Wv2, bv2, Ws2, bs2):
    src, dst = edge_index[0], edge_index[1]
    h = _tconv(x, src, dst, Wq1, bq1, Wk1, bk1, Wv1, bv1, Ws1, bs1, 4, 32, True)
    h = jax.nn.elu(h)
    out = _tconv(h, src, dst, Wq2, bq2, Wk2, bk2, Wv2, bv2, Ws2, bs2, 1, 32, False)
    return out

if __name__ == "__main__":
    import jax
    _d = setup_inputs()
    print(jax.jit(kernel)(*tuple(_d.values())))

</pallas_src>

<mosaic_0001>
#map = affine_map<(d0, d1) -> (0)>
#map1 = affine_map<(d0, d1) -> (0, 0)>
#map2 = affine_map<(d0, d1) -> (0, 0, 0)>
module attributes {stable_mosaic.version = 14 : i64} {
  func.func @sc_k(%arg0: i32, %arg1: i32, %arg2: memref<320000xi32, #tpu.memory_space<hbm>>, %arg3: memref<320000xi32, #tpu.memory_space<hbm>>, %arg4: memref<10000x32xf32, #tpu.memory_space<hbm>>, %arg5: memref<10000x32xf32, #tpu.memory_space<hbm>>, %arg6: memref<10000x32xf32, #tpu.memory_space<hbm>>, %arg7: memref<2x5128x48xf32, #tpu.memory_space<hbm>>, %arg8: memref<80xi32, #tpu.memory_space<vmem>>, %arg9: memref<80xi32, #tpu.memory_space<vmem>>, %arg10: memref<80xi32, #tpu.memory_space<vmem>>, %arg11: memref<80x32xf32, #tpu.memory_space<vmem>>, %arg12: memref<80x32xf32, #tpu.memory_space<vmem>>, %arg13: memref<80x32xf32, #tpu.memory_space<vmem>>, %arg14: memref<80x48xf32, #tpu.memory_space<vmem>>, %arg15: memref<64x48xf32, #tpu.memory_space<vmem>>, %arg16: memref<5128x48xf32, #tpu.memory_space<vmem_shared>>, %arg17: memref<!tpu.dma_semaphore, #tpu.memory_space<semaphore_mem>>) attributes {dimension_semantics = [#tpu.dimension_semantics<core_parallel>, #tpu.dimension_semantics<subcore_parallel>], iteration_bounds = array<i64: 2, 16>, scalar_prefetch = 0 : i64, scratch_operands = 10 : i64, tpu.core_type = #tpu.core_type<sc_vector_subcore>, window_params = [{transform_indices = #map}, {transform_indices = #map}, {transform_indices = #map1}, {transform_indices = #map1}, {transform_indices = #map1}, {transform_indices = #map2}]} {
    %broadcast_in_dim3A = arith.constant 0.000000e+00 : f32
    %broadcast_in_dim3A_0 = vector.broadcast %broadcast_in_dim3A : f32 to vector<16xf32>
    %iota3A = tpu.iota {dimensions = array<i32: 0>} : vector<16xi32>
    %scan3A = arith.constant 0 : i32
    %scan3A_1 = arith.constant 0 : i32
    %scan3A_2 = arith.constant 64 : i32
    %scan3A_3 = arith.addi %scan3A_1, %scan3A_2 : i32
    %scan3A_4 = arith.constant 1 : i32
    scf.for %scan3A_27 = %scan3A_1 to %scan3A_3 step %scan3A_4  : i32 {
      %swap3A = arith.index_cast %scan3A_27 : i32 to index
      %swap3A_28 = arith.constant 0 : index
      %swap3A_29 = tpu.vector_load %arg15[%swap3A, %swap3A_28] {strides = array<i32>} : memref<64x48xf32, #tpu.memory_space<vmem>>, vector<1x16xf32>,
      %swap3A_30 = vector.shape_cast %swap3A_29 : vector<1x16xf32> to vector<16xf32>
      %swap3A_31 = vector.shape_cast %broadcast_in_dim3A_0 : vector<16xf32> to vector<1x16xf32>
      tpu.vector_store %arg15[%swap3A, %swap3A_28], %swap3A_31 {strides = array<i32>} : memref<64x48xf32, #tpu.memory_space<vmem>>, vector<1x16xf32>,
      %swap3A_32 = arith.index_cast %scan3A_27 : i32 to index
      %swap3A_33 = arith.constant 16 : index
      %swap3A_34 = tpu.vector_load %arg15[%swap3A_32, %swap3A_33] {strides = array<i32>} : memref<64x48xf32, #tpu.memory_space<vmem>>, vector<1x16xf32>,
      %swap3A_35 = vector.shape_cast %swap3A_34 : vector<1x16xf32> to vector<16xf32>
      %swap3A_36 = vector.shape_cast %broadcast_in_dim3A_0 : vector<16xf32> to vector<1x16xf32>
      tpu.vector_store %arg15[%swap3A_32, %swap3A_33], %swap3A_36 {strides = array<i32>} : memref<64x48xf32, #tpu.memory_space<vmem>>, vector<1x16xf32>,
      %swap3A_37 = arith.index_cast %scan3A_27 : i32 to index
      %swap3A_38 = arith.constant 32 : index
      %swap3A_39 = tpu.vector_load %arg15[%swap3A_37, %swap3A_38] {strides = array<i32>} : memref<64x48xf32, #tpu.memory_space<vmem>>, vector<1x16xf32>,
      %swap3A_40 = vector.shape_cast %swap3A_39 : vector<1x16xf32> to vector<16xf32>
      %swap3A_41 = vector.shape_cast %broadcast_in_dim3A_0 : vector<16xf32> to vector<1x16xf32>
      tpu.vector_store %arg15[%swap3A_37, %swap3A_38], %swap3A_41 {strides = array<i32>} : memref<64x48xf32, #tpu.memory_space<vmem>>, vector<1x16xf32>,
    }
    %scan3A_5 = arith.constant 64 : i32
    %mul3A = arith.constant 320 : i32
    %mul3A_6 = arith.muli %arg1, %mul3A : i32
    %add3A = arith.constant 0 : i32
    %add3A_7 = arith.addi %mul3A_6, %add3A : i32
    "tpu.region"() ({
      %run_scoped3A = tpu.sem_alloc : memref<!tpu.dma_semaphore, #tpu.memory_space<semaphore_mem>>
      %dma_start3A = arith.constant 0 : i32
      %dma_start3A_27 = tpu.memref_slice %arg16[%add3A_7, %dma_start3A] : memref<5128x48xf32, #tpu.memory_space<vmem_shared>> -> memref<64x48xf32, #tpu.memory_space<vmem_shared>>
      %dma_start3A_28 = arith.constant 0 : i32
      %dma_start3A_29 = tpu.memref_slice %arg16[%add3A_7, %dma_start3A_28] : memref<5128x48xf32, #tpu.memory_space<vmem_shared>> -> memref<64x48xf32, #tpu.memory_space<vmem_shared>>
      tpu.enqueue_dma source(%arg15 : memref<64x48xf32, #tpu.memory_space<vmem>>) target(%dma_start3A_29 : memref<64x48xf32, #tpu.memory_space<vmem_shared>>) target_semaphore(%run_scoped3A : memref<!tpu.dma_semaphore, #tpu.memory_space<semaphore_mem>>)
      %dma_wait3A = arith.constant 0 : i32
      %dma_wait3A_30 = tpu.memref_slice %arg16[%add3A_7, %dma_wait3A] : memref<5128x48xf32, #tpu.memory_space<vmem_shared>> -> memref<64x48xf32, #tpu.memory_space<vmem_shared>>
      %dma_wait3A_31 = arith.constant 0 : i32
      %dma_wait3A_32 = tpu.memref_slice %arg16[%add3A_7, %dma_wait3A_31] : memref<5128x48xf32, #tpu.memory_space<vmem_shared>> -> memref<64x48xf32, #tpu.memory_space<vmem_shared>>
      tpu.wait_dma2 semaphore(%run_scoped3A : memref<!tpu.dma_semaphore, #tpu.memory_space<semaphore_mem>>) src(%arg15 : memref<64x48xf32, #tpu.memory_space<vmem>>) dst(%dma_wait3A_32 : memref<64x48xf32, #tpu.memory_space<vmem_shared>>)
      tpu.yield
    }) : () -> ()
    %add3A_8 = arith.constant 64 : i32
    %add3A_9 = arith.addi %mul3A_6, %add3A_8 : i32
    "tpu.region"() ({
      %run_scoped3A = tpu.sem_alloc : memref<!tpu.dma_semaphore, #tpu.memory_space<semaphore_mem>>
      %dma_start3A = arith.constant 0 : i32
      %dma_start3A_27 = tpu.memref_slice %arg16[%add3A_9, %dma_start3A] : memref<5128x48xf32, #tpu.memory_space<vmem_shared>> -> memref<64x48xf32, #tpu.memory_space<vmem_shared>>
      %dma_start3A_28 = arith.constant 0 : i32
      %dma_start3A_29 = tpu.memref_slice %arg16[%add3A_9, %dma_start3A_28] : memref<5128x48xf32, #tpu.memory_space<vmem_shared>> -> memref<64x48xf32, #tpu.memory_space<vmem_shared>>
      tpu.enqueue_dma source(%arg15 : memref<64x48xf32, #tpu.memory_space<vmem>>) target(%dma_start3A_29 : memref<64x48xf32, #tpu.memory_space<vmem_shared>>) target_semaphore(%run_scoped3A : memref<!tpu.dma_semaphore, #tpu.memory_space<semaphore_mem>>)
      %dma_wait3A = arith.constant 0 : i32
      %dma_wait3A_30 = tpu.memref_slice %arg16[%add3A_9, %dma_wait3A] : memref<5128x48xf32, #tpu.memory_space<vmem_shared>> -> memref<64x48xf32, #tpu.memory_space<vmem_shared>>
      %dma_wait3A_31 = arith.constant 0 : i32
      %dma_wait3A_32 = tpu.memref_slice %arg16[%add3A_9, %dma_wait3A_31] : memref<5128x48xf32, #tpu.memory_space<vmem_shared>> -> memref<64x48xf32, #tpu.memory_space<vmem_shared>>
      tpu.wait_dma2 semaphore(%run_scoped3A : memref<!tpu.dma_semaphore, #tpu.memory_space<semaphore_mem>>) src(%arg15 : memref<64x48xf32, #tpu.memory_space<vmem>>) dst(%dma_wait3A_32 : memref<64x48xf32, #tpu.memory_space<vmem_shared>>)
      tpu.yield
    }) : () -> ()
    %add3A_10 = arith.constant 128 : i32
    %add3A_11 = arith.addi %mul3A_6, %add3A_10 : i32
    "tpu.region"() ({
      %run_scoped3A = tpu.sem_alloc : memref<!tpu.dma_semaphore, #tpu.memory_space<semaphore_mem>>
      %dma_start3A = arith.constant 0 : i32
      %dma_start3A_27 = tpu.memref_slice %arg16[%add3A_11, %dma_start3A] : memref<5128x48xf32, #tpu.memory_space<vmem_shared>> -> memref<64x48xf32, #tpu.memory_space<vmem_shared>>
      %dma_start3A_28 = arith.constant 0 : i32
      %dma_start3A_29 = tpu.memref_slice %arg16[%add3A_11, %dma_start3A_28] : memref<5128x48xf32, #tpu.memory_space<vmem_shared>> -> memref<64x48xf32, #tpu.memory_space<vmem_shared>>
      tpu.enqueue_dma source(%arg15 : memref<64x48xf32, #tpu.memory_space<vmem>>) target(%dma_start3A_29 : memref<64x48xf32, #tpu.memory_space<vmem_shared>>) target_semaphore(%run_scoped3A : memref<!tpu.dma_semaphore, #tpu.memory_space<semaphore_mem>>)
      %dma_wait3A = arith.constant 0 : i32
      %dma_wait3A_30 = tpu.memref_slice %arg16[%add3A_11, %dma_wait3A] : memref<5128x48xf32, #tpu.memory_space<vmem_shared>> -> memref<64x48xf32, #tpu.memory_space<vmem_shared>>
      %dma_wait3A_31 = arith.constant 0 : i32
      %dma_wait3A_32 = tpu.memref_slice %arg16[%add3A_11, %dma_wait3A_31] : memref<5128x48xf32, #tpu.memory_space<vmem_shared>> -> memref<64x48xf32, #tpu.memory_space<vmem_shared>>
      tpu.wait_dma2 semaphore(%run_scoped3A : memref<!tpu.dma_semaphore, #tpu.memory_space<semaphore_mem>>) src(%arg15 : memref<64x48xf32, #tpu.memory_space<vmem>>) dst(%dma_wait3A_32 : memref<64x48xf32, #tpu.memory_space<vmem_shared>>)
      tpu.yield
    }) : () -> ()
    %add3A_12 = arith.constant 192 : i32
    %add3A_13 = arith.addi %mul3A_6, %add3A_12 : i32
    "tpu.region"() ({
      %run_scoped3A = tpu.sem_alloc : memref<!tpu.dma_semaphore, #tpu.memory_space<semaphore_mem>>
      %dma_start3A = arith.constant 0 : i32
      %dma_start3A_27 = tpu.memref_slice %arg16[%add3A_13, %dma_start3A] : memref<5128x48xf32, #tpu.memory_space<vmem_shared>> -> memref<64x48xf32, #tpu.memory_space<vmem_shared>>
      %dma_start3A_28 = arith.constant 0 : i32
      %dma_start3A_29 = tpu.memref_slice %arg16[%add3A_13, %dma_start3A_28] : memref<5128x48xf32, #tpu.memory_space<vmem_shared>> -> memref<64x48xf32, #tpu.memory_space<vmem_shared>>
      tpu.enqueue_dma source(%arg15 : memref<64x48xf32, #tpu.memory_space<vmem>>) target(%dma_start3A_29 : memref<64x48xf32, #tpu.memory_space<vmem_shared>>) target_semaphore(%run_scoped3A : memref<!tpu.dma_semaphore, #tpu.memory_space<semaphore_mem>>)
      %dma_wait3A = arith.constant 0 : i32
      %dma_wait3A_30 = tpu.memref_slice %arg16[%add3A_13, %dma_wait3A] : memref<5128x48xf32, #tpu.memory_space<vmem_shared>> -> memref<64x48xf32, #tpu.memory_space<vmem_shared>>
      %dma_wait3A_31 = arith.constant 0 : i32
      %dma_wait3A_32 = tpu.memref_slice %arg16[%add3A_13, %dma_wait3A_31] : memref<5128x48xf32, #tpu.memory_space<vmem_shared>> -> memref<64x48xf32, #tpu.memory_space<vmem_shared>>
      tpu.wait_dma2 semaphore(%run_scoped3A : memref<!tpu.dma_semaphore, #tpu.memory_space<semaphore_mem>>) src(%arg15 : memref<64x48xf32, #tpu.memory_space<vmem>>) dst(%dma_wait3A_32 : memref<64x48xf32, #tpu.memory_space<vmem_shared>>)
      tpu.yield
    }) : () -> ()
    %add3A_14 = arith.constant 256 : i32
    %add3A_15 = arith.addi %mul3A_6, %add3A_14 : i32
    "tpu.region"() ({
      %run_scoped3A = tpu.sem_alloc : memref<!tpu.dma_semaphore, #tpu.memory_space<semaphore_mem>>
      %dma_start3A = arith.constant 0 : i32
      %dma_start3A_27 = tpu.memref_slice %arg16[%add3A_15, %dma_start3A] : memref<5128x48xf32, #tpu.memory_space<vmem_shared>> -> memref<64x48xf32, #tpu.memory_space<vmem_shared>>
      %dma_start3A_28 = arith.constant 0 : i32
      %dma_start3A_29 = tpu.memref_slice %arg16[%add3A_15, %dma_start3A_28] : memref<5128x48xf32, #tpu.memory_space<vmem_shared>> -> memref<64x48xf32, #tpu.memory_space<vmem_shared>>
      tpu.enqueue_dma source(%arg15 : memref<64x48xf32, #tpu.memory_space<vmem>>) target(%dma_start3A_29 : memref<64x48xf32, #tpu.memory_space<vmem_shared>>) target_semaphore(%run_scoped3A : memref<!tpu.dma_semaphore, #tpu.memory_space<semaphore_mem>>)
      %dma_wait3A = arith.constant 0 : i32
      %dma_wait3A_30 = tpu.memref_slice %arg16[%add3A_15, %dma_wait3A] : memref<5128x48xf32, #tpu.memory_space<vmem_shared>> -> memref<64x48xf32, #tpu.memory_space<vmem_shared>>
      %dma_wait3A_31 = arith.constant 0 : i32
      %dma_wait3A_32 = tpu.memref_slice %arg16[%add3A_15, %dma_wait3A_31] : memref<5128x48xf32, #tpu.memory_space<vmem_shared>> -> memref<64x48xf32, #tpu.memory_space<vmem_shared>>
      tpu.wait_dma2 semaphore(%run_scoped3A : memref<!tpu.dma_semaphore, #tpu.memory_space<semaphore_mem>>) src(%arg15 : memref<64x48xf32, #tpu.memory_space<vmem>>) dst(%dma_wait3A_32 : memref<64x48xf32, #tpu.memory_space<vmem_shared>>)
      tpu.yield
    }) : () -> ()
    %barrier3A = arith.constant 0 : index
    tpu.barrier barrier_id(%barrier3A)
    %mul3A_16 = arith.constant 20000 : i32
    %mul3A_17 = arith.muli %arg1, %mul3A_16 : i32
    %mul3A_18 = arith.constant 5120 : i32
    %mul3A_19 = arith.muli %arg0, %mul3A_18 : i32
    %scan3A_20 = arith.constant 0 : i32
    %scan3A_21 = arith.constant 0 : i32
    %scan3A_22 = arith.constant 250 : i32
    %scan3A_23 = arith.addi %scan3A_21, %scan3A_22 : i32
    %scan3A_24 = arith.constant 1 : i32
    scf.for %scan3A_27 = %scan3A_21 to %scan3A_23 step %scan3A_24  : i32 {
      %mul3A_28 = arith.constant 80 : i32
      %mul3A_29 = arith.muli %scan3A_27, %mul3A_28 : i32
      %add3A_30 = arith.addi %mul3A_17, %mul3A_29 : i32
      "tpu.region"() ({
        %run_scoped3A = tpu.sem_alloc : memref<!tpu.dma_semaphore, #tpu.memory_space<semaphore_mem>>
        %dma_start3A_136 = tpu.memref_slice %arg2[%add3A_30] : memref<320000xi32, #tpu.memory_space<hbm>> -> memref<80xi32, #tpu.memory_space<hbm>>
        %dma_start3A_137 = tpu.memref_slice %arg2[%add3A_30] : memref<320000xi32, #tpu.memory_space<hbm>> -> memref<80xi32, #tpu.memory_space<hbm>>
        tpu.enqueue_dma source(%dma_start3A_137 : memref<80xi32, #tpu.memory_space<hbm>>) target(%arg8 : memref<80xi32, #tpu.memory_space<vmem>>) target_semaphore(%run_scoped3A : memref<!tpu.dma_semaphore, #tpu.memory_space<semaphore_mem>>)
        %dma_wait3A_138 = tpu.memref_slice %arg2[%add3A_30] : memref<320000xi32, #tpu.memory_space<hbm>> -> memref<80xi32, #tpu.memory_space<hbm>>
        %dma_wait3A_139 = tpu.memref_slice %arg2[%add3A_30] : memref<320000xi32, #tpu.memory_space<hbm>> -> memref<80xi32, #tpu.memory_space<hbm>>
        tpu.wait_dma2 semaphore(%run_scoped3A : memref<!tpu.dma_semaphore, #tpu.memory_space<semaphore_mem>>) src(%dma_wait3A_139 : memref<80xi32, #tpu.memory_space<hbm>>) dst(%arg8 : memref<80xi32, #tpu.memory_space<vmem>>)
        tpu.yield
      }) : () -> ()
      "tpu.region"() ({
        %run_scoped3A = tpu.sem_alloc : memref<!tpu.dma_semaphore, #tpu.memory_space<semaphore_mem>>
        %dma_start3A_136 = tpu.memref_slice %arg3[%add3A_30] : memref<320000xi32, #tpu.memory_space<hbm>> -> memref<80xi32, #tpu.memory_space<hbm>>
        %dma_start3A_137 = tpu.memref_slice %arg3[%add3A_30] : memref<320000xi32, #tpu.memory_space<hbm>> -> memref<80xi32, #tpu.memory_space<hbm>>
        tpu.enqueue_dma source(%dma_start3A_137 : memref<80xi32, #tpu.memory_space<hbm>>) target(%arg9 : memref<80xi32, #tpu.memory_space<vmem>>) target_semaphore(%run_scoped3A : memref<!tpu.dma_semaphore, #tpu.memory_space<semaphore_mem>>)
        %dma_wait3A_138 = tpu.memref_slice %arg3[%add3A_30] : memref<320000xi32, #tpu.memory_space<hbm>> -> memref<80xi32, #tpu.memory_space<hbm>>
        %dma_wait3A_139 = tpu.memref_slice %arg3[%add3A_30] : memref<320000xi32, #tpu.memory_space<hbm>> -> memref<80xi32, #tpu.memory_space<hbm>>
        tpu.wait_dma2 semaphore(%run_scoped3A : memref<!tpu.dma_semaphore, #tpu.memory_space<semaphore_mem>>) src(%dma_wait3A_139 : memref<80xi32, #tpu.memory_space<hbm>>) dst(%arg9 : memref<80xi32, #tpu.memory_space<vmem>>)
        tpu.yield
      }) : () -> ()
      %dma_start3A = arith.constant 0 : i32
      %dma_start3A_31 = arith.constant 0 : i32
      %dma_start3A_32 = tpu.memref_slice %arg4[%dma_start3A, %dma_start3A_31] : memref<10000x32xf32, #tpu.memory_space<hbm>> -> memref<10000x32xf32, #tpu.memory_space<hbm>>
      tpu.enqueue_indirect_dma source(%dma_start3A_32 : memref<10000x32xf32, #tpu.memory_space<hbm>>) target(%arg11 : memref<80x32xf32, #tpu.memory_space<vmem>>) offsets(%arg9 : memref<80xi32, #tpu.memory_space<vmem>>) semaphore(%arg17 : memref<!tpu.dma_semaphore, #tpu.memory_space<semaphore_mem>>)
      %dma_start3A_33 = arith.constant 0 : i32
      %dma_start3A_34 = arith.constant 0 : i32
      %dma_start3A_35 = tpu.memref_slice %arg5[%dma_start3A_33, %dma_start3A_34] : memref<10000x32xf32, #tpu.memory_space<hbm>> -> memref<10000x32xf32, #tpu.memory_space<hbm>>
      tpu.enqueue_indirect_dma source(%dma_start3A_35 : memref<10000x32xf32, #tpu.memory_space<hbm>>) target(%arg12 : memref<80x32xf32, #tpu.memory_space<vmem>>) offsets(%arg8 : memref<80xi32, #tpu.memory_space<vmem>>) semaphore(%arg17 : memref<!tpu.dma_semaphore, #tpu.memory_space<semaphore_mem>>)
      %dma_start3A_36 = arith.constant 0 : i32
      %dma_start3A_37 = arith.constant 0 : i32
      %dma_start3A_38 = tpu.memref_slice %arg6[%dma_start3A_36, %dma_start3A_37] : memref<10000x32xf32, #tpu.memory_space<hbm>> -> memref<10000x32xf32, #tpu.memory_space<hbm>>
      tpu.enqueue_indirect_dma source(%dma_start3A_38 : memref<10000x32xf32, #tpu.memory_space<hbm>>) target(%arg13 : memref<80x32xf32, #tpu.memory_space<vmem>>) offsets(%arg8 : memref<80xi32, #tpu.memory_space<vmem>>) semaphore(%arg17 : memref<!tpu.dma_semaphore, #tpu.memory_space<semaphore_mem>>)
      %get3A = arith.constant 0 : index
      %get3A_39 = tpu.vector_load %arg9[%get3A] {strides = array<i32>} : memref<80xi32, #tpu.memory_space<vmem>>, vector<16xi32>,
      %get3A_40 = vector.shape_cast %get3A_39 : vector<16xi32> to vector<16xi32>
      %sub3A = vector.broadcast %mul3A_19 : i32 to vector<16xi32>
      %sub3A_41 = arith.subi %get3A_40, %sub3A : vector<16xi32>
      %ge3A = arith.constant 0 : i32
      %ge3A_42 = vector.broadcast %ge3A : i32 to vector<16xi32>
      %ge3A_43 = arith.cmpi sge, %sub3A_41, %ge3A_42 : vector<16xi32>
      %lt3A = arith.constant 5120 : i32
      %lt3A_44 = vector.broadcast %lt3A : i32 to vector<16xi32>
      %lt3A_45 = arith.cmpi slt, %sub3A_41, %lt3A_44 : vector<16xi32>
      %and3A = arith.andi %ge3A_43, %lt3A_45 : vector<16xi1>
      %jit3A = arith.constant 5120 : i32
      %broadcast_in_dim3A_46 = vector.broadcast %jit3A : i32 to vector<16xi32>
      %select_n3A = arith.select %and3A, %sub3A_41, %broadcast_in_dim3A_46 : vector<16xi1>, vector<16xi32>
      %swap3A = arith.constant 0 : index
      %swap3A_47 = tpu.vector_load %arg10[%swap3A] {strides = array<i32>} : memref<80xi32, #tpu.memory_space<vmem>>, vector<16xi32>,
      %swap3A_48 = vector.shape_cast %swap3A_47 : vector<16xi32> to vector<16xi32>
      %swap3A_49 = vector.shape_cast %select_n3A : vector<16xi32> to vector<16xi32>
      tpu.vector_store %arg10[%swap3A], %swap3A_49 {strides = array<i32>} : memref<80xi32, #tpu.memory_space<vmem>>, vector<16xi32>,
      %get3A_50 = arith.constant 16 : index
      %get3A_51 = tpu.vector_load %arg9[%get3A_50] {strides = array<i32>} : memref<80xi32, #tpu.memory_space<vmem>>, vector<16xi32>,
      %get3A_52 = vector.shape_cast %get3A_51 : vector<16xi32> to vector<16xi32>
      %sub3A_53 = vector.broadcast %mul3A_19 : i32 to vector<16xi32>
      %sub3A_54 = arith.subi %get3A_52, %sub3A_53 : vector<16xi32>
      %ge3A_55 = arith.constant 0 : i32
      %ge3A_56 = vector.broadcast %ge3A_55 : i32 to vector<16xi32>
      %ge3A_57 = arith.cmpi sge, %sub3A_54, %ge3A_56 : vector<16xi32>
      %lt3A_58 = arith.constant 5120 : i32
      %lt3A_59 = vector.broadcast %lt3A_58 : i32 to vector<16xi32>
      %lt3A_60 = arith.cmpi slt, %sub3A_54, %lt3A_59 : vector<16xi32>
      %and3A_61 = arith.andi %ge3A_57, %lt3A_60 : vector<16xi1>
      %jit3A_62 = arith.constant 5120 : i32
      %broadcast_in_dim3A_63 = vector.broadcast %jit3A_62 : i32 to vector<16xi32>
      %select_n3A_64 = arith.select %and3A_61, %sub3A_54, %broadcast_in_dim3A_63 : vector<16xi1>, vector<16xi32>
      %swap3A_65 = arith.constant 16 : index
      %swap3A_66 = tpu.vector_load %arg10[%swap3A_65] {strides = array<i32>} : memref<80xi32, #tpu.memory_space<vmem>>, vector<16xi32>,
      %swap3A_67 = vector.shape_cast %swap3A_66 : vector<16xi32> to vector<16xi32>
      %swap3A_68 = vector.shape_cast %select_n3A_64 : vector<16xi32> to vector<16xi32>
      tpu.vector_store %arg10[%swap3A_65], %swap3A_68 {strides = array<i32>} : memref<80xi32, #tpu.memory_space<vmem>>, vector<16xi32>,
      %get3A_69 = arith.constant 32 : index
      %get3A_70 = tpu.vector_load %arg9[%get3A_69] {strides = array<i32>} : memref<80xi32, #tpu.memory_space<vmem>>, vector<16xi32>,
      %get3A_71 = vector.shape_cast %get3A_70 : vector<16xi32> to vector<16xi32>
      %sub3A_72 = vector.broadcast %mul3A_19 : i32 to vector<16xi32>
      %sub3A_73 = arith.subi %get3A_71, %sub3A_72 : vector<16xi32>
      %ge3A_74 = arith.constant 0 : i32
      %ge3A_75 = vector.broadcast %ge3A_74 : i32 to vector<16xi32>
      %ge3A_76 = arith.cmpi sge, %sub3A_73, %ge3A_75 : vector<16xi32>
      %lt3A_77 = arith.constant 5120 : i32
      %lt3A_78 = vector.broadcast %lt3A_77 : i32 to vector<16xi32>
      %lt3A_79 = arith.cmpi slt, %sub3A_73, %lt3A_78 : vector<16xi32>
      %and3A_80 = arith.andi %ge3A_76, %lt3A_79 : vector<16xi1>
      %jit3A_81 = arith.constant 5120 : i32
      %broadcast_in_dim3A_82 = vector.broadcast %jit3A_81 : i32 to vector<16xi32>
      %select_n3A_83 = arith.select %and3A_80, %sub3A_73, %broadcast_in_dim3A_82 : vector<16xi1>, vector<16xi32>
      %swap3A_84 = arith.constant 32 : index
      %swap3A_85 = tpu.vector_load %arg10[%swap3A_84] {strides = array<i32>} : memref<80xi32, #tpu.memory_space<vmem>>, vector<16xi32>,
      %swap3A_86 = vector.shape_cast %swap3A_85 : vector<16xi32> to vector<16xi32>
      %swap3A_87 = vector.shape_cast %select_n3A_83 : vector<16xi32> to vector<16xi32>
      tpu.vector_store %arg10[%swap3A_84], %swap3A_87 {strides = array<i32>} : memref<80xi32, #tpu.memory_space<vmem>>, vector<16xi32>,
      %get3A_88 = arith.constant 48 : index
      %get3A_89 = tpu.vector_load %arg9[%get3A_88] {strides = array<i32>} : memref<80xi32, #tpu.memory_space<vmem>>, vector<16xi32>,
      %get3A_90 = vector.shape_cast %get3A_89 : vector<16xi32> to vector<16xi32>
      %sub3A_91 = vector.broadcast %mul3A_19 : i32 to vector<16xi32>
      %sub3A_92 = arith.subi %get3A_90, %sub3A_91 : vector<16xi32>
      %ge3A_93 = arith.constant 0 : i32
      %ge3A_94 = vector.broadcast %ge3A_93 : i32 to vector<16xi32>
      %ge3A_95 = arith.cmpi sge, %sub3A_92, %ge3A_94 : vector<16xi32>
      %lt3A_96 = arith.constant 5120 : i32
      %lt3A_97 = vector.broadcast %lt3A_96 : i32 to vector<16xi32>
      %lt3A_98 = arith.cmpi slt, %sub3A_92, %lt3A_97 : vector<16xi32>
      %and3A_99 = arith.andi %ge3A_95, %lt3A_98 : vector<16xi1>
      %jit3A_100 = arith.constant 5120 : i32
      %broadcast_in_dim3A_101 = vector.broadcast %jit3A_100 : i32 to vector<16xi32>
      %select_n3A_102 = arith.select %and3A_99, %sub3A_92, %broadcast_in_dim3A_101 : vector<16xi1>, vector<16xi32>
      %swap3A_103 = arith.constant 48 : index
      %swap3A_104 = tpu.vector_load %arg10[%swap3A_103] {strides = array<i32>} : memref<80xi32, #tpu.memory_space<vmem>>, vector<16xi32>,
      %swap3A_105 = vector.shape_cast %swap3A_104 : vector<16xi32> to vector<16xi32>
      %swap3A_106 = vector.shape_cast %select_n3A_102 : vector<16xi32> to vector<16xi32>
      tpu.vector_store %arg10[%swap3A_103], %swap3A_106 {strides = array<i32>} : memref<80xi32, #tpu.memory_space<vmem>>, vector<16xi32>,
      %get3A_107 = arith.constant 64 : index
      %get3A_108 = tpu.vector_load %arg9[%get3A_107] {strides = array<i32>} : memref<80xi32, #tpu.memory_space<vmem>>, vector<16xi32>,
      %get3A_109 = vector.shape_cast %get3A_108 : vector<16xi32> to vector<16xi32>
      %sub3A_110 = vector.broadcast %mul3A_19 : i32 to vector<16xi32>
      %sub3A_111 = arith.subi %get3A_109, %sub3A_110 : vector<16xi32>
      %ge3A_112 = arith.constant 0 : i32
      %ge3A_113 = vector.broadcast %ge3A_112 : i32 to vector<16xi32>
      %ge3A_114 = arith.cmpi sge, %sub3A_111, %ge3A_113 : vector<16xi32>
      %lt3A_115 = arith.constant 5120 : i32
      %lt3A_116 = vector.broadcast %lt3A_115 : i32 to vector<16xi32>
      %lt3A_117 = arith.cmpi slt, %sub3A_111, %lt3A_116 : vector<16xi32>
      %and3A_118 = arith.andi %ge3A_114, %lt3A_117 : vector<16xi1>
      %jit3A_119 = arith.constant 5120 : i32
      %broadcast_in_dim3A_120 = vector.broadcast %jit3A_119 : i32 to vector<16xi32>
      %select_n3A_121 = arith.select %and3A_118, %sub3A_111, %broadcast_in_dim3A_120 : vector<16xi1>, vector<16xi32>
      %swap3A_122 = arith.constant 64 : index
      %swap3A_123 = tpu.vector_load %arg10[%swap3A_122] {strides = array<i32>} : memref<80xi32, #tpu.memory_space<vmem>>, vector<16xi32>,
      %swap3A_124 = vector.shape_cast %swap3A_123 : vector<16xi32> to vector<16xi32>
      %swap3A_125 = vector.shape_cast %select_n3A_121 : vector<16xi32> to vector<16xi32>
      tpu.vector_store %arg10[%swap3A_122], %swap3A_125 {strides = array<i32>} : memref<80xi32, #tpu.memory_space<vmem>>, vector<16xi32>,
      %dma_wait3A = arith.constant 0 : i32
      %dma_wait3A_126 = arith.constant 0 : i32
      %dma_wait3A_127 = tpu.memref_slice %arg4[%dma_wait3A, %dma_wait3A_126] : memref<10000x32xf32, #tpu.memory_space<hbm>> -> memref<10000x32xf32, #tpu.memory_space<hbm>>
      tpu.wait_indirect_dma semaphore(%arg17 : memref<!tpu.dma_semaphore, #tpu.memory_space<semaphore_mem>>) src(%dma_wait3A_127 : memref<10000x32xf32, #tpu.memory_space<hbm>>) dst(%arg11 : memref<80x32xf32, #tpu.memory_space<vmem>>)
      %dma_wait3A_128 = arith.constant 0 : i32
      %dma_wait3A_129 = arith.constant 0 : i32
      %dma_wait3A_130 = tpu.memref_slice %arg5[%dma_wait3A_128, %dma_wait3A_129] : memref<10000x32xf32, #tpu.memory_space<hbm>> -> memref<10000x32xf32, #tpu.memory_space<hbm>>
      tpu.wait_indirect_dma semaphore(%arg17 : memref<!tpu.dma_semaphore, #tpu.memory_space<semaphore_mem>>) src(%dma_wait3A_130 : memref<10000x32xf32, #tpu.memory_space<hbm>>) dst(%arg12 : memref<80x32xf32, #tpu.memory_space<vmem>>)
      %dma_wait3A_131 = arith.constant 0 : i32
      %dma_wait3A_132 = arith.constant 0 : i32
      %dma_wait3A_133 = tpu.memref_slice %arg6[%dma_wait3A_131, %dma_wait3A_132] : memref<10000x32xf32, #tpu.memory_space<hbm>> -> memref<10000x32xf32, #tpu.memory_space<hbm>>
      tpu.wait_indirect_dma semaphore(%arg17 : memref<!tpu.dma_semaphore, #tpu.memory_space<semaphore_mem>>) src(%dma_wait3A_133 : memref<10000x32xf32, #tpu.memory_space<hbm>>) dst(%arg13 : memref<80x32xf32, #tpu.memory_space<vmem>>)
      %parallel_loop3A = arith.constant 0 : i32
      %parallel_loop3A_134 = arith.constant 80 : i32
      %parallel_loop3A_135 = arith.constant 1 : i32
      scf.for %parallel_loop3A_136 = %parallel_loop3A to %parallel_loop3A_134 step %parallel_loop3A_135  : i32 {
        %parallel_loop3A_137 = arith.index_cast %parallel_loop3A_136 : i32 to index
        %parallel_loop3A_138 = arith.constant 0 : index
        %parallel_loop3A_139 = tpu.vector_load %arg11[%parallel_loop3A_137, %parallel_loop3A_138] {strides = array<i32>} : memref<80x32xf32, #tpu.memory_space<vmem>>, vector<1x16xf32>,
        %parallel_loop3A_140 = vector.shape_cast %parallel_loop3A_139 : vector<1x16xf32> to vector<16xf32>
        %parallel_loop3A_141 = arith.index_cast %parallel_loop3A_136 : i32 to index
        %parallel_loop3A_142 = arith.constant 0 : index
        %parallel_loop3A_143 = tpu.vector_load %arg12[%parallel_loop3A_141, %parallel_loop3A_142] {strides = array<i32>} : memref<80x32xf32, #tpu.memory_space<vmem>>, vector<1x16xf32>,
        %parallel_loop3A_144 = vector.shape_cast %parallel_loop3A_143 : vector<1x16xf32> to vector<16xf32>
        %parallel_loop3A_145 = arith.mulf %parallel_loop3A_140, %parallel_loop3A_144 : vector<16xf32>
        %parallel_loop3A_146 = arith.index_cast %parallel_loop3A_136 : i32 to index
        %parallel_loop3A_147 = arith.constant 16 : index
        %parallel_loop3A_148 = tpu.vector_load %arg11[%parallel_loop3A_146, %parallel_loop3A_147] {strides = array<i32>} : memref<80x32xf32, #tpu.memory_space<vmem>>, vector<1x16xf32>,
        %parallel_loop3A_149 = vector.shape_cast %parallel_loop3A_148 : vector<1x16xf32> to vector<16xf32>
        %parallel_loop3A_150 = arith.index_cast %parallel_loop3A_136 : i32 to index
        %parallel_loop3A_151 = arith.constant 16 : index
        %parallel_loop3A_152 = tpu.vector_load %arg12[%parallel_loop3A_150, %parallel_loop3A_151] {strides = array<i32>} : memref<80x32xf32, #tpu.memory_space<vmem>>, vector<1x16xf32>,
        %parallel_loop3A_153 = vector.shape_cast %parallel_loop3A_152 : vector<1x16xf32> to vector<16xf32>
        %parallel_loop3A_154 = arith.mulf %parallel_loop3A_149, %parallel_loop3A_153 : vector<16xf32>
        %parallel_loop3A_155 = arith.addf %parallel_loop3A_145, %parallel_loop3A_154 : vector<16xf32>
        %parallel_loop3A_156 = tpu.iota {dimensions = array<i32: 0>} : vector<16xi32>
        %parallel_loop3A_157 = arith.constant 1 : i32
        %parallel_loop3A_158 = vector.broadcast %parallel_loop3A_157 : i32 to vector<16xi32>
        %parallel_loop3A_159 = arith.xori %parallel_loop3A_156, %parallel_loop3A_158 : vector<16xi32>
        %parallel_loop3A_160 = arith.constant 0 : i32
        %parallel_loop3A_161 = vector.broadcast %parallel_loop3A_160 : i32 to vector<16xi32>
        %parallel_loop3A_162 = arith.cmpi slt, %parallel_loop3A_159, %parallel_loop3A_161 : vector<16xi32>
        %parallel_loop3A_163 = arith.constant 16 : i32
        %parallel_loop3A_164 = vector.broadcast %parallel_loop3A_163 : i32 to vector<16xi32>
        %parallel_loop3A_165 = arith.addi %parallel_loop3A_159, %parallel_loop3A_164 : vector<16xi32>
        %parallel_loop3A_166 = arith.select %parallel_loop3A_162, %parallel_loop3A_165, %parallel_loop3A_159 : vector<16xi1>, vector<16xi32>
        %parallel_loop3A_167 = vector.shape_cast %parallel_loop3A_166 : vector<16xi32> to vector<16x1xi32>
        %parallel_loop3A_168 = vector.shape_cast %parallel_loop3A_167 : vector<16x1xi32> to vector<16xi32>
        %parallel_loop3A_169 = tpu.dynamic_gather %parallel_loop3A_155[%parallel_loop3A_168] in [0] : vector<16xf32>, vector<16xi32> -> vector<16xf32>
        %parallel_loop3A_170 = arith.addf %parallel_loop3A_155, %parallel_loop3A_169 : vector<16xf32>
        %parallel_loop3A_171 = arith.constant 2 : i32
        %parallel_loop3A_172 = vector.broadcast %parallel_loop3A_171 : i32 to vector<16xi32>
        %parallel_loop3A_173 = arith.xori %parallel_loop3A_156, %parallel_loop3A_172 : vector<16xi32>
        %parallel_loop3A_174 = arith.constant 0 : i32
        %parallel_loop3A_175 = vector.broadcast %parallel_loop3A_174 : i32 to vector<16xi32>
        %parallel_loop3A_176 = arith.cmpi slt, %parallel_loop3A_173, %parallel_loop3A_175 : vector<16xi32>
        %parallel_loop3A_177 = arith.constant 16 : i32
        %parallel_loop3A_178 = vector.broadcast %parallel_loop3A_177 : i32 to vector<16xi32>
        %parallel_loop3A_179 = arith.addi %parallel_loop3A_173, %parallel_loop3A_178 : vector<16xi32>
        %parallel_loop3A_180 = arith.select %parallel_loop3A_176, %parallel_loop3A_179, %parallel_loop3A_173 : vector<16xi1>, vector<16xi32>
        %parallel_loop3A_181 = vector.shape_cast %parallel_loop3A_180 : vector<16xi32> to vector<16x1xi32>
        %parallel_loop3A_182 = vector.shape_cast %parallel_loop3A_181 : vector<16x1xi32> to vector<16xi32>
        %parallel_loop3A_183 = tpu.dynamic_gather %parallel_loop3A_170[%parallel_loop3A_182] in [0] : vector<16xf32>, vector<16xi32> -> vector<16xf32>
        %parallel_loop3A_184 = arith.addf %parallel_loop3A_170, %parallel_loop3A_183 : vector<16xf32>
        %parallel_loop3A_185 = arith.constant 4 : i32
        %parallel_loop3A_186 = vector.broadcast %parallel_loop3A_185 : i32 to vector<16xi32>
        %parallel_loop3A_187 = arith.xori %parallel_loop3A_156, %parallel_loop3A_186 : vector<16xi32>
        %parallel_loop3A_188 = arith.constant 0 : i32
        %parallel_loop3A_189 = vector.broadcast %parallel_loop3A_188 : i32 to vector<16xi32>
        %parallel_loop3A_190 = arith.cmpi slt, %parallel_loop3A_187, %parallel_loop3A_189 : vector<16xi32>
        %parallel_loop3A_191 = arith.constant 16 : i32
        %parallel_loop3A_192 = vector.broadcast %parallel_loop3A_191 : i32 to vector<16xi32>
        %parallel_loop3A_193 = arith.addi %parallel_loop3A_187, %parallel_loop3A_192 : vector<16xi32>
        %parallel_loop3A_194 = arith.select %parallel_loop3A_190, %parallel_loop3A_193, %parallel_loop3A_187 : vector<16xi1>, vector<16xi32>
        %parallel_loop3A_195 = vector.shape_cast %parallel_loop3A_194 : vector<16xi32> to vector<16x1xi32>
        %parallel_loop3A_196 = vector.shape_cast %parallel_loop3A_195 : vector<16x1xi32> to vector<16xi32>
        %parallel_loop3A_197 = tpu.dynamic_gather %parallel_loop3A_184[%parallel_loop3A_196] in [0] : vector<16xf32>, vector<16xi32> -> vector<16xf32>
        %parallel_loop3A_198 = arith.addf %parallel_loop3A_184, %parallel_loop3A_197 : vector<16xf32>
        %parallel_loop3A_199 = arith.constant 8 : i32
        %parallel_loop3A_200 = vector.broadcast %parallel_loop3A_199 : i32 to vector<16xi32>
        %parallel_loop3A_201 = arith.xori %parallel_loop3A_156, %parallel_loop3A_200 : vector<16xi32>
        %parallel_loop3A_202 = arith.constant 0 : i32
        %parallel_loop3A_203 = vector.broadcast %parallel_loop3A_202 : i32 to vector<16xi32>
        %parallel_loop3A_204 = arith.cmpi slt, %parallel_loop3A_201, %parallel_loop3A_203 : vector<16xi32>
        %parallel_loop3A_205 = arith.constant 16 : i32
        %parallel_loop3A_206 = vector.broadcast %parallel_loop3A_205 : i32 to vector<16xi32>
        %parallel_loop3A_207 = arith.addi %parallel_loop3A_201, %parallel_loop3A_206 : vector<16xi32>
        %parallel_loop3A_208 = arith.select %parallel_loop3A_204, %parallel_loop3A_207, %parallel_loop3A_201 : vector<16xi1>, vector<16xi32>
        %parallel_loop3A_209 = vector.shape_cast %parallel_loop3A_208 : vector<16xi32> to vector<16x1xi32>
        %parallel_loop3A_210 = vector.shape_cast %parallel_loop3A_209 : vector<16x1xi32> to vector<16xi32>
        %parallel_loop3A_211 = tpu.dynamic_gather %parallel_loop3A_198[%parallel_loop3A_210] in [0] : vector<16xf32>, vector<16xi32> -> vector<16xf32>
        %parallel_loop3A_212 = arith.addf %parallel_loop3A_198, %parallel_loop3A_211 : vector<16xf32>
        %parallel_loop3A_213 = math.exp %parallel_loop3A_212 : vector<16xf32>
        %parallel_loop3A_214 = arith.index_cast %parallel_loop3A_136 : i32 to index
        %parallel_loop3A_215 = arith.constant 0 : index
        %parallel_loop3A_216 = tpu.vector_load %arg13[%parallel_loop3A_214, %parallel_loop3A_215] {strides = array<i32>} : memref<80x32xf32, #tpu.memory_space<vmem>>, vector<1x16xf32>,
        %parallel_loop3A_217 = vector.shape_cast %parallel_loop3A_216 : vector<1x16xf32> to vector<16xf32>
        %parallel_loop3A_218 = arith.mulf %parallel_loop3A_217, %parallel_loop3A_213 : vector<16xf32>
        %parallel_loop3A_219 = arith.index_cast %parallel_loop3A_136 : i32 to index
        %parallel_loop3A_220 = arith.constant 0 : index
        %parallel_loop3A_221 = tpu.vector_load %arg14[%parallel_loop3A_219, %parallel_loop3A_220] {strides = array<i32>} : memref<80x48xf32, #tpu.memory_space<vmem>>, vector<1x16xf32>,
        %parallel_loop3A_222 = vector.shape_cast %parallel_loop3A_221 : vector<1x16xf32> to vector<16xf32>
        %parallel_loop3A_223 = vector.shape_cast %parallel_loop3A_218 : vector<16xf32> to vector<1x16xf32>
        tpu.vector_store %arg14[%parallel_loop3A_219, %parallel_loop3A_220], %parallel_loop3A_223 {strides = array<i32>} : memref<80x48xf32, #tpu.memory_space<vmem>>, vector<1x16xf32>,
        %parallel_loop3A_224 = arith.index_cast %parallel_loop3A_136 : i32 to index
        %parallel_loop3A_225 = arith.constant 16 : index
        %parallel_loop3A_226 = tpu.vector_load %arg13[%parallel_loop3A_224, %parallel_loop3A_225] {strides = array<i32>} : memref<80x32xf32, #tpu.memory_space<vmem>>, vector<1x16xf32>,
        %parallel_loop3A_227 = vector.shape_cast %parallel_loop3A_226 : vector<1x16xf32> to vector<16xf32>
        %parallel_loop3A_228 = arith.mulf %parallel_loop3A_227, %parallel_loop3A_213 : vector<16xf32>
        %parallel_loop3A_229 = arith.index_cast %parallel_loop3A_136 : i32 to index
        %parallel_loop3A_230 = arith.constant 16 : index
        %parallel_loop3A_231 = tpu.vector_load %arg14[%parallel_loop3A_229, %parallel_loop3A_230] {strides = array<i32>} : memref<80x48xf32, #tpu.memory_space<vmem>>, vector<1x16xf32>,
        %parallel_loop3A_232 = vector.shape_cast %parallel_loop3A_231 : vector<1x16xf32> to vector<16xf32>
        %parallel_loop3A_233 = vector.shape_cast %parallel_loop3A_228 : vector<16xf32> to vector<1x16xf32>
        tpu.vector_store %arg14[%parallel_loop3A_229, %parallel_loop3A_230], %parallel_loop3A_233 {strides = array<i32>} : memref<80x48xf32, #tpu.memory_space<vmem>>, vector<1x16xf32>,
        %parallel_loop3A_234 = arith.index_cast %parallel_loop3A_136 : i32 to index
        %parallel_loop3A_235 = arith.constant 32 : index
        %parallel_loop3A_236 = tpu.vector_load %arg14[%parallel_loop3A_234, %parallel_loop3A_235] {strides = array<i32>} : memref<80x48xf32, #tpu.memory_space<vmem>>, vector<1x16xf32>,
        %parallel_loop3A_237 = vector.shape_cast %parallel_loop3A_236 : vector<1x16xf32> to vector<16xf32>
        %parallel_loop3A_238 = vector.shape_cast %parallel_loop3A_213 : vector<16xf32> to vector<1x16xf32>
        tpu.vector_store %arg14[%parallel_loop3A_234, %parallel_loop3A_235], %parallel_loop3A_238 {strides = array<i32>} : memref<80x48xf32, #tpu.memory_space<vmem>>, vector<1x16xf32>,
      } {sc.loop_unroll_factor = 1 : i64, sc.parallel_access}
      "tpu.region"() ({
        %run_scoped3A = tpu.sem_alloc : memref<!tpu.dma_semaphore, #tpu.memory_space<semaphore_mem>>
        %dma_start3A_136 = arith.constant 0 : i32
        %dma_start3A_137 = arith.constant 0 : i32
        %dma_start3A_138 = tpu.memref_slice %arg16[%dma_start3A_136, %dma_start3A_137] : memref<5128x48xf32, #tpu.memory_space<vmem_shared>> -> memref<5128x48xf32, #tpu.memory_space<vmem_shared>>
        tpu.enqueue_indirect_dma source(%arg14 : memref<80x48xf32, #tpu.memory_space<vmem>>) target(%dma_start3A_138 : memref<5128x48xf32, #tpu.memory_space<vmem_shared>>) offsets(%arg10 : memref<80xi32, #tpu.memory_space<vmem>>) semaphore(%run_scoped3A : memref<!tpu.dma_semaphore, #tpu.memory_space<semaphore_mem>>) {add = true}
        %dma_wait3A_139 = arith.constant 0 : i32
        %dma_wait3A_140 = arith.constant 0 : i32
        %dma_wait3A_141 = tpu.memref_slice %arg16[%dma_wait3A_139, %dma_wait3A_140] : memref<5128x48xf32, #tpu.memory_space<vmem_shared>> -> memref<5128x48xf32, #tpu.memory_space<vmem_shared>>
        tpu.wait_indirect_dma semaphore(%run_scoped3A : memref<!tpu.dma_semaphore, #tpu.memory_space<semaphore_mem>>) src(%arg14 : memref<80x48xf32, #tpu.memory_space<vmem>>) dst(%dma_wait3A_141 : memref<5128x48xf32, #tpu.memory_space<vmem_shared>>)
        tpu.yield
      }) : () -> ()
    }
    %scan3A_25 = arith.constant 250 : i32
    %barrier3A_26 = arith.constant 0 : index
    tpu.barrier barrier_id(%barrier3A_26)
    "tpu.region"() ({
      %run_scoped3A = tpu.sem_alloc : memref<!tpu.dma_semaphore, #tpu.memory_space<semaphore_mem>>
      %dma_start3A = arith.constant 0 : i32
      %dma_start3A_27 = tpu.memref_slice %arg7[%arg0, %mul3A_6, %dma_start3A] : memref<2x5128x48xf32, #tpu.memory_space<hbm>> -> memref<1x320x48xf32, #tpu.memory_space<hbm>>
      %dma_start3A_28 = tpu.memref_squeeze %dma_start3A_27 : memref<1x320x48xf32, #tpu.memory_space<hbm>> -> memref<320x48xf32, #tpu.memory_space<hbm>>
      %dma_start3A_29 = arith.constant 0 : i32
      %dma_start3A_30 = tpu.memref_slice %arg16[%mul3A_6, %dma_start3A_29] : memref<5128x48xf32, #tpu.memory_space<vmem_shared>> -> memref<320x48xf32, #tpu.memory_space<vmem_shared>>
      tpu.enqueue_dma source(%dma_start3A_30 : memref<320x48xf32, #tpu.memory_space<vmem_shared>>) target(%dma_start3A_28 : memref<320x48xf32, #tpu.memory_space<hbm>>) target_semaphore(%run_scoped3A : memref<!tpu.dma_semaphore, #tpu.memory_space<semaphore_mem>>)
      %dma_wait3A = arith.constant 0 : i32
      %dma_wait3A_31 = tpu.memref_slice %arg7[%arg0, %mul3A_6, %dma_wait3A] : memref<2x5128x48xf32, #tpu.memory_space<hbm>> -> memref<1x320x48xf32, #tpu.memory_space<hbm>>
      %dma_wait3A_32 = tpu.memref_squeeze %dma_wait3A_31 : memref<1x320x48xf32, #tpu.memory_space<hbm>> -> memref<320x48xf32, #tpu.memory_space<hbm>>
      %dma_wait3A_33 = arith.constant 0 : i32
      %dma_wait3A_34 = tpu.memref_slice %arg16[%mul3A_6, %dma_wait3A_33] : memref<5128x48xf32, #tpu.memory_space<vmem_shared>> -> memref<320x48xf32, #tpu.memory_space<vmem_shared>>
      tpu.wait_dma2 semaphore(%run_scoped3A : memref<!tpu.dma_semaphore, #tpu.memory_space<semaphore_mem>>) src(%dma_wait3A_34 : memref<320x48xf32, #tpu.memory_space<vmem_shared>>) dst(%dma_wait3A_32 : memref<320x48xf32, #tpu.memory_space<hbm>>)
      tpu.yield
    }) : () -> ()
    return
  }
}

#map = affine_map<(d0, d1) -> (0)>
#map1 = affine_map<(d0, d1) -> (0, 0)>
#map2 = affine_map<(d0, d1) -> (0, 0, 0)>
module attributes {stable_mosaic.version = 14 : i64} {
  func.func @sc_k(%arg0: i32, %arg1: i32, %arg2: memref<320000xi32, #tpu.memory_space<hbm>>, %arg3: memref<320000xi32, #tpu.memory_space<hbm>>, %arg4: memref<10000x128xf32, #tpu.memory_space<hbm>>, %arg5: memref<10000x128xf32, #tpu.memory_space<hbm>>, %arg6: memref<10000x128xf32, #tpu.memory_space<hbm>>, %arg7: memref<2x5128x144xf32, #tpu.memory_space<hbm>>, %arg8: memref<80xi32, #tpu.memory_space<vmem>>, %arg9: memref<80xi32, #tpu.memory_space<vmem>>, %arg10: memref<80xi32, #tpu.memory_space<vmem>>, %arg11: memref<80x128xf32, #tpu.memory_space<vmem>>, %arg12: memref<80x128xf32, #tpu.memory_space<vmem>>, %arg13: memref<80x128xf32, #tpu.memory_space<vmem>>, %arg14: memref<80x144xf32, #tpu.memory_space<vmem>>, %arg15: memref<64x144xf32, #tpu.memory_space<vmem>>, %arg16: memref<5128x144xf32, #tpu.memory_space<vmem_shared>>, %arg17: memref<!tpu.dma_semaphore, #tpu.memory_space<semaphore_mem>>) attributes {dimension_semantics = [#tpu.dimension_semantics<core_parallel>, #tpu.dimension_semantics<subcore_parallel>], iteration_bounds = array<i64: 2, 16>, scalar_prefetch = 0 : i64, scratch_operands = 10 : i64, tpu.core_type = #tpu.core_type<sc_vector_subcore>, window_params = [{transform_indices = #map}, {transform_indices = #map}, {transform_indices = #map1}, {transform_indices = #map1}, {transform_indices = #map1}, {transform_indices = #map2}]} {
    %broadcast_in_dim3A = arith.constant 0.000000e+00 : f32
    %broadcast_in_dim3A_0 = vector.broadcast %broadcast_in_dim3A : f32 to vector<16xf32>
    %iota3A = tpu.iota {dimensions = array<i32: 0>} : vector<16xi32>
    %scan3A = arith.constant 0 : i32
    %scan3A_1 = arith.constant 0 : i32
    %scan3A_2 = arith.constant 64 : i32
    %scan3A_3 = arith.addi %scan3A_1, %scan3A_2 : i32
    %scan3A_4 = arith.constant 1 : i32
    scf.for %scan3A_27 = %scan3A_1 to %scan3A_3 step %scan3A_4  : i32 {
      %swap3A = arith.index_cast %scan3A_27 : i32 to index
      %swap3A_28 = arith.constant 0 : index
      %swap3A_29 = tpu.vector_load %arg15[%swap3A, %swap3A_28] {strides = array<i32>} : memref<64x144xf32, #tpu.memory_space<vmem>>, vector<1x16xf32>,
      %swap3A_30 = vector.shape_cast %swap3A_29 : vector<1x16xf32> to vector<16xf32>
      %swap3A_31 = vector.shape_cast %broadcast_in_dim3A_0 : vector<16xf32> to vector<1x16xf32>
      tpu.vector_store %arg15[%swap3A, %swap3A_28], %swap3A_31 {strides = array<i32>} : memref<64x144xf32, #tpu.memory_space<vmem>>, vector<1x16xf32>,
      %swap3A_32 = arith.index_cast %scan3A_27 : i32 to index
      %swap3A_33 = arith.constant 16 : index
      %swap3A_34 = tpu.vector_load %arg15[%swap3A_32, %swap3A_33] {strides = array<i32>} : memref<64x144xf32, #tpu.memory_space<vmem>>, vector<1x16xf32>,
      %swap3A_35 = vector.shape_cast %swap3A_34 : vector<1x16xf32> to vector<16xf32>
      %swap3A_36 = vector.shape_cast %broadcast_in_dim3A_0 : vector<16xf32> to vector<1x16xf32>
      tpu.vector_store %arg15[%swap3A_32, %swap3A_33], %swap3A_36 {strides = array<i32>} : memref<64x144xf32, #tpu.memory_space<vmem>>, vector<1x16xf32>,
      %swap3A_37 = arith.index_cast %scan3A_27 : i32 to index
      %swap3A_38 = arith.constant 32 : index
      %swap3A_39 = tpu.vector_load %arg15[%swap3A_37, %swap3A_38] {strides = array<i32>} : memref<64x144xf32, #tpu.memory_space<vmem>>, vector<1x16xf32>,
      %swap3A_40 = vector.shape_cast %swap3A_39 : vector<1x16xf32> to vector<16xf32>
      %swap3A_41 = vector.shape_cast %broadcast_in_dim3A_0 : vector<16xf32> to vector<1x16xf32>
      tpu.vector_store %arg15[%swap3A_37, %swap3A_38], %swap3A_41 {strides = array<i32>} : memref<64x144xf32, #tpu.memory_space<vmem>>, vector<1x16xf32>,
      %swap3A_42 = arith.index_cast %scan3A_27 : i32 to index
      %swap3A_43 = arith.constant 48 : index
      %swap3A_44 = tpu.vector_load %arg15[%swap3A_42, %swap3A_43] {strides = array<i32>} : memref<64x144xf32, #tpu.memory_space<vmem>>, vector<1x16xf32>,
      %swap3A_45 = vector.shape_cast %swap3A_44 : vector<1x16xf32> to vector<16xf32>
      %swap3A_46 = vector.shape_cast %broadcast_in_dim3A_0 : vector<16xf32> to vector<1x16xf32>
      tpu.vector_store %arg15[%swap3A_42, %swap3A_43], %swap3A_46 {strides = array<i32>} : memref<64x144xf32, #tpu.memory_space<vmem>>, vector<1x16xf32>,
      %swap3A_47 = arith.index_cast %scan3A_27 : i32 to index
      %swap3A_48 = arith.constant 64 : index
      %swap3A_49 = tpu.vector_load %arg15[%swap3A_47, %swap3A_48] {strides = array<i32>} : memref<64x144xf32, #tpu.memory_space<vmem>>, vector<1x16xf32>,
      %swap3A_50 = vector.shape_cast %swap3A_49 : vector<1x16xf32> to vector<16xf32>
      %swap3A_51 = vector.shape_cast %broadcast_in_dim3A_0 : vector<16xf32> to vector<1x16xf32>
      tpu.vector_store %arg15[%swap3A_47, %swap3A_48], %swap3A_51 {strides = array<i32>} : memref<64x144xf32, #tpu.memory_space<vmem>>, vector<1x16xf32>,
      %swap3A_52 = arith.index_cast %scan3A_27 : i32 to index
      %swap3A_53 = arith.constant 80 : index
      %swap3A_54 = tpu.vector_load %arg15[%swap3A_52, %swap3A_53] {strides = array<i32>} : memref<64x144xf32, #tpu.memory_space<vmem>>, vector<1x16xf32>,
      %swap3A_55 = vector.shape_cast %swap3A_54 : vector<1x16xf32> to vector<16xf32>
      %swap3A_56 = vector.shape_cast %broadcast_in_dim3A_0 : vector<16xf32> to vector<1x16xf32>
      tpu.vector_store %arg15[%swap3A_52, %swap3A_53], %swap3A_56 {strides = array<i32>} : memref<64x144xf32, #tpu.memory_space<vmem>>, vector<1x16xf32>,
      %swap3A_57 = arith.index_cast %scan3A_27 : i32 to index
      %swap3A_58 = arith.constant 96 : index
      %swap3A_59 = tpu.vector_load %arg15[%swap3A_57, %swap3A_58] {strides = array<i32>} : memref<64x144xf32, #tpu.memory_space<vmem>>, vector<1x16xf32>,
      %swap3A_60 = vector.shape_cast %swap3A_59 : vector<1x16xf32> to vector<16xf32>
      %swap3A_61 = vector.shape_cast %broadcast_in_dim3A_0 : vector<16xf32> to vector<1x16xf32>
      tpu.vector_store %arg15[%swap3A_57, %swap3A_58], %swap3A_61 {strides = array<i32>} : memref<64x144xf32, #tpu.memory_space<vmem>>, vector<1x16xf32>,
      %swap3A_62 = arith.index_cast %scan3A_27 : i32 to index
      %swap3A_63 = arith.constant 112 : index
      %swap3A_64 = tpu.vector_load %arg15[%swap3A_62, %swap3A_63] {strides = array<i32>} : memref<64x144xf32, #tpu.memory_space<vmem>>, vector<1x16xf32>,
      %swap3A_65 = vector.shape_cast %swap3A_64 : vector<1x16xf32> to vector<16xf32>
      %swap3A_66 = vector.shape_cast %broadcast_in_dim3A_0 : vector<16xf32> to vector<1x16xf32>
      tpu.vector_store %arg15[%swap3A_62, %swap3A_63], %swap3A_66 {strides = array<i32>} : memref<64x144xf32, #tpu.memory_space<vmem>>, vector<1x16xf32>,
      %swap3A_67 = arith.index_cast %scan3A_27 : i32 to index
      %swap3A_68 = arith.constant 128 : index
      %swap3A_69 = tpu.vector_load %arg15[%swap3A_67, %swap3A_68] {strides = array<i32>} : memref<64x144xf32, #tpu.memory_space<vmem>>, vector<1x16xf32>,
      %swap3A_70 = vector.shape_cast %swap3A_69 : vector<1x16xf32> to vector<16xf32>
      %swap3A_71 = vector.shape_cast %broadcast_in_dim3A_0 : vector<16xf32> to vector<1x16xf32>
      tpu.vector_store %arg15[%swap3A_67, %swap3A_68], %swap3A_71 {strides = array<i32>} : memref<64x144xf32, #tpu.memory_space<vmem>>, vector<1x16xf32>,
    }
    %scan3A_5 = arith.constant 64 : i32
    %mul3A = arith.constant 320 : i32
    %mul3A_6 = arith.muli %arg1, %mul3A : i32
    %add3A = arith.constant 0 : i32
    %add3A_7 = arith.addi %mul3A_6, %add3A : i32
    "tpu.region"() ({
      %run_scoped3A = tpu.sem_alloc : memref<!tpu.dma_semaphore, #tpu.memory_space<semaphore_mem>>
      %dma_start3A = arith.constant 0 : i32
      %dma_start3A_27 = tpu.memref_slice %arg16[%add3A_7, %dma_start3A] : memref<5128x144xf32, #tpu.memory_space<vmem_shared>> -> memref<64x144xf32, #tpu.memory_space<vmem_shared>>
      %dma_start3A_28 = arith.constant 0 : i32
      %dma_start3A_29 = tpu.memref_slice %arg16[%add3A_7, %dma_start3A_28] : memref<5128x144xf32, #tpu.memory_space<vmem_shared>> -> memref<64x144xf32, #tpu.memory_space<vmem_shared>>
      tpu.enqueue_dma source(%arg15 : memref<64x144xf32, #tpu.memory_space<vmem>>) target(%dma_start3A_29 : memref<64x144xf32, #tpu.memory_space<vmem_shared>>) target_semaphore(%run_scoped3A : memref<!tpu.dma_semaphore, #tpu.memory_space<semaphore_mem>>)
      %dma_wait3A = arith.constant 0 : i32
      %dma_wait3A_30 = tpu.memref_slice %arg16[%add3A_7, %dma_wait3A] : memref<5128x144xf32, #tpu.memory_space<vmem_shared>> -> memref<64x144xf32, #tpu.memory_space<vmem_shared>>
      %dma_wait3A_31 = arith.constant 0 : i32
      %dma_wait3A_32 = tpu.memref_slice %arg16[%add3A_7, %dma_wait3A_31] : memref<5128x144xf32, #tpu.memory_space<vmem_shared>> -> memref<64x144xf32, #tpu.memory_space<vmem_shared>>
      tpu.wait_dma2 semaphore(%run_scoped3A : memref<!tpu.dma_semaphore, #tpu.memory_space<semaphore_mem>>) src(%arg15 : memref<64x144xf32, #tpu.memory_space<vmem>>) dst(%dma_wait3A_32 : memref<64x144xf32, #tpu.memory_space<vmem_shared>>)
      tpu.yield
    }) : () -> ()
    %add3A_8 = arith.constant 64 : i32
    %add3A_9 = arith.addi %mul3A_6, %add3A_8 : i32
    "tpu.region"() ({
      %run_scoped3A = tpu.sem_alloc : memref<!tpu.dma_semaphore, #tpu.memory_space<semaphore_mem>>
      %dma_start3A = arith.constant 0 : i32
      %dma_start3A_27 = tpu.memref_slice %arg16[%add3A_9, %dma_start3A] : memref<5128x144xf32, #tpu.memory_space<vmem_shared>> -> memref<64x144xf32, #tpu.memory_space<vmem_shared>>
      %dma_start3A_28 = arith.constant 0 : i32
      %dma_start3A_29 = tpu.memref_slice %arg16[%add3A_9, %dma_start3A_28] : memref<5128x144xf32, #tpu.memory_space<vmem_shared>> -> memref<64x144xf32, #tpu.memory_space<vmem_shared>>
      tpu.enqueue_dma source(%arg15 : memref<64x144xf32, #tpu.memory_space<vmem>>) target(%dma_start3A_29 : memref<64x144xf32, #tpu.memory_space<vmem_shared>>) target_semaphore(%run_scoped3A : memref<!tpu.dma_semaphore, #tpu.memory_space<semaphore_mem>>)
      %dma_wait3A = arith.constant 0 : i32
      %dma_wait3A_30 = tpu.memref_slice %arg16[%add3A_9, %dma_wait3A] : memref<5128x144xf32, #tpu.memory_space<vmem_shared>> -> memref<64x144xf32, #tpu.memory_space<vmem_shared>>
      %dma_wait3A_31 = arith.constant 0 : i32
      %dma_wait3A_32 = tpu.memref_slice %arg16[%add3A_9, %dma_wait3A_31] : memref<5128x144xf32, #tpu.memory_space<vmem_shared>> -> memref<64x144xf32, #tpu.memory_space<vmem_shared>>
      tpu.wait_dma2 semaphore(%run_scoped3A : memref<!tpu.dma_semaphore, #tpu.memory_space<semaphore_mem>>) src(%arg15 : memref<64x144xf32, #tpu.memory_space<vmem>>) dst(%dma_wait3A_32 : memref<64x144xf32, #tpu.memory_space<vmem_shared>>)
      tpu.yield
    }) : () -> ()
    %add3A_10 = arith.constant 128 : i32
    %add3A_11 = arith.addi %mul3A_6, %add3A_10 : i32
    "tpu.region"() ({
      %run_scoped3A = tpu.sem_alloc : memref<!tpu.dma_semaphore, #tpu.memory_space<semaphore_mem>>
      %dma_start3A = arith.constant 0 : i32
      %dma_start3A_27 = tpu.memref_slice %arg16[%add3A_11, %dma_start3A] : memref<5128x144xf32, #tpu.memory_space<vmem_shared>> -> memref<64x144xf32, #tpu.memory_space<vmem_shared>>
      %dma_start3A_28 = arith.constant 0 : i32
      %dma_start3A_29 = tpu.memref_slice %arg16[%add3A_11, %dma_start3A_28] : memref<5128x144xf32, #tpu.memory_space<vmem_shared>> -> memref<64x144xf32, #tpu.memory_space<vmem_shared>>
      tpu.enqueue_dma source(%arg15 : memref<64x144xf32, #tpu.memory_space<vmem>>) target(%dma_start3A_29 : memref<64x144xf32, #tpu.memory_space<vmem_shared>>) target_semaphore(%run_scoped3A : memref<!tpu.dma_semaphore, #tpu.memory_space<semaphore_mem>>)
      %dma_wait3A = arith.constant 0 : i32
      %dma_wait3A_30 = tpu.memref_slice %arg16[%add3A_11, %dma_wait3A] : memref<5128x144xf32, #tpu.memory_space<vmem_shared>> -> memref<64x144xf32, #tpu.memory_space<vmem_shared>>
      %dma_wait3A_31 = arith.constant 0 : i32
      %dma_wait3A_32 = tpu.memref_slice %arg16[%add3A_11, %dma_wait3A_31] : memref<5128x144xf32, #tpu.memory_space<vmem_shared>> -> memref<64x144xf32, #tpu.memory_space<vmem_shared>>
      tpu.wait_dma2 semaphore(%run_scoped3A : memref<!tpu.dma_semaphore, #tpu.memory_space<semaphore_mem>>) src(%arg15 : memref<64x144xf32, #tpu.memory_space<vmem>>) dst(%dma_wait3A_32 : memref<64x144xf32, #tpu.memory_space<vmem_shared>>)
      tpu.yield
    }) : () -> ()
    %add3A_12 = arith.constant 192 : i32
    %add3A_13 = arith.addi %mul3A_6, %add3A_12 : i32
    "tpu.region"() ({
      %run_scoped3A = tpu.sem_alloc : memref<!tpu.dma_semaphore, #tpu.memory_space<semaphore_mem>>
      %dma_start3A = arith.constant 0 : i32
      %dma_start3A_27 = tpu.memref_slice %arg16[%add3A_13, %dma_start3A] : memref<5128x144xf32, #tpu.memory_space<vmem_shared>> -> memref<64x144xf32, #tpu.memory_space<vmem_shared>>
      %dma_start3A_28 = arith.constant 0 : i32
      %dma_start3A_29 = tpu.memref_slice %arg16[%add3A_13, %dma_start3A_28] : memref<5128x144xf32, #tpu.memory_space<vmem_shared>> -> memref<64x144xf32, #tpu.memory_space<vmem_shared>>
      tpu.enqueue_dma source(%arg15 : memref<64x144xf32, #tpu.memory_space<vmem>>) target(%dma_start3A_29 : memref<64x144xf32, #tpu.memory_space<vmem_shared>>) target_semaphore(%run_scoped3A : memref<!tpu.dma_semaphore, #tpu.memory_space<semaphore_mem>>)
      %dma_wait3A = arith.constant 0 : i32
      %dma_wait3A_30 = tpu.memref_slice %arg16[%add3A_13, %dma_wait3A] : memref<5128x144xf32, #tpu.memory_space<vmem_shared>> -> memref<64x144xf32, #tpu.memory_space<vmem_shared>>
      %dma_wait3A_31 = arith.constant 0 : i32
      %dma_wait3A_32 = tpu.memref_slice %arg16[%add3A_13, %dma_wait3A_31] : memref<5128x144xf32, #tpu.memory_space<vmem_shared>> -> memref<64x144xf32, #tpu.memory_space<vmem_shared>>
      tpu.wait_dma2 semaphore(%run_scoped3A : memref<!tpu.dma_semaphore, #tpu.memory_space<semaphore_mem>>) src(%arg15 : memref<64x144xf32, #tpu.memory_space<vmem>>) dst(%dma_wait3A_32 : memref<64x144xf32, #tpu.memory_space<vmem_shared>>)
      tpu.yield
    }) : () -> ()
    %add3A_14 = arith.constant 256 : i32
    %add3A_15 = arith.addi %mul3A_6, %add3A_14 : i32
    "tpu.region"() ({
      %run_scoped3A = tpu.sem_alloc : memref<!tpu.dma_semaphore, #tpu.memory_space<semaphore_mem>>
      %dma_start3A = arith.constant 0 : i32
      %dma_start3A_27 = tpu.memref_slice %arg16[%add3A_15, %dma_start3A] : memref<5128x144xf32, #tpu.memory_space<vmem_shared>> -> memref<64x144xf32, #tpu.memory_space<vmem_shared>>
      %dma_start3A_28 = arith.constant 0 : i32
      %dma_start3A_29 = tpu.memref_slice %arg16[%add3A_15, %dma_start3A_28] : memref<5128x144xf32, #tpu.memory_space<vmem_shared>> -> memref<64x144xf32, #tpu.memory_space<vmem_shared>>
      tpu.enqueue_dma source(%arg15 : memref<64x144xf32, #tpu.memory_space<vmem>>) target(%dma_start3A_29 : memref<64x144xf32, #tpu.memory_space<vmem_shared>>) target_semaphore(%run_scoped3A : memref<!tpu.dma_semaphore, #tpu.memory_space<semaphore_mem>>)
      %dma_wait3A = arith.constant 0 : i32
      %dma_wait3A_30 = tpu.memref_slice %arg16[%add3A_15, %dma_wait3A] : memref<5128x144xf32, #tpu.memory_space<vmem_shared>> -> memref<64x144xf32, #tpu.memory_space<vmem_shared>>
      %dma_wait3A_31 = arith.constant 0 : i32
      %dma_wait3A_32 = tpu.memref_slice %arg16[%add3A_15, %dma_wait3A_31] : memref<5128x144xf32, #tpu.memory_space<vmem_shared>> -> memref<64x144xf32, #tpu.memory_space<vmem_shared>>
      tpu.wait_dma2 semaphore(%run_scoped3A : memref<!tpu.dma_semaphore, #tpu.memory_space<semaphore_mem>>) src(%arg15 : memref<64x144xf32, #tpu.memory_space<vmem>>) dst(%dma_wait3A_32 : memref<64x144xf32, #tpu.memory_space<vmem_shared>>)
      tpu.yield
    }) : () -> ()
    %barrier3A = arith.constant 0 : index
    tpu.barrier barrier_id(%barrier3A)
    %mul3A_16 = arith.constant 20000 : i32
    %mul3A_17 = arith.muli %arg1, %mul3A_16 : i32
    %mul3A_18 = arith.constant 5120 : i32
    %mul3A_19 = arith.muli %arg0, %mul3A_18 : i32
    %scan3A_20 = arith.constant 0 : i32
    %scan3A_21 = arith.constant 0 : i32
    %scan3A_22 = arith.constant 250 : i32
    %scan3A_23 = arith.addi %scan3A_21, %scan3A_22 : i32
    %scan3A_24 = arith.constant 1 : i32
    scf.for %scan3A_27 = %scan3A_21 to %scan3A_23 step %scan3A_24  : i32 {
      %mul3A_28 = arith.constant 80 : i32
      %mul3A_29 = arith.muli %scan3A_27, %mul3A_28 : i32
      %add3A_30 = arith.addi %mul3A_17, %mul3A_29 : i32
      "tpu.region"() ({
        %run_scoped3A = tpu.sem_alloc : memref<!tpu.dma_semaphore, #tpu.memory_space<semaphore_mem>>
        %dma_start3A_136 = tpu.memref_slice %arg2[%add3A_30] : memref<320000xi32, #tpu.memory_space<hbm>> -> memref<80xi32, #tpu.memory_space<hbm>>
        %dma_start3A_137 = tpu.memref_slice %arg2[%add3A_30] : memref<320000xi32, #tpu.memory_space<hbm>> -> memref<80xi32, #tpu.memory_space<hbm>>
        tpu.enqueue_dma source(%dma_start3A_137 : memref<80xi32, #tpu.memory_space<hbm>>) target(%arg8 : memref<80xi32, #tpu.memory_space<vmem>>) target_semaphore(%run_scoped3A : memref<!tpu.dma_semaphore, #tpu.memory_space<semaphore_mem>>)
        %dma_wait3A_138 = tpu.memref_slice %arg2[%add3A_30] : memref<320000xi32, #tpu.memory_space<hbm>> -> memref<80xi32, #tpu.memory_space<hbm>>
        %dma_wait3A_139 = tpu.memref_slice %arg2[%add3A_30] : memref<320000xi32, #tpu.memory_space<hbm>> -> memref<80xi32, #tpu.memory_space<hbm>>
        tpu.wait_dma2 semaphore(%run_scoped3A : memref<!tpu.dma_semaphore, #tpu.memory_space<semaphore_mem>>) src(%dma_wait3A_139 : memref<80xi32, #tpu.memory_space<hbm>>) dst(%arg8 : memref<80xi32, #tpu.memory_space<vmem>>)
        tpu.yield
      }) : () -> ()
      "tpu.region"() ({
        %run_scoped3A = tpu.sem_alloc : memref<!tpu.dma_semaphore, #tpu.memory_space<semaphore_mem>>
        %dma_start3A_136 = tpu.memref_slice %arg3[%add3A_30] : memref<320000xi32, #tpu.memory_space<hbm>> -> memref<80xi32, #tpu.memory_space<hbm>>
        %dma_start3A_137 = tpu.memref_slice %arg3[%add3A_30] : memref<320000xi32, #tpu.memory_space<hbm>> -> memref<80xi32, #tpu.memory_space<hbm>>
        tpu.enqueue_dma source(%dma_start3A_137 : memref<80xi32, #tpu.memory_space<hbm>>) target(%arg9 : memref<80xi32, #tpu.memory_space<vmem>>) target_semaphore(%run_scoped3A : memref<!tpu.dma_semaphore, #tpu.memory_space<semaphore_mem>>)
        %dma_wait3A_138 = tpu.memref_slice %arg3[%add3A_30] : memref<320000xi32, #tpu.memory_space<hbm>> -> memref<80xi32, #tpu.memory_space<hbm>>
        %dma_wait3A_139 = tpu.memref_slice %arg3[%add3A_30] : memref<320000xi32, #tpu.memory_space<hbm>> -> memref<80xi32, #tpu.memory_space<hbm>>
        tpu.wait_dma2 semaphore(%run_scoped3A : memref<!tpu.dma_semaphore, #tpu.memory_space<semaphore_mem>>) src(%dma_wait3A_139 : memref<80xi32, #tpu.memory_space<hbm>>) dst(%arg9 : memref<80xi32, #tpu.memory_space<vmem>>)
        tpu.yield
      }) : () -> ()
      %dma_start3A = arith.constant 0 : i32
      %dma_start3A_31 = arith.constant 0 : i32
      %dma_start3A_32 = tpu.memref_slice %arg4[%dma_start3A, %dma_start3A_31] : memref<10000x128xf32, #tpu.memory_space<hbm>> -> memref<10000x128xf32, #tpu.memory_space<hbm>>
      tpu.enqueue_indirect_dma source(%dma_start3A_32 : memref<10000x128xf32, #tpu.memory_space<hbm>>) target(%arg11 : memref<80x128xf32, #tpu.memory_space<vmem>>) offsets(%arg9 : memref<80xi32, #tpu.memory_space<vmem>>) semaphore(%arg17 : memref<!tpu.dma_semaphore, #tpu.memory_space<semaphore_mem>>)
      %dma_start3A_33 = arith.constant 0 : i32
      %dma_start3A_34 = arith.constant 0 : i32
      %dma_start3A_35 = tpu.memref_slice %arg5[%dma_start3A_33, %dma_start3A_34] : memref<10000x128xf32, #tpu.memory_space<hbm>> -> memref<10000x128xf32, #tpu.memory_space<hbm>>
      tpu.enqueue_indirect_dma source(%dma_start3A_35 : memref<10000x128xf32, #tpu.memory_space<hbm>>) target(%arg12 : memref<80x128xf32, #tpu.memory_space<vmem>>) offsets(%arg8 : memref<80xi32, #tpu.memory_space<vmem>>) semaphore(%arg17 : memref<!tpu.dma_semaphore, #tpu.memory_space<semaphore_mem>>)
      %dma_start3A_36 = arith.constant 0 : i32
      %dma_start3A_37 = arith.constant 0 : i32
      %dma_start3A_38 = tpu.memref_slice %arg6[%dma_start3A_36, %dma_start3A_37] : memref<10000x128xf32, #tpu.memory_space<hbm>> -> memref<10000x128xf32, #tpu.memory_space<hbm>>
      tpu.enqueue_indirect_dma source(%dma_start3A_38 : memref<10000x128xf32, #tpu.memory_space<hbm>>) target(%arg13 : memref<80x128xf32, #tpu.memory_space<vmem>>) offsets(%arg8 : memref<80xi32, #tpu.memory_space<vmem>>) semaphore(%arg17 : memref<!tpu.dma_semaphore, #tpu.memory_space<semaphore_mem>>)
      %get3A = arith.constant 0 : index
      %get3A_39 = tpu.vector_load %arg9[%get3A] {strides = array<i32>} : memref<80xi32, #tpu.memory_space<vmem>>, vector<16xi32>,
      %get3A_40 = vector.shape_cast %get3A_39 : vector<16xi32> to vector<16xi32>
      %sub3A = vector.broadcast %mul3A_19 : i32 to vector<16xi32>
      %sub3A_41 = arith.subi %get3A_40, %sub3A : vector<16xi32>
      %ge3A = arith.constant 0 : i32
      %ge3A_42 = vector.broadcast %ge3A : i32 to vector<16xi32>
      %ge3A_43 = arith.cmpi sge, %sub3A_41, %ge3A_42 : vector<16xi32>
      %lt3A = arith.constant 5120 : i32
      %lt3A_44 = vector.broadcast %lt3A : i32 to vector<16xi32>
      %lt3A_45 = arith.cmpi slt, %sub3A_41, %lt3A_44 : vector<16xi32>
      %and3A = arith.andi %ge3A_43, %lt3A_45 : vector<16xi1>
      %jit3A = arith.constant 5120 : i32
      %broadcast_in_dim3A_46 = vector.broadcast %jit3A : i32 to vector<16xi32>
      %select_n3A = arith.select %and3A, %sub3A_41, %broadcast_in_dim3A_46 : vector<16xi1>, vector<16xi32>
      %swap3A = arith.constant 0 : index
      %swap3A_47 = tpu.vector_load %arg10[%swap3A] {strides = array<i32>} : memref<80xi32, #tpu.memory_space<vmem>>, vector<16xi32>,
      %swap3A_48 = vector.shape_cast %swap3A_47 : vector<16xi32> to vector<16xi32>
      %swap3A_49 = vector.shape_cast %select_n3A : vector<16xi32> to vector<16xi32>
      tpu.vector_store %arg10[%swap3A], %swap3A_49 {strides = array<i32>} : memref<80xi32, #tpu.memory_space<vmem>>, vector<16xi32>,
      %get3A_50 = arith.constant 16 : index
      %get3A_51 = tpu.vector_load %arg9[%get3A_50] {strides = array<i32>} : memref<80xi32, #tpu.memory_space<vmem>>, vector<16xi32>,
      %get3A_52 = vector.shape_cast %get3A_51 : vector<16xi32> to vector<16xi32>
      %sub3A_53 = vector.broadcast %mul3A_19 : i32 to vector<16xi32>
      %sub3A_54 = arith.subi %get3A_52, %sub3A_53 : vector<16xi32>
      %ge3A_55 = arith.constant 0 : i32
      %ge3A_56 = vector.broadcast %ge3A_55 : i32 to vector<16xi32>
      %ge3A_57 = arith.cmpi sge, %sub3A_54, %ge3A_56 : vector<16xi32>
      %lt3A_58 = arith.constant 5120 : i32
      %lt3A_59 = vector.broadcast %lt3A_58 : i32 to vector<16xi32>
      %lt3A_60 = arith.cmpi slt, %sub3A_54, %lt3A_59 : vector<16xi32>
      %and3A_61 = arith.andi %ge3A_57, %lt3A_60 : vector<16xi1>
      %jit3A_62 = arith.constant 5120 : i32
      %broadcast_in_dim3A_63 = vector.broadcast %jit3A_62 : i32 to vector<16xi32>
      %select_n3A_64 = arith.select %and3A_61, %sub3A_54, %broadcast_in_dim3A_63 : vector<16xi1>, vector<16xi32>
      %swap3A_65 = arith.constant 16 : index
      %swap3A_66 = tpu.vector_load %arg10[%swap3A_65] {strides = array<i32>} : memref<80xi32, #tpu.memory_space<vmem>>, vector<16xi32>,
      %swap3A_67 = vector.shape_cast %swap3A_66 : vector<16xi32> to vector<16xi32>
      %swap3A_68 = vector.shape_cast %select_n3A_64 : vector<16xi32> to vector<16xi32>
      tpu.vector_store %arg10[%swap3A_65], %swap3A_68 {strides = array<i32>} : memref<80xi32, #tpu.memory_space<vmem>>, vector<16xi32>,
      %get3A_69 = arith.constant 32 : index
      %get3A_70 = tpu.vector_load %arg9[%get3A_69] {strides = array<i32>} : memref<80xi32, #tpu.memory_space<vmem>>, vector<16xi32>,
      %get3A_71 = vector.shape_cast %get3A_70 : vector<16xi32> to vector<16xi32>
      %sub3A_72 = vector.broadcast %mul3A_19 : i32 to vector<16xi32>
      %sub3A_73 = arith.subi %get3A_71, %sub3A_72 : vector<16xi32>
      %ge3A_74 = arith.constant 0 : i32
      %ge3A_75 = vector.broadcast %ge3A_74 : i32 to vector<16xi32>
      %ge3A_76 = arith.cmpi sge, %sub3A_73, %ge3A_75 : vector<16xi32>
      %lt3A_77 = arith.constant 5120 : i32
      %lt3A_78 = vector.broadcast %lt3A_77 : i32 to vector<16xi32>
      %lt3A_79 = arith.cmpi slt, %sub3A_73, %lt3A_78 : vector<16xi32>
      %and3A_80 = arith.andi %ge3A_76, %lt3A_79 : vector<16xi1>
      %jit3A_81 = arith.constant 5120 : i32
      %broadcast_in_dim3A_82 = vector.broadcast %jit3A_81 : i32 to vector<16xi32>
      %select_n3A_83 = arith.select %and3A_80, %sub3A_73, %broadcast_in_dim3A_82 : vector<16xi1>, vector<16xi32>
      %swap3A_84 = arith.constant 32 : index
      %swap3A_85 = tpu.vector_load %arg10[%swap3A_84] {strides = array<i32>} : memref<80xi32, #tpu.memory_space<vmem>>, vector<16xi32>,
      %swap3A_86 = vector.shape_cast %swap3A_85 : vector<16xi32> to vector<16xi32>
      %swap3A_87 = vector.shape_cast %select_n3A_83 : vector<16xi32> to vector<16xi32>
      tpu.vector_store %arg10[%swap3A_84], %swap3A_87 {strides = array<i32>} : memref<80xi32, #tpu.memory_space<vmem>>, vector<16xi32>,
      %get3A_88 = arith.constant 48 : index
      %get3A_89 = tpu.vector_load %arg9[%get3A_88] {strides = array<i32>} : memref<80xi32, #tpu.memory_space<vmem>>, vector<16xi32>,
      %get3A_90 = vector.shape_cast %get3A_89 : vector<16xi32> to vector<16xi32>
      %sub3A_91 = vector.broadcast %mul3A_19 : i32 to vector<16xi32>
      %sub3A_92 = arith.subi %get3A_90, %sub3A_91 : vector<16xi32>
      %ge3A_93 = arith.constant 0 : i32
      %ge3A_94 = vector.broadcast %ge3A_93 : i32 to vector<16xi32>
      %ge3A_95 = arith.cmpi sge, %sub3A_92, %ge3A_94 : vector<16xi32>
      %lt3A_96 = arith.constant 5120 : i32
      %lt3A_97 = vector.broadcast %lt3A_96 : i32 to vector<16xi32>
      %lt3A_98 = arith.cmpi slt, %sub3A_92, %lt3A_97 : vector<16xi32>
      %and3A_99 = arith.andi %ge3A_95, %lt3A_98 : vector<16xi1>
      %jit3A_100 = arith.constant 5120 : i32
      %broadcast_in_dim3A_101 = vector.broadcast %jit3A_100 : i32 to vector<16xi32>
      %select_n3A_102 = arith.select %and3A_99, %sub3A_92, %broadcast_in_dim3A_101 : vector<16xi1>, vector<16xi32>
      %swap3A_103 = arith.constant 48 : index
      %swap3A_104 = tpu.vector_load %arg10[%swap3A_103] {strides = array<i32>} : memref<80xi32, #tpu.memory_space<vmem>>, vector<16xi32>,
      %swap3A_105 = vector.shape_cast %swap3A_104 : vector<16xi32> to vector<16xi32>
      %swap3A_106 = vector.shape_cast %select_n3A_102 : vector<16xi32> to vector<16xi32>
      tpu.vector_store %arg10[%swap3A_103], %swap3A_106 {strides = array<i32>} : memref<80xi32, #tpu.memory_space<vmem>>, vector<16xi32>,
      %get3A_107 = arith.constant 64 : index
      %get3A_108 = tpu.vector_load %arg9[%get3A_107] {strides = array<i32>} : memref<80xi32, #tpu.memory_space<vmem>>, vector<16xi32>,
      %get3A_109 = vector.shape_cast %get3A_108 : vector<16xi32> to vector<16xi32>
      %sub3A_110 = vector.broadcast %mul3A_19 : i32 to vector<16xi32>
      %sub3A_111 = arith.subi %get3A_109, %sub3A_110 : vector<16xi32>
      %ge3A_112 = arith.constant 0 : i32
      %ge3A_113 = vector.broadcast %ge3A_112 : i32 to vector<16xi32>
      %ge3A_114 = arith.cmpi sge, %sub3A_111, %ge3A_113 : vector<16xi32>
      %lt3A_115 = arith.constant 5120 : i32
      %lt3A_116 = vector.broadcast %lt3A_115 : i32 to vector<16xi32>
      %lt3A_117 = arith.cmpi slt, %sub3A_111, %lt3A_116 : vector<16xi32>
      %and3A_118 = arith.andi %ge3A_114, %lt3A_117 : vector<16xi1>
      %jit3A_119 = arith.constant 5120 : i32
      %broadcast_in_dim3A_120 = vector.broadcast %jit3A_119 : i32 to vector<16xi32>
      %select_n3A_121 = arith.select %and3A_118, %sub3A_111, %broadcast_in_dim3A_120 : vector<16xi1>, vector<16xi32>
      %swap3A_122 = arith.constant 64 : index
      %swap3A_123 = tpu.vector_load %arg10[%swap3A_122] {strides = array<i32>} : memref<80xi32, #tpu.memory_space<vmem>>, vector<16xi32>,
      %swap3A_124 = vector.shape_cast %swap3A_123 : vector<16xi32> to vector<16xi32>
      %swap3A_125 = vector.shape_cast %select_n3A_121 : vector<16xi32> to vector<16xi32>
      tpu.vector_store %arg10[%swap3A_122], %swap3A_125 {strides = array<i32>} : memref<80xi32, #tpu.memory_space<vmem>>, vector<16xi32>,
      %dma_wait3A = arith.constant 0 : i32
      %dma_wait3A_126 = arith.constant 0 : i32
      %dma_wait3A_127 = tpu.memref_slice %arg4[%dma_wait3A, %dma_wait3A_126] : memref<10000x128xf32, #tpu.memory_space<hbm>> -> memref<10000x128xf32, #tpu.memory_space<hbm>>
      tpu.wait_indirect_dma semaphore(%arg17 : memref<!tpu.dma_semaphore, #tpu.memory_space<semaphore_mem>>) src(%dma_wait3A_127 : memref<10000x128xf32, #tpu.memory_space<hbm>>) dst(%arg11 : memref<80x128xf32, #tpu.memory_space<vmem>>)
      %dma_wait3A_128 = arith.constant 0 : i32
      %dma_wait3A_129 = arith.constant 0 : i32
      %dma_wait3A_130 = tpu.memref_slice %arg5[%dma_wait3A_128, %dma_wait3A_129] : memref<10000x128xf32, #tpu.memory_space<hbm>> -> memref<10000x128xf32, #tpu.memory_space<hbm>>
      tpu.wait_indirect_dma semaphore(%arg17 : memref<!tpu.dma_semaphore, #tpu.memory_space<semaphore_mem>>) src(%dma_wait3A_130 : memref<10000x128xf32, #tpu.memory_space<hbm>>) dst(%arg12 : memref<80x128xf32, #tpu.memory_space<vmem>>)
      %dma_wait3A_131 = arith.constant 0 : i32
      %dma_wait3A_132 = arith.constant 0 : i32
      %dma_wait3A_133 = tpu.memref_slice %arg6[%dma_wait3A_131, %dma_wait3A_132] : memref<10000x128xf32, #tpu.memory_space<hbm>> -> memref<10000x128xf32, #tpu.memory_space<hbm>>
      tpu.wait_indirect_dma semaphore(%arg17 : memref<!tpu.dma_semaphore, #tpu.memory_space<semaphore_mem>>) src(%dma_wait3A_133 : memref<10000x128xf32, #tpu.memory_space<hbm>>) dst(%arg13 : memref<80x128xf32, #tpu.memory_space<vmem>>)
      %parallel_loop3A = arith.constant 0 : i32
      %parallel_loop3A_134 = arith.constant 80 : i32
      %parallel_loop3A_135 = arith.constant 1 : i32
      scf.for %parallel_loop3A_136 = %parallel_loop3A to %parallel_loop3A_134 step %parallel_loop3A_135  : i32 {
        %parallel_loop3A_137 = arith.index_cast %parallel_loop3A_136 : i32 to index
        %parallel_loop3A_138 = arith.constant 0 : index
        %parallel_loop3A_139 = tpu.vector_load %arg11[%parallel_loop3A_137, %parallel_loop3A_138] {strides = array<i32>} : memref<80x128xf32, #tpu.memory_space<vmem>>, vector<1x16xf32>,
        %parallel_loop3A_140 = vector.shape_cast %parallel_loop3A_139 : vector<1x16xf32> to vector<16xf32>
        %parallel_loop3A_141 = arith.index_cast %parallel_loop3A_136 : i32 to index
        %parallel_loop3A_142 = arith.constant 0 : index
        %parallel_loop3A_143 = tpu.vector_load %arg12[%parallel_loop3A_141, %parallel_loop3A_142] {strides = array<i32>} : memref<80x128xf32, #tpu.memory_space<vmem>>, vector<1x16xf32>,
        %parallel_loop3A_144 = vector.shape_cast %parallel_loop3A_143 : vector<1x16xf32> to vector<16xf32>
        %parallel_loop3A_145 = arith.mulf %parallel_loop3A_140, %parallel_loop3A_144 : vector<16xf32>
        %parallel_loop3A_146 = arith.index_cast %parallel_loop3A_136 : i32 to index
        %parallel_loop3A_147 = arith.constant 16 : index
        %parallel_loop3A_148 = tpu.vector_load %arg11[%parallel_loop3A_146, %parallel_loop3A_147] {strides = array<i32>} : memref<80x128xf32, #tpu.memory_space<vmem>>, vector<1x16xf32>,
        %parallel_loop3A_149 = vector.shape_cast %parallel_loop3A_148 : vector<1x16xf32> to vector<16xf32>
        %parallel_loop3A_150 = arith.index_cast %parallel_loop3A_136 : i32 to index
        %parallel_loop3A_151 = arith.constant 16 : index
        %parallel_loop3A_152 = tpu.vector_load %arg12[%parallel_loop3A_150, %parallel_loop3A_151] {strides = array<i32>} : memref<80x128xf32, #tpu.memory_space<vmem>>, vector<1x16xf32>,
        %parallel_loop3A_153 = vector.shape_cast %parallel_loop3A_152 : vector<1x16xf32> to vector<16xf32>
        %parallel_loop3A_154 = arith.mulf %parallel_loop3A_149, %parallel_loop3A_153 : vector<16xf32>
        %parallel_loop3A_155 = arith.addf %parallel_loop3A_145, %parallel_loop3A_154 : vector<16xf32>
        %parallel_loop3A_156 = tpu.iota {dimensions = array<i32: 0>} : vector<16xi32>
        %parallel_loop3A_157 = arith.constant 1 : i32
        %parallel_loop3A_158 = vector.broadcast %parallel_loop3A_157 : i32 to vector<16xi32>
        %parallel_loop3A_159 = arith.xori %parallel_loop3A_156, %parallel_loop3A_158 : vector<16xi32>
        %parallel_loop3A_160 = arith.constant 0 : i32
        %parallel_loop3A_161 = vector.broadcast %parallel_loop3A_160 : i32 to vector<16xi32>
        %parallel_loop3A_162 = arith.cmpi slt, %parallel_loop3A_159, %parallel_loop3A_161 : vector<16xi32>
        %parallel_loop3A_163 = arith.constant 16 : i32
        %parallel_loop3A_164 = vector.broadcast %parallel_loop3A_163 : i32 to vector<16xi32>
        %parallel_loop3A_165 = arith.addi %parallel_loop3A_159, %parallel_loop3A_164 : vector<16xi32>
        %parallel_loop3A_166 = arith.select %parallel_loop3A_162, %parallel_loop3A_165, %parallel_loop3A_159 : vector<16xi1>, vector<16xi32>
        %parallel_loop3A_167 = vector.shape_cast %parallel_loop3A_166 : vector<16xi32> to vector<16x1xi32>
        %parallel_loop3A_168 = vector.shape_cast %parallel_loop3A_167 : vector<16x1xi32> to vector<16xi32>
        %parallel_loop3A_169 = tpu.dynamic_gather %parallel_loop3A_155[%parallel_loop3A_168] in [0] : vector<16xf32>, vector<16xi32> -> vector<16xf32>
        %parallel_loop3A_170 = arith.addf %parallel_loop3A_155, %parallel_loop3A_169 : vector<16xf32>
        %parallel_loop3A_171 = arith.constant 2 : i32
        %parallel_loop3A_172 = vector.broadcast %parallel_loop3A_171 : i32 to vector<16xi32>
        %parallel_loop3A_173 = arith.xori %parallel_loop3A_156, %parallel_loop3A_172 : vector<16xi32>
        %parallel_loop3A_174 = arith.constant 0 : i32
        %parallel_loop3A_175 = vector.broadcast %parallel_loop3A_174 : i32 to vector<16xi32>
        %parallel_loop3A_176 = arith.cmpi slt, %parallel_loop3A_173, %parallel_loop3A_175 : vector<16xi32>
        %parallel_loop3A_177 = arith.constant 16 : i32
        %parallel_loop3A_178 = vector.broadcast %parallel_loop3A_177 : i32 to vector<16xi32>
        %parallel_loop3A_179 = arith.addi %parallel_loop3A_173, %parallel_loop3A_178 : vector<16xi32>
        %parallel_loop3A_180 = arith.select %parallel_loop3A_176, %parallel_loop3A_179, %parallel_loop3A_173 : vector<16xi1>, vector<16xi32>
        %parallel_loop3A_181 = vector.shape_cast %parallel_loop3A_180 : vector<16xi32> to vector<16x1xi32>
        %parallel_loop3A_182 = vector.shape_cast %parallel_loop3A_181 : vector<16x1xi32> to vector<16xi32>
        %parallel_loop3A_183 = tpu.dynamic_gather %parallel_loop3A_170[%parallel_loop3A_182] in [0] : vector<16xf32>, vector<16xi32> -> vector<16xf32>
        %parallel_loop3A_184 = arith.addf %parallel_loop3A_170, %parallel_loop3A_183 : vector<16xf32>
        %parallel_loop3A_185 = arith.constant 4 : i32
        %parallel_loop3A_186 = vector.broadcast %parallel_loop3A_185 : i32 to vector<16xi32>
        %parallel_loop3A_187 = arith.xori %parallel_loop3A_156, %parallel_loop3A_186 : vector<16xi32>
        %parallel_loop3A_188 = arith.constant 0 : i32
        %parallel_loop3A_189 = vector.broadcast %parallel_loop3A_188 : i32 to vector<16xi32>
        %parallel_loop3A_190 = arith.cmpi slt, %parallel_loop3A_187, %parallel_loop3A_189 : vector<16xi32>
        %parallel_loop3A_191 = arith.constant 16 : i32
        %parallel_loop3A_192 = vector.broadcast %parallel_loop3A_191 : i32 to vector<16xi32>
        %parallel_loop3A_193 = arith.addi %parallel_loop3A_187, %parallel_loop3A_192 : vector<16xi32>
        %parallel_loop3A_194 = arith.select %parallel_loop3A_190, %parallel_loop3A_193, %parallel_loop3A_187 : vector<16xi1>, vector<16xi32>
        %parallel_loop3A_195 = vector.shape_cast %parallel_loop3A_194 : vector<16xi32> to vector<16x1xi32>
        %parallel_loop3A_196 = vector.shape_cast %parallel_loop3A_195 : vector<16x1xi32> to vector<16xi32>
        %parallel_loop3A_197 = tpu.dynamic_gather %parallel_loop3A_184[%parallel_loop3A_196] in [0] : vector<16xf32>, vector<16xi32> -> vector<16xf32>
        %parallel_loop3A_198 = arith.addf %parallel_loop3A_184, %parallel_loop3A_197 : vector<16xf32>
        %parallel_loop3A_199 = arith.constant 8 : i32
        %parallel_loop3A_200 = vector.broadcast %parallel_loop3A_199 : i32 to vector<16xi32>
        %parallel_loop3A_201 = arith.xori %parallel_loop3A_156, %parallel_loop3A_200 : vector<16xi32>
        %parallel_loop3A_202 = arith.constant 0 : i32
        %parallel_loop3A_203 = vector.broadcast %parallel_loop3A_202 : i32 to vector<16xi32>
        %parallel_loop3A_204 = arith.cmpi slt, %parallel_loop3A_201, %parallel_loop3A_203 : vector<16xi32>
        %parallel_loop3A_205 = arith.constant 16 : i32
        %parallel_loop3A_206 = vector.broadcast %parallel_loop3A_205 : i32 to vector<16xi32>
        %parallel_loop3A_207 = arith.addi %parallel_loop3A_201, %parallel_loop3A_206 : vector<16xi32>
        %parallel_loop3A_208 = arith.select %parallel_loop3A_204, %parallel_loop3A_207, %parallel_loop3A_201 : vector<16xi1>, vector<16xi32>
        %parallel_loop3A_209 = vector.shape_cast %parallel_loop3A_208 : vector<16xi32> to vector<16x1xi32>
        %parallel_loop3A_210 = vector.shape_cast %parallel_loop3A_209 : vector<16x1xi32> to vector<16xi32>
        %parallel_loop3A_211 = tpu.dynamic_gather %parallel_loop3A_198[%parallel_loop3A_210] in [0] : vector<16xf32>, vector<16xi32> -> vector<16xf32>
        %parallel_loop3A_212 = arith.addf %parallel_loop3A_198, %parallel_loop3A_211 : vector<16xf32>
        %parallel_loop3A_213 = math.exp %parallel_loop3A_212 : vector<16xf32>
        %parallel_loop3A_214 = arith.index_cast %parallel_loop3A_136 : i32 to index
        %parallel_loop3A_215 = arith.constant 0 : index
        %parallel_loop3A_216 = tpu.vector_load %arg13[%parallel_loop3A_214, %parallel_loop3A_215] {strides = array<i32>} : memref<80x128xf32, #tpu.memory_space<vmem>>, vector<1x16xf32>,
        %parallel_loop3A_217 = vector.shape_cast %parallel_loop3A_216 : vector<1x16xf32> to vector<16xf32>
        %parallel_loop3A_218 = arith.mulf %parallel_loop3A_217, %parallel_loop3A_213 : vector<16xf32>
        %parallel_loop3A_219 = arith.index_cast %parallel_loop3A_136 : i32 to index
        %parallel_loop3A_220 = arith.constant 0 : index
        %parallel_loop3A_221 = tpu.vector_load %arg14[%parallel_loop3A_219, %parallel_loop3A_220] {strides = array<i32>} : memref<80x144xf32, #tpu.memory_space<vmem>>, vector<1x16xf32>,
        %parallel_loop3A_222 = vector.shape_cast %parallel_loop3A_221 : vector<1x16xf32> to vector<16xf32>
        %parallel_loop3A_223 = vector.shape_cast %parallel_loop3A_218 : vector<16xf32> to vector<1x16xf32>
        tpu.vector_store %arg14[%parallel_loop3A_219, %parallel_loop3A_220], %parallel_loop3A_223 {strides = array<i32>} : memref<80x144xf32, #tpu.memory_space<vmem>>, vector<1x16xf32>,
        %parallel_loop3A_224 = arith.index_cast %parallel_loop3A_136 : i32 to index
        %parallel_loop3A_225 = arith.constant 16 : index
        %parallel_loop3A_226 = tpu.vector_load %arg13[%parallel_loop3A_224, %parallel_loop3A_225] {strides = array<i32>} : memref<80x128xf32, #tpu.memory_space<vmem>>, vector<1x16xf32>,
        %parallel_loop3A_227 = vector.shape_cast %parallel_loop3A_226 : vector<1x16xf32> to vector<16xf32>
        %parallel_loop3A_228 = arith.mulf %parallel_loop3A_227, %parallel_loop3A_213 : vector<16xf32>
        %parallel_loop3A_229 = arith.index_cast %parallel_loop3A_136 : i32 to index
        %parallel_loop3A_230 = arith.constant 16 : index
        %parallel_loop3A_231 = tpu.vector_load %arg14[%parallel_loop3A_229, %parallel_loop3A_230] {strides = array<i32>} : memref<80x144xf32, #tpu.memory_space<vmem>>, vector<1x16xf32>,
        %parallel_loop3A_232 = vector.shape_cast %parallel_loop3A_231 : vector<1x16xf32> to vector<16xf32>
        %parallel_loop3A_233 = vector.shape_cast %parallel_loop3A_228 : vector<16xf32> to vector<1x16xf32>
        tpu.vector_store %arg14[%parallel_loop3A_229, %parallel_loop3A_230], %parallel_loop3A_233 {strides = array<i32>} : memref<80x144xf32, #tpu.memory_space<vmem>>, vector<1x16xf32>,
        %parallel_loop3A_234 = arith.constant 0 : i32
        %parallel_loop3A_235 = vector.broadcast %parallel_loop3A_234 : i32 to vector<16xi32>
        %parallel_loop3A_236 = arith.cmpi eq, %iota3A, %parallel_loop3A_235 : vector<16xi32>
        %parallel_loop3A_237 = arith.select %parallel_loop3A_236, %parallel_loop3A_213, %broadcast_in_dim3A_0 : vector<16xi1>, vector<16xf32>
        %parallel_loop3A_238 = arith.index_cast %parallel_loop3A_136 : i32 to index
        %parallel_loop3A_239 = arith.constant 32 : index
        %parallel_loop3A_240 = tpu.vector_load %arg11[%parallel_loop3A_238, %parallel_loop3A_239] {strides = array<i32>} : memref<80x128xf32, #tpu.memory_space<vmem>>, vector<1x16xf32>,
        %parallel_loop3A_241 = vector.shape_cast %parallel_loop3A_240 : vector<1x16xf32> to vector<16xf32>
        %parallel_loop3A_242 = arith.index_cast %parallel_loop3A_136 : i32 to index
        %parallel_loop3A_243 = arith.constant 32 : index
        %parallel_loop3A_244 = tpu.vector_load %arg12[%parallel_loop3A_242, %parallel_loop3A_243] {strides = array<i32>} : memref<80x128xf32, #tpu.memory_space<vmem>>, vector<1x16xf32>,
        %parallel_loop3A_245 = vector.shape_cast %parallel_loop3A_244 : vector<1x16xf32> to vector<16xf32>
        %parallel_loop3A_246 = arith.mulf %parallel_loop3A_241, %parallel_loop3A_245 : vector<16xf32>
        %parallel_loop3A_247 = arith.index_cast %parallel_loop3A_136 : i32 to index
        %parallel_loop3A_248 = arith.constant 48 : index
        %parallel_loop3A_249 = tpu.vector_load %arg11[%parallel_loop3A_247, %parallel_loop3A_248] {strides = array<i32>} : memref<80x128xf32, #tpu.memory_space<vmem>>, vector<1x16xf32>,
        %parallel_loop3A_250 = vector.shape_cast %parallel_loop3A_249 : vector<1x16xf32> to vector<16xf32>
        %parallel_loop3A_251 = arith.index_cast %parallel_loop3A_136 : i32 to index
        %parallel_loop3A_252 = arith.constant 48 : index
        %parallel_loop3A_253 = tpu.vector_load %arg12[%parallel_loop3A_251, %parallel_loop3A_252] {strides = array<i32>} : memref<80x128xf32, #tpu.memory_space<vmem>>, vector<1x16xf32>,
        %parallel_loop3A_254 = vector.shape_cast %parallel_loop3A_253 : vector<1x16xf32> to vector<16xf32>
        %parallel_loop3A_255 = arith.mulf %parallel_loop3A_250, %parallel_loop3A_254 : vector<16xf32>
        %parallel_loop3A_256 = arith.addf %parallel_loop3A_246, %parallel_loop3A_255 : vector<16xf32>
        %parallel_loop3A_257 = tpu.iota {dimensions = array<i32: 0>} : vector<16xi32>
        %parallel_loop3A_258 = arith.constant 1 : i32
        %parallel_loop3A_259 = vector.broadcast %parallel_loop3A_258 : i32 to vector<16xi32>
        %parallel_loop3A_260 = arith.xori %parallel_loop3A_257, %parallel_loop3A_259 : vector<16xi32>
        %parallel_loop3A_261 = arith.constant 0 : i32
        %parallel_loop3A_262 = vector.broadcast %parallel_loop3A_261 : i32 to vector<16xi32>
        %parallel_loop3A_263 = arith.cmpi slt, %parallel_loop3A_260, %parallel_loop3A_262 : vector<16xi32>
        %parallel_loop3A_264 = arith.constant 16 : i32
        %parallel_loop3A_265 = vector.broadcast %parallel_loop3A_264 : i32 to vector<16xi32>
        %parallel_loop3A_266 = arith.addi %parallel_loop3A_260, %parallel_loop3A_265 : vector<16xi32>
        %parallel_loop3A_267 = arith.select %parallel_loop3A_263, %parallel_loop3A_266, %parallel_loop3A_260 : vector<16xi1>, vector<16xi32>
        %parallel_loop3A_268 = vector.shape_cast %parallel_loop3A_267 : vector<16xi32> to vector<16x1xi32>
        %parallel_loop3A_269 = vector.shape_cast %parallel_loop3A_268 : vector<16x1xi32> to vector<16xi32>
        %parallel_loop3A_270 = tpu.dynamic_gather %parallel_loop3A_256[%parallel_loop3A_269] in [0] : vector<16xf32>, vector<16xi32> -> vector<16xf32>
        %parallel_loop3A_271 = arith.addf %parallel_loop3A_256, %parallel_loop3A_270 : vector<16xf32>
        %parallel_loop3A_272 = arith.constant 2 : i32
        %parallel_loop3A_273 = vector.broadcast %parallel_loop3A_272 : i32 to vector<16xi32>
        %parallel_loop3A_274 = arith.xori %parallel_loop3A_257, %parallel_loop3A_273 : vector<16xi32>
        %parallel_loop3A_275 = arith.constant 0 : i32
        %parallel_loop3A_276 = vector.broadcast %parallel_loop3A_275 : i32 to vector<16xi32>
        %parallel_loop3A_277 = arith.cmpi slt, %parallel_loop3A_274, %parallel_loop3A_276 : vector<16xi32>
        %parallel_loop3A_278 = arith.constant 16 : i32
        %parallel_loop3A_279 = vector.broadcast %parallel_loop3A_278 : i32 to vector<16xi32>
        %parallel_loop3A_280 = arith.addi %parallel_loop3A_274, %parallel_loop3A_279 : vector<16xi32>
        %parallel_loop3A_281 = arith.select %parallel_loop3A_277, %parallel_loop3A_280, %parallel_loop3A_274 : vector<16xi1>, vector<16xi32>
        %parallel_loop3A_282 = vector.shape_cast %parallel_loop3A_281 : vector<16xi32> to vector<16x1xi32>
        %parallel_loop3A_283 = vector.shape_cast %parallel_loop3A_282 : vector<16x1xi32> to vector<16xi32>
        %parallel_loop3A_284 = tpu.dynamic_gather %parallel_loop3A_271[%parallel_loop3A_283] in [0] : vector<16xf32>, vector<16xi32> -> vector<16xf32>
        %parallel_loop3A_285 = arith.addf %parallel_loop3A_271, %parallel_loop3A_284 : vector<16xf32>
        %parallel_loop3A_286 = arith.constant 4 : i32
        %parallel_loop3A_287 = vector.broadcast %parallel_loop3A_286 : i32 to vector<16xi32>
        %parallel_loop3A_288 = arith.xori %parallel_loop3A_257, %parallel_loop3A_287 : vector<16xi32>
        %parallel_loop3A_289 = arith.constant 0 : i32
        %parallel_loop3A_290 = vector.broadcast %parallel_loop3A_289 : i32 to vector<16xi32>
        %parallel_loop3A_291 = arith.cmpi slt, %parallel_loop3A_288, %parallel_loop3A_290 : vector<16xi32>
        %parallel_loop3A_292 = arith.constant 16 : i32
        %parallel_loop3A_293 = vector.broadcast %parallel_loop3A_292 : i32 to vector<16xi32>
        %parallel_loop3A_294 = arith.addi %parallel_loop3A_288, %parallel_loop3A_293 : vector<16xi32>
        %parallel_loop3A_295 = arith.select %parallel_loop3A_291, %parallel_loop3A_294, %parallel_loop3A_288 : vector<16xi1>, vector<16xi32>
        %parallel_loop3A_296 = vector.shape_cast %parallel_loop3A_295 : vector<16xi32> to vector<16x1xi32>
        %parallel_loop3A_297 = vector.shape_cast %parallel_loop3A_296 : vector<16x1xi32> to vector<16xi32>
        %parallel_loop3A_298 = tpu.dynamic_gather %parallel_loop3A_285[%parallel_loop3A_297] in [0] : vector<16xf32>, vector<16xi32> -> vector<16xf32>
        %parallel_loop3A_299 = arith.addf %parallel_loop3A_285, %parallel_loop3A_298 : vector<16xf32>
        %parallel_loop3A_300 = arith.constant 8 : i32
        %parallel_loop3A_301 = vector.broadcast %parallel_loop3A_300 : i32 to vector<16xi32>
        %parallel_loop3A_302 = arith.xori %parallel_loop3A_257, %parallel_loop3A_301 : vector<16xi32>
        %parallel_loop3A_303 = arith.constant 0 : i32
        %parallel_loop3A_304 = vector.broadcast %parallel_loop3A_303 : i32 to vector<16xi32>
        %parallel_loop3A_305 = arith.cmpi slt, %parallel_loop3A_302, %parallel_loop3A_304 : vector<16xi32>
        %parallel_loop3A_306 = arith.constant 16 : i32
        %parallel_loop3A_307 = vector.broadcast %parallel_loop3A_306 : i32 to vector<16xi32>
        %parallel_loop3A_308 = arith.addi %parallel_loop3A_302, %parallel_loop3A_307 : vector<16xi32>
        %parallel_loop3A_309 = arith.select %parallel_loop3A_305, %parallel_loop3A_308, %parallel_loop3A_302 : vector<16xi1>, vector<16xi32>
        %parallel_loop3A_310 = vector.shape_cast %parallel_loop3A_309 : vector<16xi32> to vector<16x1xi32>
        %parallel_loop3A_311 = vector.shape_cast %parallel_loop3A_310 : vector<16x1xi32> to vector<16xi32>
        %parallel_loop3A_312 = tpu.dynamic_gather %parallel_loop3A_299[%parallel_loop3A_311] in [0] : vector<16xf32>, vector<16xi32> -> vector<16xf32>
        %parallel_loop3A_313 = arith.addf %parallel_loop3A_299, %parallel_loop3A_312 : vector<16xf32>
        %parallel_loop3A_314 = math.exp %parallel_loop3A_313 : vector<16xf32>
        %parallel_loop3A_315 = arith.index_cast %parallel_loop3A_136 : i32 to index
        %parallel_loop3A_316 = arith.constant 32 : index
        %parallel_loop3A_317 = tpu.vector_load %arg13[%parallel_loop3A_315, %parallel_loop3A_316] {strides = array<i32>} : memref<80x128xf32, #tpu.memory_space<vmem>>, vector<1x16xf32>,
        %parallel_loop3A_318 = vector.shape_cast %parallel_loop3A_317 : vector<1x16xf32> to vector<16xf32>
        %parallel_loop3A_319 = arith.mulf %parallel_loop3A_318, %parallel_loop3A_314 : vector<16xf32>
        %parallel_loop3A_320 = arith.index_cast %parallel_loop3A_136 : i32 to index
        %parallel_loop3A_321 = arith.constant 32 : index
        %parallel_loop3A_322 = tpu.vector_load %arg14[%parallel_loop3A_320, %parallel_loop3A_321] {strides = array<i32>} : memref<80x144xf32, #tpu.memory_space<vmem>>, vector<1x16xf32>,
        %parallel_loop3A_323 = vector.shape_cast %parallel_loop3A_322 : vector<1x16xf32> to vector<16xf32>
        %parallel_loop3A_324 = vector.shape_cast %parallel_loop3A_319 : vector<16xf32> to vector<1x16xf32>
        tpu.vector_store %arg14[%parallel_loop3A_320, %parallel_loop3A_321], %parallel_loop3A_324 {strides = array<i32>} : memref<80x144xf32, #tpu.memory_space<vmem>>, vector<1x16xf32>,
        %parallel_loop3A_325 = arith.index_cast %parallel_loop3A_136 : i32 to index
        %parallel_loop3A_326 = arith.constant 48 : index
        %parallel_loop3A_327 = tpu.vector_load %arg13[%parallel_loop3A_325, %parallel_loop3A_326] {strides = array<i32>} : memref<80x128xf32, #tpu.memory_space<vmem>>, vector<1x16xf32>,
        %parallel_loop3A_328 = vector.shape_cast %parallel_loop3A_327 : vector<1x16xf32> to vector<16xf32>
        %parallel_loop3A_329 = arith.mulf %parallel_loop3A_328, %parallel_loop3A_314 : vector<16xf32>
        %parallel_loop3A_330 = arith.index_cast %parallel_loop3A_136 : i32 to index
        %parallel_loop3A_331 = arith.constant 48 : index
        %parallel_loop3A_332 = tpu.vector_load %arg14[%parallel_loop3A_330, %parallel_loop3A_331] {strides = array<i32>} : memref<80x144xf32, #tpu.memory_space<vmem>>, vector<1x16xf32>,
        %parallel_loop3A_333 = vector.shape_cast %parallel_loop3A_332 : vector<1x16xf32> to vector<16xf32>
        %parallel_loop3A_334 = vector.shape_cast %parallel_loop3A_329 : vector<16xf32> to vector<1x16xf32>
        tpu.vector_store %arg14[%parallel_loop3A_330, %parallel_loop3A_331], %parallel_loop3A_334 {strides = array<i32>} : memref<80x144xf32, #tpu.memory_space<vmem>>, vector<1x16xf32>,
        %parallel_loop3A_335 = arith.constant 1 : i32
        %parallel_loop3A_336 = vector.broadcast %parallel_loop3A_335 : i32 to vector<16xi32>
        %parallel_loop3A_337 = arith.cmpi eq, %iota3A, %parallel_loop3A_336 : vector<16xi32>
        %parallel_loop3A_338 = arith.select %parallel_loop3A_337, %parallel_loop3A_314, %parallel_loop3A_237 : vector<16xi1>, vector<16xf32>
        %parallel_loop3A_339 = arith.index_cast %parallel_loop3A_136 : i32 to index
        %parallel_loop3A_340 = arith.constant 64 : index
        %parallel_loop3A_341 = tpu.vector_load %arg11[%parallel_loop3A_339, %parallel_loop3A_340] {strides = array<i32>} : memref<80x128xf32, #tpu.memory_space<vmem>>, vector<1x16xf32>,
        %parallel_loop3A_342 = vector.shape_cast %parallel_loop3A_341 : vector<1x16xf32> to vector<16xf32>
        %parallel_loop3A_343 = arith.index_cast %parallel_loop3A_136 : i32 to index
        %parallel_loop3A_344 = arith.constant 64 : index
        %parallel_loop3A_345 = tpu.vector_load %arg12[%parallel_loop3A_343, %parallel_loop3A_344] {strides = array<i32>} : memref<80x128xf32, #tpu.memory_space<vmem>>, vector<1x16xf32>,
        %parallel_loop3A_346 = vector.shape_cast %parallel_loop3A_345 : vector<1x16xf32> to vector<16xf32>
        %parallel_loop3A_347 = arith.mulf %parallel_loop3A_342, %parallel_loop3A_346 : vector<16xf32>
        %parallel_loop3A_348 = arith.index_cast %parallel_loop3A_136 : i32 to index
        %parallel_loop3A_349 = arith.constant 80 : index
        %parallel_loop3A_350 = tpu.vector_load %arg11[%parallel_loop3A_348, %parallel_loop3A_349] {strides = array<i32>} : memref<80x128xf32, #tpu.memory_space<vmem>>, vector<1x16xf32>,
        %parallel_loop3A_351 = vector.shape_cast %parallel_loop3A_350 : vector<1x16xf32> to vector<16xf32>
        %parallel_loop3A_352 = arith.index_cast %parallel_loop3A_136 : i32 to index
        %parallel_loop3A_353 = arith.constant 80 : index
        %parallel_loop3A_354 = tpu.vector_load %arg12[%parallel_loop3A_352, %parallel_loop3A_353] {strides = array<i32>} : memref<80x128xf32, #tpu.memory_space<vmem>>, vector<1x16xf32>,
        %parallel_loop3A_355 = vector.shape_cast %parallel_loop3A_354 : vector<1x16xf32> to vector<16xf32>
        %parallel_loop3A_356 = arith.mulf %parallel_loop3A_351, %parallel_loop3A_355 : vector<16xf32>
        %parallel_loop3A_357 = arith.addf %parallel_loop3A_347, %parallel_loop3A_356 : vector<16xf32>
        %parallel_loop3A_358 = tpu.iota {dimensions = array<i32: 0>} : vector<16xi32>
        %parallel_loop3A_359 = arith.constant 1 : i32
        %parallel_loop3A_360 = vector.broadcast %parallel_loop3A_359 : i32 to vector<16xi32>
        %parallel_loop3A_361 = arith.xori %parallel_loop3A_358, %parallel_loop3A_360 : vector<16xi32>
        %parallel_loop3A_362 = arith.constant 0 : i32
        %parallel_loop3A_363 = vector.broadcast %parallel_loop3A_362 : i32 to vector<16xi32>
        %parallel_loop3A_364 = arith.cmpi slt, %parallel_loop3A_361, %parallel_loop3A_363 : vector<16xi32>
        %parallel_loop3A_365 = arith.constant 16 : i32
        %parallel_loop3A_366 = vector.broadcast %parallel_loop3A_365 : i32 to vector<16xi32>
        %parallel_loop3A_367 = arith.addi %parallel_loop3A_361, %parallel_loop3A_366 : vector<16xi32>
        %parallel_loop3A_368 = arith.select %parallel_loop3A_364, %parallel_loop3A_367, %parallel_loop3A_361 : vector<16xi1>, vector<16xi32>
        %parallel_loop3A_369 = vector.shape_cast %parallel_loop3A_368 : vector<16xi32> to vector<16x1xi32>
        %parallel_loop3A_370 = vector.shape_cast %parallel_loop3A_369 : vector<16x1xi32> to vector<16xi32>
        %parallel_loop3A_371 = tpu.dynamic_gather %parallel_loop3A_357[%parallel_loop3A_370] in [0] : vector<16xf32>, vector<16xi32> -> vector<16xf32>
        %parallel_loop3A_372 = arith.addf %parallel_loop3A_357, %parallel_loop3A_371 : vector<16xf32>
        %parallel_loop3A_373 = arith.constant 2 : i32
        %parallel_loop3A_374 = vector.broadcast %parallel_loop3A_373 : i32 to vector<16xi32>
        %parallel_loop3A_375 = arith.xori %parallel_loop3A_358, %parallel_loop3A_374 : vector<16xi32>
        %parallel_loop3A_376 = arith.constant 0 : i32
        %parallel_loop3A_377 = vector.broadcast %parallel_loop3A_376 : i32 to vector<16xi32>
        %parallel_loop3A_378 = arith.cmpi slt, %parallel_loop3A_375, %parallel_loop3A_377 : vector<16xi32>
        %parallel_loop3A_379 = arith.constant 16 : i32
        %parallel_loop3A_380 = vector.broadcast %parallel_loop3A_379 : i32 to vector<16xi32>
        %parallel_loop3A_381 = arith.addi %parallel_loop3A_375, %parallel_loop3A_380 : vector<16xi32>
        %parallel_loop3A_382 = arith.select %parallel_loop3A_378, %parallel_loop3A_381, %parallel_loop3A_375 : vector<16xi1>, vector<16xi32>
        %parallel_loop3A_383 = vector.shape_cast %parallel_loop3A_382 : vector<16xi32> to vector<16x1xi32>
        %parallel_loop3A_384 = vector.shape_cast %parallel_loop3A_383 : vector<16x1xi32> to vector<16xi32>
        %parallel_loop3A_385 = tpu.dynamic_gather %parallel_loop3A_372[%parallel_loop3A_384] in [0] : vector<16xf32>, vector<16xi32> -> vector<16xf32>
        %parallel_loop3A_386 = arith.addf %parallel_loop3A_372, %parallel_loop3A_385 : vector<16xf32>
        %parallel_loop3A_387 = arith.constant 4 : i32
        %parallel_loop3A_388 = vector.broadcast %parallel_loop3A_387 : i32 to vector<16xi32>
        %parallel_loop3A_389 = arith.xori %parallel_loop3A_358, %parallel_loop3A_388 : vector<16xi32>
        %parallel_loop3A_390 = arith.constant 0 : i32
        %parallel_loop3A_391 = vector.broadcast %parallel_loop3A_390 : i32 to vector<16xi32>
        %parallel_loop3A_392 = arith.cmpi slt, %parallel_loop3A_389, %parallel_loop3A_391 : vector<16xi32>
        %parallel_loop3A_393 = arith.constant 16 : i32
        %parallel_loop3A_394 = vector.broadcast %parallel_loop3A_393 : i32 to vector<16xi32>
        %parallel_loop3A_395 = arith.addi %parallel_loop3A_389, %parallel_loop3A_394 : vector<16xi32>
        %parallel_loop3A_396 = arith.select %parallel_loop3A_392, %parallel_loop3A_395, %parallel_loop3A_389 : vector<16xi1>, vector<16xi32>
        %parallel_loop3A_397 = vector.shape_cast %parallel_loop3A_396 : vector<16xi32> to vector<16x1xi32>
        %parallel_loop3A_398 = vector.shape_cast %parallel_loop3A_397 : vector<16x1xi32> to vector<16xi32>
        %parallel_loop3A_399 = tpu.dynamic_gather %parallel_loop3A_386[%parallel_loop3A_398] in [0] : vector<16xf32>, vector<16xi32> -> vector<16xf32>
        %parallel_loop3A_400 = arith.addf %parallel_loop3A_386, %parallel_loop3A_399 : vector<16xf32>
        %parallel_loop3A_401 = arith.constant 8 : i32
        %parallel_loop3A_402 = vector.broadcast %parallel_loop3A_401 : i32 to vector<16xi32>
        %parallel_loop3A_403 = arith.xori %parallel_loop3A_358, %parallel_loop3A_402 : vector<16xi32>
        %parallel_loop3A_404 = arith.constant 0 : i32
        %parallel_loop3A_405 = vector.broadcast %parallel_loop3A_404 : i32 to vector<16xi32>
        %parallel_loop3A_406 = arith.cmpi slt, %parallel_loop3A_403, %parallel_loop3A_405 : vector<16xi32>
        %parallel_loop3A_407 = arith.constant 16 : i32
        %parallel_loop3A_408 = vector.broadcast %parallel_loop3A_407 : i32 to vector<16xi32>
        %parallel_loop3A_409 = arith.addi %parallel_loop3A_403, %parallel_loop3A_408 : vector<16xi32>
        %parallel_loop3A_410 = arith.select %parallel_loop3A_406, %parallel_loop3A_409, %parallel_loop3A_403 : vector<16xi1>, vector<16xi32>
        %parallel_loop3A_411 = vector.shape_cast %parallel_loop3A_410 : vector<16xi32> to vector<16x1xi32>
        %parallel_loop3A_412 = vector.shape_cast %parallel_loop3A_411 : vector<16x1xi32> to vector<16xi32>
        %parallel_loop3A_413 = tpu.dynamic_gather %parallel_loop3A_400[%parallel_loop3A_412] in [0] : vector<16xf32>, vector<16xi32> -> vector<16xf32>
        %parallel_loop3A_414 = arith.addf %parallel_loop3A_400, %parallel_loop3A_413 : vector<16xf32>
        %parallel_loop3A_415 = math.exp %parallel_loop3A_414 : vector<16xf32>
        %parallel_loop3A_416 = arith.index_cast %parallel_loop3A_136 : i32 to index
        %parallel_loop3A_417 = arith.constant 64 : index
        %parallel_loop3A_418 = tpu.vector_load %arg13[%parallel_loop3A_416, %parallel_loop3A_417] {strides = array<i32>} : memref<80x128xf32, #tpu.memory_space<vmem>>, vector<1x16xf32>,
        %parallel_loop3A_419 = vector.shape_cast %parallel_loop3A_418 : vector<1x16xf32> to vector<16xf32>
        %parallel_loop3A_420 = arith.mulf %parallel_loop3A_419, %parallel_loop3A_415 : vector<16xf32>
        %parallel_loop3A_421 = arith.index_cast %parallel_loop3A_136 : i32 to index
        %parallel_loop3A_422 = arith.constant 64 : index
        %parallel_loop3A_423 = tpu.vector_load %arg14[%parallel_loop3A_421, %parallel_loop3A_422] {strides = array<i32>} : memref<80x144xf32, #tpu.memory_space<vmem>>, vector<1x16xf32>,
        %parallel_loop3A_424 = vector.shape_cast %parallel_loop3A_423 : vector<1x16xf32> to vector<16xf32>
        %parallel_loop3A_425 = vector.shape_cast %parallel_loop3A_420 : vector<16xf32> to vector<1x16xf32>
        tpu.vector_store %arg14[%parallel_loop3A_421, %parallel_loop3A_422], %parallel_loop3A_425 {strides = array<i32>} : memref<80x144xf32, #tpu.memory_space<vmem>>, vector<1x16xf32>,
        %parallel_loop3A_426 = arith.index_cast %parallel_loop3A_136 : i32 to index
        %parallel_loop3A_427 = arith.constant 80 : index
        %parallel_loop3A_428 = tpu.vector_load %arg13[%parallel_loop3A_426, %parallel_loop3A_427] {strides = array<i32>} : memref<80x128xf32, #tpu.memory_space<vmem>>, vector<1x16xf32>,
        %parallel_loop3A_429 = vector.shape_cast %parallel_loop3A_428 : vector<1x16xf32> to vector<16xf32>
        %parallel_loop3A_430 = arith.mulf %parallel_loop3A_429, %parallel_loop3A_415 : vector<16xf32>
        %parallel_loop3A_431 = arith.index_cast %parallel_loop3A_136 : i32 to index
        %parallel_loop3A_432 = arith.constant 80 : index
        %parallel_loop3A_433 = tpu.vector_load %arg14[%parallel_loop3A_431, %parallel_loop3A_432] {strides = array<i32>} : memref<80x144xf32, #tpu.memory_space<vmem>>, vector<1x16xf32>,
        %parallel_loop3A_434 = vector.shape_cast %parallel_loop3A_433 : vector<1x16xf32> to vector<16xf32>
        %parallel_loop3A_435 = vector.shape_cast %parallel_loop3A_430 : vector<16xf32> to vector<1x16xf32>
        tpu.vector_store %arg14[%parallel_loop3A_431, %parallel_loop3A_432], %parallel_loop3A_435 {strides = array<i32>} : memref<80x144xf32, #tpu.memory_space<vmem>>, vector<1x16xf32>,
        %parallel_loop3A_436 = arith.constant 2 : i32
        %parallel_loop3A_437 = vector.broadcast %parallel_loop3A_436 : i32 to vector<16xi32>
        %parallel_loop3A_438 = arith.cmpi eq, %iota3A, %parallel_loop3A_437 : vector<16xi32>
        %parallel_loop3A_439 = arith.select %parallel_loop3A_438, %parallel_loop3A_415, %parallel_loop3A_338 : vector<16xi1>, vector<16xf32>
        %parallel_loop3A_440 = arith.index_cast %parallel_loop3A_136 : i32 to index
        %parallel_loop3A_441 = arith.constant 96 : index
        %parallel_loop3A_442 = tpu.vector_load %arg11[%parallel_loop3A_440, %parallel_loop3A_441] {strides = array<i32>} : memref<80x128xf32, #tpu.memory_space<vmem>>, vector<1x16xf32>,
        %parallel_loop3A_443 = vector.shape_cast %parallel_loop3A_442 : vector<1x16xf32> to vector<16xf32>
        %parallel_loop3A_444 = arith.index_cast %parallel_loop3A_136 : i32 to index
        %parallel_loop3A_445 = arith.constant 96 : index
        %parallel_loop3A_446 = tpu.vector_load %arg12[%parallel_loop3A_444, %parallel_loop3A_445] {strides = array<i32>} : memref<80x128xf32, #tpu.memory_space<vmem>>, vector<1x16xf32>,
        %parallel_loop3A_447 = vector.shape_cast %parallel_loop3A_446 : vector<1x16xf32> to vector<16xf32>
        %parallel_loop3A_448 = arith.mulf %parallel_loop3A_443, %parallel_loop3A_447 : vector<16xf32>
        %parallel_loop3A_449 = arith.index_cast %parallel_loop3A_136 : i32 to index
        %parallel_loop3A_450 = arith.constant 112 : index
        %parallel_loop3A_451 = tpu.vector_load %arg11[%parallel_loop3A_449, %parallel_loop3A_450] {strides = array<i32>} : memref<80x128xf32, #tpu.memory_space<vmem>>, vector<1x16xf32>,
        %parallel_loop3A_452 = vector.shape_cast %parallel_loop3A_451 : vector<1x16xf32> to vector<16xf32>
        %parallel_loop3A_453 = arith.index_cast %parallel_loop3A_136 : i32 to index
        %parallel_loop3A_454 = arith.constant 112 : index
        %parallel_loop3A_455 = tpu.vector_load %arg12[%parallel_loop3A_453, %parallel_loop3A_454] {strides = array<i32>} : memref<80x128xf32, #tpu.memory_space<vmem>>, vector<1x16xf32>,
        %parallel_loop3A_456 = vector.shape_cast %parallel_loop3A_455 : vector<1x16xf32> to vector<16xf32>
        %parallel_loop3A_457 = arith.mulf %parallel_loop3A_452, %parallel_loop3A_456 : vector<16xf32>
        %parallel_loop3A_458 = arith.addf %parallel_loop3A_448, %parallel_loop3A_457 : vector<16xf32>
        %parallel_loop3A_459 = tpu.iota {dimensions = array<i32: 0>} : vector<16xi32>
        %parallel_loop3A_460 = arith.constant 1 : i32
        %parallel_loop3A_461 = vector.broadcast %parallel_loop3A_460 : i32 to vector<16xi32>
        %parallel_loop3A_462 = arith.xori %parallel_loop3A_459, %parallel_loop3A_461 : vector<16xi32>
        %parallel_loop3A_463 = arith.constant 0 : i32
        %parallel_loop3A_464 = vector.broadcast %parallel_loop3A_463 : i32 to vector<16xi32>
        %parallel_loop3A_465 = arith.cmpi slt, %parallel_loop3A_462, %parallel_loop3A_464 : vector<16xi32>
        %parallel_loop3A_466 = arith.constant 16 : i32
        %parallel_loop3A_467 = vector.broadcast %parallel_loop3A_466 : i32 to vector<16xi32>
        %parallel_loop3A_468 = arith.addi %parallel_loop3A_462, %parallel_loop3A_467 : vector<16xi32>
        %parallel_loop3A_469 = arith.select %parallel_loop3A_465, %parallel_loop3A_468, %parallel_loop3A_462 : vector<16xi1>, vector<16xi32>
        %parallel_loop3A_470 = vector.shape_cast %parallel_loop3A_469 : vector<16xi32> to vector<16x1xi32>
        %parallel_loop3A_471 = vector.shape_cast %parallel_loop3A_470 : vector<16x1xi32> to vector<16xi32>
        %parallel_loop3A_472 = tpu.dynamic_gather %parallel_loop3A_458[%parallel_loop3A_471] in [0] : vector<16xf32>, vector<16xi32> -> vector<16xf32>
        %parallel_loop3A_473 = arith.addf %parallel_loop3A_458, %parallel_loop3A_472 : vector<16xf32>
        %parallel_loop3A_474 = arith.constant 2 : i32
        %parallel_loop3A_475 = vector.broadcast %parallel_loop3A_474 : i32 to vector<16xi32>
        %parallel_loop3A_476 = arith.xori %parallel_loop3A_459, %parallel_loop3A_475 : vector<16xi32>
        %parallel_loop3A_477 = arith.constant 0 : i32
        %parallel_loop3A_478 = vector.broadcast %parallel_loop3A_477 : i32 to vector<16xi32>
        %parallel_loop3A_479 = arith.cmpi slt, %parallel_loop3A_476, %parallel_loop3A_478 : vector<16xi32>
        %parallel_loop3A_480 = arith.constant 16 : i32
        %parallel_loop3A_481 = vector.broadcast %parallel_loop3A_480 : i32 to vector<16xi32>
        %parallel_loop3A_482 = arith.addi %parallel_loop3A_476, %parallel_loop3A_481 : vector<16xi32>
        %parallel_loop3A_483 = arith.select %parallel_loop3A_479, %parallel_loop3A_482, %parallel_loop3A_476 : vector<16xi1>, vector<16xi32>
        %parallel_loop3A_484 = vector.shape_cast %parallel_loop3A_483 : vector<16xi32> to vector<16x1xi32>
        %parallel_loop3A_485 = vector.shape_cast %parallel_loop3A_484 : vector<16x1xi32> to vector<16xi32>
        %parallel_loop3A_486 = tpu.dynamic_gather %parallel_loop3A_473[%parallel_loop3A_485] in [0] : vector<16xf32>, vector<16xi32> -> vector<16xf32>
        %parallel_loop3A_487 = arith.addf %parallel_loop3A_473, %parallel_loop3A_486 : vector<16xf32>
        %parallel_loop3A_488 = arith.constant 4 : i32
        %parallel_loop3A_489 = vector.broadcast %parallel_loop3A_488 : i32 to vector<16xi32>
        %parallel_loop3A_490 = arith.xori %parallel_loop3A_459, %parallel_loop3A_489 : vector<16xi32>
        %parallel_loop3A_491 = arith.constant 0 : i32
        %parallel_loop3A_492 = vector.broadcast %parallel_loop3A_491 : i32 to vector<16xi32>
        %parallel_loop3A_493 = arith.cmpi slt, %parallel_loop3A_490, %parallel_loop3A_492 : vector<16xi32>
        %parallel_loop3A_494 = arith.constant 16 : i32
        %parallel_loop3A_495 = vector.broadcast %parallel_loop3A_494 : i32 to vector<16xi32>
        %parallel_loop3A_496 = arith.addi %parallel_loop3A_490, %parallel_loop3A_495 : vector<16xi32>
        %parallel_loop3A_497 = arith.select %parallel_loop3A_493, %parallel_loop3A_496, %parallel_loop3A_490 : vector<16xi1>, vector<16xi32>
        %parallel_loop3A_498 = vector.shape_cast %parallel_loop3A_497 : vector<16xi32> to vector<16x1xi32>
        %parallel_loop3A_499 = vector.shape_cast %parallel_loop3A_498 : vector<16x1xi32> to vector<16xi32>
        %parallel_loop3A_500 = tpu.dynamic_gather %parallel_loop3A_487[%parallel_loop3A_499] in [0] : vector<16xf32>, vector<16xi32> -> vector<16xf32>
        %parallel_loop3A_501 = arith.addf %parallel_loop3A_487, %parallel_loop3A_500 : vector<16xf32>
        %parallel_loop3A_502 = arith.constant 8 : i32
        %parallel_loop3A_503 = vector.broadcast %parallel_loop3A_502 : i32 to vector<16xi32>
        %parallel_loop3A_504 = arith.xori %parallel_loop3A_459, %parallel_loop3A_503 : vector<16xi32>
        %parallel_loop3A_505 = arith.constant 0 : i32
        %parallel_loop3A_506 = vector.broadcast %parallel_loop3A_505 : i32 to vector<16xi32>
        %parallel_loop3A_507 = arith.cmpi slt, %parallel_loop3A_504, %parallel_loop3A_506 : vector<16xi32>
        %parallel_loop3A_508 = arith.constant 16 : i32
        %parallel_loop3A_509 = vector.broadcast %parallel_loop3A_508 : i32 to vector<16xi32>
        %parallel_loop3A_510 = arith.addi %parallel_loop3A_504, %parallel_loop3A_509 : vector<16xi32>
        %parallel_loop3A_511 = arith.select %parallel_loop3A_507, %parallel_loop3A_510, %parallel_loop3A_504 : vector<16xi1>, vector<16xi32>
        %parallel_loop3A_512 = vector.shape_cast %parallel_loop3A_511 : vector<16xi32> to vector<16x1xi32>
        %parallel_loop3A_513 = vector.shape_cast %parallel_loop3A_512 : vector<16x1xi32> to vector<16xi32>
        %parallel_loop3A_514 = tpu.dynamic_gather %parallel_loop3A_501[%parallel_loop3A_513] in [0] : vector<16xf32>, vector<16xi32> -> vector<16xf32>
        %parallel_loop3A_515 = arith.addf %parallel_loop3A_501, %parallel_loop3A_514 : vector<16xf32>
        %parallel_loop3A_516 = math.exp %parallel_loop3A_515 : vector<16xf32>
        %parallel_loop3A_517 = arith.index_cast %parallel_loop3A_136 : i32 to index
        %parallel_loop3A_518 = arith.constant 96 : index
        %parallel_loop3A_519 = tpu.vector_load %arg13[%parallel_loop3A_517, %parallel_loop3A_518] {strides = array<i32>} : memref<80x128xf32, #tpu.memory_space<vmem>>, vector<1x16xf32>,
        %parallel_loop3A_520 = vector.shape_cast %parallel_loop3A_519 : vector<1x16xf32> to vector<16xf32>
        %parallel_loop3A_521 = arith.mulf %parallel_loop3A_520, %parallel_loop3A_516 : vector<16xf32>
        %parallel_loop3A_522 = arith.index_cast %parallel_loop3A_136 : i32 to index
        %parallel_loop3A_523 = arith.constant 96 : index
        %parallel_loop3A_524 = tpu.vector_load %arg14[%parallel_loop3A_522, %parallel_loop3A_523] {strides = array<i32>} : memref<80x144xf32, #tpu.memory_space<vmem>>, vector<1x16xf32>,
        %parallel_loop3A_525 = vector.shape_cast %parallel_loop3A_524 : vector<1x16xf32> to vector<16xf32>
        %parallel_loop3A_526 = vector.shape_cast %parallel_loop3A_521 : vector<16xf32> to vector<1x16xf32>
        tpu.vector_store %arg14[%parallel_loop3A_522, %parallel_loop3A_523], %parallel_loop3A_526 {strides = array<i32>} : memref<80x144xf32, #tpu.memory_space<vmem>>, vector<1x16xf32>,
        %parallel_loop3A_527 = arith.index_cast %parallel_loop3A_136 : i32 to index
        %parallel_loop3A_528 = arith.constant 112 : index
        %parallel_loop3A_529 = tpu.vector_load %arg13[%parallel_loop3A_527, %parallel_loop3A_528] {strides = array<i32>} : memref<80x128xf32, #tpu.memory_space<vmem>>, vector<1x16xf32>,
        %parallel_loop3A_530 = vector.shape_cast %parallel_loop3A_529 : vector<1x16xf32> to vector<16xf32>
        %parallel_loop3A_531 = arith.mulf %parallel_loop3A_530, %parallel_loop3A_516 : vector<16xf32>
        %parallel_loop3A_532 = arith.index_cast %parallel_loop3A_136 : i32 to index
        %parallel_loop3A_533 = arith.constant 112 : index
        %parallel_loop3A_534 = tpu.vector_load %arg14[%parallel_loop3A_532, %parallel_loop3A_533] {strides = array<i32>} : memref<80x144xf32, #tpu.memory_space<vmem>>, vector<1x16xf32>,
        %parallel_loop3A_535 = vector.shape_cast %parallel_loop3A_534 : vector<1x16xf32> to vector<16xf32>
        %parallel_loop3A_536 = vector.shape_cast %parallel_loop3A_531 : vector<16xf32> to vector<1x16xf32>
        tpu.vector_store %arg14[%parallel_loop3A_532, %parallel_loop3A_533], %parallel_loop3A_536 {strides = array<i32>} : memref<80x144xf32, #tpu.memory_space<vmem>>, vector<1x16xf32>,
        %parallel_loop3A_537 = arith.constant 3 : i32
        %parallel_loop3A_538 = vector.broadcast %parallel_loop3A_537 : i32 to vector<16xi32>
        %parallel_loop3A_539 = arith.cmpi eq, %iota3A, %parallel_loop3A_538 : vector<16xi32>
        %parallel_loop3A_540 = arith.select %parallel_loop3A_539, %parallel_loop3A_516, %parallel_loop3A_439 : vector<16xi1>, vector<16xf32>
        %parallel_loop3A_541 = arith.index_cast %parallel_loop3A_136 : i32 to index
        %parallel_loop3A_542 = arith.constant 128 : index
        %parallel_loop3A_543 = tpu.vector_load %arg14[%parallel_loop3A_541, %parallel_loop3A_542] {strides = array<i32>} : memref<80x144xf32, #tpu.memory_space<vmem>>, vector<1x16xf32>,
        %parallel_loop3A_544 = vector.shape_cast %parallel_loop3A_543 : vector<1x16xf32> to vector<16xf32>
        %parallel_loop3A_545 = vector.shape_cast %parallel_loop3A_540 : vector<16xf32> to vector<1x16xf32>
        tpu.vector_store %arg14[%parallel_loop3A_541, %parallel_loop3A_542], %parallel_loop3A_545 {strides = array<i32>} : memref<80x144xf32, #tpu.memory_space<vmem>>, vector<1x16xf32>,
      } {sc.loop_unroll_factor = 1 : i64, sc.parallel_access}
      "tpu.region"() ({
        %run_scoped3A = tpu.sem_alloc : memref<!tpu.dma_semaphore, #tpu.memory_space<semaphore_mem>>
        %dma_start3A_136 = arith.constant 0 : i32
        %dma_start3A_137 = arith.constant 0 : i32
        %dma_start3A_138 = tpu.memref_slice %arg16[%dma_start3A_136, %dma_start3A_137] : memref<5128x144xf32, #tpu.memory_space<vmem_shared>> -> memref<5128x144xf32, #tpu.memory_space<vmem_shared>>
        tpu.enqueue_indirect_dma source(%arg14 : memref<80x144xf32, #tpu.memory_space<vmem>>) target(%dma_start3A_138 : memref<5128x144xf32, #tpu.memory_space<vmem_shared>>) offsets(%arg10 : memref<80xi32, #tpu.memory_space<vmem>>) semaphore(%run_scoped3A : memref<!tpu.dma_semaphore, #tpu.memory_space<semaphore_mem>>) {add = true}
        %dma_wait3A_139 = arith.constant 0 : i32
        %dma_wait3A_140 = arith.constant 0 : i32
        %dma_wait3A_141 = tpu.memref_slice %arg16[%dma_wait3A_139, %dma_wait3A_140] : memref<5128x144xf32, #tpu.memory_space<vmem_shared>> -> memref<5128x144xf32, #tpu.memory_space<vmem_shared>>
        tpu.wait_indirect_dma semaphore(%run_scoped3A : memref<!tpu.dma_semaphore, #tpu.memory_space<semaphore_mem>>) src(%arg14 : memref<80x144xf32, #tpu.memory_space<vmem>>) dst(%dma_wait3A_141 : memref<5128x144xf32, #tpu.memory_space<vmem_shared>>)
        tpu.yield
      }) : () -> ()
    }
    %scan3A_25 = arith.constant 250 : i32
    %barrier3A_26 = arith.constant 0 : index
    tpu.barrier barrier_id(%barrier3A_26)
    "tpu.region"() ({
      %run_scoped3A = tpu.sem_alloc : memref<!tpu.dma_semaphore, #tpu.memory_space<semaphore_mem>>
      %dma_start3A = arith.constant 0 : i32
      %dma_start3A_27 = tpu.memref_slice %arg7[%arg0, %mul3A_6, %dma_start3A] : memref<2x5128x144xf32, #tpu.memory_space<hbm>> -> memref<1x320x144xf32, #tpu.memory_space<hbm>>
      %dma_start3A_28 = tpu.memref_squeeze %dma_start3A_27 : memref<1x320x144xf32, #tpu.memory_space<hbm>> -> memref<320x144xf32, #tpu.memory_space<hbm>>
      %dma_start3A_29 = arith.constant 0 : i32
      %dma_start3A_30 = tpu.memref_slice %arg16[%mul3A_6, %dma_start3A_29] : memref<5128x144xf32, #tpu.memory_space<vmem_shared>> -> memref<320x144xf32, #tpu.memory_space<vmem_shared>>
      tpu.enqueue_dma source(%dma_start3A_30 : memref<320x144xf32, #tpu.memory_space<vmem_shared>>) target(%dma_start3A_28 : memref<320x144xf32, #tpu.memory_space<hbm>>) target_semaphore(%run_scoped3A : memref<!tpu.dma_semaphore, #tpu.memory_space<semaphore_mem>>)
      %dma_wait3A = arith.constant 0 : i32
      %dma_wait3A_31 = tpu.memref_slice %arg7[%arg0, %mul3A_6, %dma_wait3A] : memref<2x5128x144xf32, #tpu.memory_space<hbm>> -> memref<1x320x144xf32, #tpu.memory_space<hbm>>
      %dma_wait3A_32 = tpu.memref_squeeze %dma_wait3A_31 : memref<1x320x144xf32, #tpu.memory_space<hbm>> -> memref<320x144xf32, #tpu.memory_space<hbm>>
      %dma_wait3A_33 = arith.constant 0 : i32
      %dma_wait3A_34 = tpu.memref_slice %arg16[%mul3A_6, %dma_wait3A_33] : memref<5128x144xf32, #tpu.memory_space<vmem_shared>> -> memref<320x144xf32, #tpu.memory_space<vmem_shared>>
      tpu.wait_dma2 semaphore(%run_scoped3A : memref<!tpu.dma_semaphore, #tpu.memory_space<semaphore_mem>>) src(%dma_wait3A_34 : memref<320x144xf32, #tpu.memory_space<vmem_shared>>) dst(%dma_wait3A_32 : memref<320x144xf32, #tpu.memory_space<hbm>>)
      tpu.yield
    }) : () -> ()
    return
  }
}

module attributes {stable_mosaic.version = 14 : i64} {
  func.func @_qkvs_kernel(%arg0: i32, %arg1: memref<1000x128xf32, #tpu.memory_space<vmem>>, %arg2: memref<128x512xf32, #tpu.memory_space<vmem>>, %arg3: memref<1x512xf32, #tpu.memory_space<vmem>>, %arg4: memref<1000x128xf32, #tpu.memory_space<vmem>>, %arg5: memref<1000x128xf32, #tpu.memory_space<vmem>>, %arg6: memref<1000x128xf32, #tpu.memory_space<vmem>>, %arg7: memref<1000x128xf32, #tpu.memory_space<vmem>>) attributes {dimension_semantics = [#tpu.dimension_semantics<arbitrary>], iteration_bounds = array<i64: 10>, scalar_prefetch = 0 : i64, scratch_operands = 0 : i64, tpu.core_type = #tpu.core_type<tc>, window_params = [{transform_indices = @transform_0, window_bounds = array<i64: 1000, 128>}, {pipeline_mode = #tpu.pipeline_mode<synchronous>, transform_indices = @transform_1, window_bounds = array<i64: 128, 512>}, {pipeline_mode = #tpu.pipeline_mode<synchronous>, transform_indices = @transform_2, window_bounds = array<i64: 1, 512>}, {transform_indices = @transform_3, window_bounds = array<i64: 1000, 128>}, {transform_indices = @transform_4, window_bounds = array<i64: 1000, 128>}, {transform_indices = @transform_5, window_bounds = array<i64: 1000, 128>}, {transform_indices = @transform_6, window_bounds = array<i64: 1000, 128>}]} {
    %get3A = arith.constant 0 : index
    %get3A_0 = arith.constant 0 : index
    %get3A_1 = vector.load %arg1[%get3A, %get3A_0] : memref<1000x128xf32, #tpu.memory_space<vmem>>, vector<1000x128xf32>
    %get3A_2 = arith.constant 0 : index
    %get3A_3 = arith.constant 0 : index
    %get3A_4 = vector.load %arg2[%get3A_2, %get3A_3] : memref<128x512xf32, #tpu.memory_space<vmem>>, vector<128x512xf32>
    %dot_general3A = arith.constant dense<0.000000e+00> : vector<1000x512xf32>
    %dot_general3A_5 = tpu.matmul %get3A_1, %get3A_4, %dot_general3A {dimension_numbers = #tpu.dot_dimension_numbers<[1], [0], [0], [1], [0, 0, 1, 1], [], []>, transpose_lhs_hint = false} : vector<1000x128xf32>, vector<128x512xf32>, vector<1000x512xf32> -> vector<1000x512xf32>
    %get3A_6 = arith.constant 0 : index
    %get3A_7 = arith.constant 0 : index
    %get3A_8 = vector.load %arg3[%get3A_6, %get3A_7] : memref<1x512xf32, #tpu.memory_space<vmem>>, vector<1x512xf32>
    %add3A = vector.broadcast %get3A_8 : vector<1x512xf32> to vector<1000x512xf32>
    %add3A_9 = arith.addf %dot_general3A_5, %add3A : vector<1000x512xf32>
    %slice3A = vector.extract_strided_slice %add3A_9 {offsets = [0, 0], sizes = [1000, 128], strides = [1, 1]} : vector<1000x512xf32> to vector<1000x128xf32>
    %mul3A = arith.constant 0.176776692 : f32
    %mul3A_10 = vector.broadcast %mul3A : f32 to vector<1000x128xf32>
    %mul3A_11 = arith.mulf %slice3A, %mul3A_10 : vector<1000x128xf32>
    %swap3A = arith.constant 0 : index
    %swap3A_12 = arith.constant 0 : index
    %swap3A_13 = vector.load %arg4[%swap3A, %swap3A_12] : memref<1000x128xf32, #tpu.memory_space<vmem>>, vector<1000x128xf32>
    tpu.vector_store %arg4[%swap3A, %swap3A_12], %mul3A_11 {strides = array<i32>} : memref<1000x128xf32, #tpu.memory_space<vmem>>, vector<1000x128xf32>,
    %slice3A_14 = vector.extract_strided_slice %add3A_9 {offsets = [0, 128], sizes = [1000, 128], strides = [1, 1]} : vector<1000x512xf32> to vector<1000x128xf32>
    %swap3A_15 = arith.constant 0 : index
    %swap3A_16 = arith.constant 0 : index
    %swap3A_17 = vector.load %arg5[%swap3A_15, %swap3A_16] : memref<1000x128xf32, #tpu.memory_space<vmem>>, vector<1000x128xf32>
    tpu.vector_store %arg5[%swap3A_15, %swap3A_16], %slice3A_14 {strides = array<i32>} : memref<1000x128xf32, #tpu.memory_space<vmem>>, vector<1000x128xf32>,
    %slice3A_18 = vector.extract_strided_slice %add3A_9 {offsets = [0, 256], sizes = [1000, 128], strides = [1, 1]} : vector<1000x512xf32> to vector<1000x128xf32>
    %swap3A_19 = arith.constant 0 : index
    %swap3A_20 = arith.constant 0 : index
    %swap3A_21 = vector.load %arg6[%swap3A_19, %swap3A_20] : memref<1000x128xf32, #tpu.memory_space<vmem>>, vector<1000x128xf32>
    tpu.vector_store %arg6[%swap3A_19, %swap3A_20], %slice3A_18 {strides = array<i32>} : memref<1000x128xf32, #tpu.memory_space<vmem>>, vector<1000x128xf32>,
    %slice3A_22 = vector.extract_strided_slice %add3A_9 {offsets = [0, 384], sizes = [1000, 128], strides = [1, 1]} : vector<1000x512xf32> to vector<1000x128xf32>
    %swap3A_23 = arith.constant 0 : index
    %swap3A_24 = arith.constant 0 : index
    %swap3A_25 = vector.load %arg7[%swap3A_23, %swap3A_24] : memref<1000x128xf32, #tpu.memory_space<vmem>>, vector<1000x128xf32>
    tpu.vector_store %arg7[%swap3A_23, %swap3A_24], %slice3A_22 {strides = array<i32>} : memref<1000x128xf32, #tpu.memory_space<vmem>>, vector<1000x128xf32>,
    return
  }
  func.func @transform_0(%arg0: i32) -> (i32, i32) {
    %c0_i32 = arith.constant 0 : i32
    %c0_i32_0 = arith.constant 0 : i32
    return %arg0, %c0_i32 : i32, i32
  }
  func.func @transform_1(%arg0: i32) -> (i32, i32) {
    %c0_i32 = arith.constant 0 : i32
    %c0_i32_0 = arith.constant 0 : i32
    %c0_i32_1 = arith.constant 0 : i32
    return %c0_i32, %c0_i32_0 : i32, i32
  }
  func.func @transform_2(%arg0: i32) -> (i32, i32) {
    %c0_i32 = arith.constant 0 : i32
    %c0_i32_0 = arith.constant 0 : i32
    %c0_i32_1 = arith.constant 0 : i32
    return %c0_i32, %c0_i32_0 : i32, i32
  }
  func.func @transform_3(%arg0: i32) -> (i32, i32) {
    %c0_i32 = arith.constant 0 : i32
    %c0_i32_0 = arith.constant 0 : i32
    return %arg0, %c0_i32 : i32, i32
  }
  func.func @transform_4(%arg0: i32) -> (i32, i32) {
    %c0_i32 = arith.constant 0 : i32
    %c0_i32_0 = arith.constant 0 : i32
    return %arg0, %c0_i32 : i32, i32
  }
  func.func @transform_5(%arg0: i32) -> (i32, i32) {
    %c0_i32 = arith.constant 0 : i32
    %c0_i32_0 = arith.constant 0 : i32
    return %arg0, %c0_i32 : i32, i32
  }
  func.func @transform_6(%arg0: i32) -> (i32, i32) {
    %c0_i32 = arith.constant 0 : i32
    %c0_i32_0 = arith.constant 0 : i32
    return %arg0, %c0_i32 : i32, i32
  }
}

module attributes {stable_mosaic.version = 14 : i64} {
  func.func @_mid_kernel(%arg0: i32, %arg1: memref<1000x144xf32, #tpu.memory_space<vmem>>, %arg2: memref<1000x128xf32, #tpu.memory_space<vmem>>, %arg3: memref<128x128xf32, #tpu.memory_space<vmem>>, %arg4: memref<1x128xf32, #tpu.memory_space<vmem>>, %arg5: memref<1000x32xf32, #tpu.memory_space<vmem>>, %arg6: memref<1000x32xf32, #tpu.memory_space<vmem>>, %arg7: memref<1000x32xf32, #tpu.memory_space<vmem>>, %arg8: memref<1000x32xf32, #tpu.memory_space<vmem>>) attributes {dimension_semantics = [#tpu.dimension_semantics<arbitrary>], iteration_bounds = array<i64: 10>, scalar_prefetch = 0 : i64, scratch_operands = 0 : i64, tpu.core_type = #tpu.core_type<tc>, window_params = [{transform_indices = @transform_0, window_bounds = array<i64: 1000, 144>}, {transform_indices = @transform_1, window_bounds = array<i64: 1000, 128>}, {pipeline_mode = #tpu.pipeline_mode<synchronous>, transform_indices = @transform_2, window_bounds = array<i64: 128, 128>}, {pipeline_mode = #tpu.pipeline_mode<synchronous>, transform_indices = @transform_3, window_bounds = array<i64: 1, 128>}, {transform_indices = @transform_4, window_bounds = array<i64: 1000, 32>}, {transform_indices = @transform_5, window_bounds = array<i64: 1000, 32>}, {transform_indices = @transform_6, window_bounds = array<i64: 1000, 32>}, {transform_indices = @transform_7, window_bounds = array<i64: 1000, 32>}]} {
    %get3A = arith.constant 0 : index
    %get3A_0 = arith.constant 0 : index
    %get3A_1 = vector.load %arg1[%get3A, %get3A_0] : memref<1000x144xf32, #tpu.memory_space<vmem>>, vector<1000x144xf32>
    %slice3A = vector.extract_strided_slice %get3A_1 {offsets = [0, 0], sizes = [1000, 128], strides = [1, 1]} : vector<1000x144xf32> to vector<1000x128xf32>
    %slice3A_2 = vector.extract_strided_slice %get3A_1 {offsets = [0, 128], sizes = [1000, 16], strides = [1, 1]} : vector<1000x144xf32> to vector<1000x16xf32>
    %slice3A_3 = vector.extract_strided_slice %slice3A_2 {offsets = [0, 0], sizes = [1000, 1], strides = [1, 1]} : vector<1000x16xf32> to vector<1000x1xf32>
    %broadcast_in_dim3A = vector.shape_cast %slice3A_3 : vector<1000x1xf32> to vector<1000x1xf32>
    %broadcast_in_dim3A_4 = vector.broadcast %broadcast_in_dim3A : vector<1000x1xf32> to vector<1000x32xf32>
    %slice3A_5 = vector.extract_strided_slice %slice3A_2 {offsets = [0, 1], sizes = [1000, 1], strides = [1, 1]} : vector<1000x16xf32> to vector<1000x1xf32>
    %broadcast_in_dim3A_6 = vector.shape_cast %slice3A_5 : vector<1000x1xf32> to vector<1000x1xf32>
    %broadcast_in_dim3A_7 = vector.broadcast %broadcast_in_dim3A_6 : vector<1000x1xf32> to vector<1000x32xf32>
    %slice3A_8 = vector.extract_strided_slice %slice3A_2 {offsets = [0, 2], sizes = [1000, 1], strides = [1, 1]} : vector<1000x16xf32> to vector<1000x1xf32>
    %broadcast_in_dim3A_9 = vector.shape_cast %slice3A_8 : vector<1000x1xf32> to vector<1000x1xf32>
    %broadcast_in_dim3A_10 = vector.broadcast %broadcast_in_dim3A_9 : vector<1000x1xf32> to vector<1000x32xf32>
    %slice3A_11 = vector.extract_strided_slice %slice3A_2 {offsets = [0, 3], sizes = [1000, 1], strides = [1, 1]} : vector<1000x16xf32> to vector<1000x1xf32>
    %broadcast_in_dim3A_12 = vector.shape_cast %slice3A_11 : vector<1000x1xf32> to vector<1000x1xf32>
    %broadcast_in_dim3A_13 = vector.broadcast %broadcast_in_dim3A_12 : vector<1000x1xf32> to vector<1000x32xf32>
    %concatenate3A = tpu.concatenate %broadcast_in_dim3A_4, %broadcast_in_dim3A_7, %broadcast_in_dim3A_10, %broadcast_in_dim3A_13 in 1 : vector<1000x32xf32>, vector<1000x32xf32>, vector<1000x32xf32>, vector<1000x32xf32> -> vector<1000x128xf32>
    %add3A = arith.constant 1.000000e-16 : f32
    %add3A_14 = vector.broadcast %add3A : f32 to vector<1000x128xf32>
    %add3A_15 = arith.addf %concatenate3A, %add3A_14 : vector<1000x128xf32>
    %div3A = arith.divf %slice3A, %add3A_15 : vector<1000x128xf32>
    %get3A_16 = arith.constant 0 : index
    %get3A_17 = arith.constant 0 : index
    %get3A_18 = vector.load %arg2[%get3A_16, %get3A_17] : memref<1000x128xf32, #tpu.memory_space<vmem>>, vector<1000x128xf32>
    %add3A_19 = arith.addf %div3A, %get3A_18 : vector<1000x128xf32>
    %gt3A = arith.constant 0.000000e+00 : f32
    %gt3A_20 = vector.broadcast %gt3A : f32 to vector<1000x128xf32>
    %gt3A_21 = arith.cmpf ogt, %add3A_19, %gt3A_20 : vector<1000x128xf32>
    %min3A = arith.constant 0.000000e+00 : f32
    %min3A_22 = vector.broadcast %min3A : f32 to vector<1000x128xf32>
    %min3A_23 = arith.minimumf %add3A_19, %min3A_22 : vector<1000x128xf32>
    %exp3A = math.exp %min3A_23 : vector<1000x128xf32>
    %sub3A = arith.constant 1.000000e+00 : f32
    %sub3A_24 = vector.broadcast %sub3A : f32 to vector<1000x128xf32>
    %sub3A_25 = arith.subf %exp3A, %sub3A_24 : vector<1000x128xf32>
    %select_n3A = arith.select %gt3A_21, %add3A_19, %sub3A_25 : vector<1000x128xi1>, vector<1000x128xf32>
    %get3A_26 = arith.constant 0 : index
    %get3A_27 = arith.constant 0 : index
    %get3A_28 = vector.load %arg3[%get3A_26, %get3A_27] : memref<128x128xf32, #tpu.memory_space<vmem>>, vector<128x128xf32>
    %dot_general3A = arith.constant dense<0.000000e+00> : vector<1000x128xf32>
    %dot_general3A_29 = tpu.matmul %select_n3A, %get3A_28, %dot_general3A {dimension_numbers = #tpu.dot_dimension_numbers<[1], [0], [0], [1], [0, 0, 1, 1], [], []>, transpose_lhs_hint = false} : vector<1000x128xf32>, vector<128x128xf32>, vector<1000x128xf32> -> vector<1000x128xf32>
    %get3A_30 = arith.constant 0 : index
    %get3A_31 = arith.constant 0 : index
    %get3A_32 = vector.load %arg4[%get3A_30, %get3A_31] : memref<1x128xf32, #tpu.memory_space<vmem>>, vector<1x128xf32>
    %add3A_33 = vector.broadcast %get3A_32 : vector<1x128xf32> to vector<1000x128xf32>
    %add3A_34 = arith.addf %dot_general3A_29, %add3A_33 : vector<1000x128xf32>
    %slice3A_35 = vector.extract_strided_slice %add3A_34 {offsets = [0, 0], sizes = [1000, 32], strides = [1, 1]} : vector<1000x128xf32> to vector<1000x32xf32>
    %mul3A = arith.constant 0.176776692 : f32
    %mul3A_36 = vector.broadcast %mul3A : f32 to vector<1000x32xf32>
    %mul3A_37 = arith.mulf %slice3A_35, %mul3A_36 : vector<1000x32xf32>
    %swap3A = arith.constant 0 : index
    %swap3A_38 = arith.constant 0 : index
    %swap3A_39 = vector.load %arg5[%swap3A, %swap3A_38] : memref<1000x32xf32, #tpu.memory_space<vmem>>, vector<1000x32xf32>
    tpu.vector_store %arg5[%swap3A, %swap3A_38], %mul3A_37 {strides = array<i32>} : memref<1000x32xf32, #tpu.memory_space<vmem>>, vector<1000x32xf32>,
    %slice3A_40 = vector.extract_strided_slice %add3A_34 {offsets = [0, 32], sizes = [1000, 32], strides = [1, 1]} : vector<1000x128xf32> to vector<1000x32xf32>
    %swap3A_41 = arith.constant 0 : index
    %swap3A_42 = arith.constant 0 : index
    %swap3A_43 = vector.load %arg6[%swap3A_41, %swap3A_42] : memref<1000x32xf32, #tpu.memory_space<vmem>>, vector<1000x32xf32>
    tpu.vector_store %arg6[%swap3A_41, %swap3A_42], %slice3A_40 {strides = array<i32>} : memref<1000x32xf32, #tpu.memory_space<vmem>>, vector<1000x32xf32>,
    %slice3A_44 = vector.extract_strided_slice %add3A_34 {offsets = [0, 64], sizes = [1000, 32], strides = [1, 1]} : vector<1000x128xf32> to vector<1000x32xf32>
    %swap3A_45 = arith.constant 0 : index
    %swap3A_46 = arith.constant 0 : index
    %swap3A_47 = vector.load %arg7[%swap3A_45, %swap3A_46] : memref<1000x32xf32, #tpu.memory_space<vmem>>, vector<1000x32xf32>
    tpu.vector_store %arg7[%swap3A_45, %swap3A_46], %slice3A_44 {strides = array<i32>} : memref<1000x32xf32, #tpu.memory_space<vmem>>, vector<1000x32xf32>,
    %slice3A_48 = vector.extract_strided_slice %add3A_34 {offsets = [0, 96], sizes = [1000, 32], strides = [1, 1]} : vector<1000x128xf32> to vector<1000x32xf32>
    %swap3A_49 = arith.constant 0 : index
    %swap3A_50 = arith.constant 0 : index
    %swap3A_51 = vector.load %arg8[%swap3A_49, %swap3A_50] : memref<1000x32xf32, #tpu.memory_space<vmem>>, vector<1000x32xf32>
    tpu.vector_store %arg8[%swap3A_49, %swap3A_50], %slice3A_48 {strides = array<i32>} : memref<1000x32xf32, #tpu.memory_space<vmem>>, vector<1000x32xf32>,
    return
  }
  func.func @transform_0(%arg0: i32) -> (i32, i32) {
    %c0_i32 = arith.constant 0 : i32
    %c0_i32_0 = arith.constant 0 : i32
    return %arg0, %c0_i32 : i32, i32
  }
  func.func @transform_1(%arg0: i32) -> (i32, i32) {
    %c0_i32 = arith.constant 0 : i32
    %c0_i32_0 = arith.constant 0 : i32
    return %arg0, %c0_i32 : i32, i32
  }
  func.func @transform_2(%arg0: i32) -> (i32, i32) {
    %c0_i32 = arith.constant 0 : i32
    %c0_i32_0 = arith.constant 0 : i32
    %c0_i32_1 = arith.constant 0 : i32
    return %c0_i32, %c0_i32_0 : i32, i32
  }
  func.func @transform_3(%arg0: i32) -> (i32, i32) {
    %c0_i32 = arith.constant 0 : i32
    %c0_i32_0 = arith.constant 0 : i32
    %c0_i32_1 = arith.constant 0 : i32
    return %c0_i32, %c0_i32_0 : i32, i32
  }
  func.func @transform_4(%arg0: i32) -> (i32, i32) {
    %c0_i32 = arith.constant 0 : i32
    %c0_i32_0 = arith.constant 0 : i32
    return %arg0, %c0_i32 : i32, i32
  }
  func.func @transform_5(%arg0: i32) -> (i32, i32) {
    %c0_i32 = arith.constant 0 : i32
    %c0_i32_0 = arith.constant 0 : i32
    return %arg0, %c0_i32 : i32, i32
  }
  func.func @transform_6(%arg0: i32) -> (i32, i32) {
    %c0_i32 = arith.constant 0 : i32
    %c0_i32_0 = arith.constant 0 : i32
    return %arg0, %c0_i32 : i32, i32
  }
  func.func @transform_7(%arg0: i32) -> (i32, i32) {
    %c0_i32 = arith.constant 0 : i32
    %c0_i32_0 = arith.constant 0 : i32
    return %arg0, %c0_i32 : i32, i32
  }
}

module attributes {stable_mosaic.version = 14 : i64} {
  func.func @_fin_kernel(%arg0: i32, %arg1: memref<1000x48xf32, #tpu.memory_space<vmem>>, %arg2: memref<1000x32xf32, #tpu.memory_space<vmem>>, %arg3: memref<1000x32xf32, #tpu.memory_space<vmem>>) attributes {dimension_semantics = [#tpu.dimension_semantics<arbitrary>], iteration_bounds = array<i64: 10>, scalar_prefetch = 0 : i64, scratch_operands = 0 : i64, tpu.core_type = #tpu.core_type<tc>, window_params = [{transform_indices = @transform_0, window_bounds = array<i64: 1000, 48>}, {transform_indices = @transform_1, window_bounds = array<i64: 1000, 32>}, {transform_indices = @transform_2, window_bounds = array<i64: 1000, 32>}]} {
    %get3A = arith.constant 0 : index
    %get3A_0 = arith.constant 0 : index
    %get3A_1 = vector.load %arg1[%get3A, %get3A_0] : memref<1000x48xf32, #tpu.memory_space<vmem>>, vector<1000x48xf32>
    %slice3A = vector.extract_strided_slice %get3A_1 {offsets = [0, 0], sizes = [1000, 32], strides = [1, 1]} : vector<1000x48xf32> to vector<1000x32xf32>
    %slice3A_2 = vector.extract_strided_slice %get3A_1 {offsets = [0, 32], sizes = [1000, 1], strides = [1, 1]} : vector<1000x48xf32> to vector<1000x1xf32>
    %add3A = arith.constant 1.000000e-16 : f32
    %add3A_3 = vector.broadcast %add3A : f32 to vector<1000x1xf32>
    %add3A_4 = arith.addf %slice3A_2, %add3A_3 : vector<1000x1xf32>
    %div3A = vector.broadcast %add3A_4 : vector<1000x1xf32> to vector<1000x32xf32>
    %div3A_5 = arith.divf %slice3A, %div3A : vector<1000x32xf32>
    %get3A_6 = arith.constant 0 : index
    %get3A_7 = arith.constant 0 : index
    %get3A_8 = vector.load %arg2[%get3A_6, %get3A_7] : memref<1000x32xf32, #tpu.memory_space<vmem>>, vector<1000x32xf32>
    %add3A_9 = arith.addf %div3A_5, %get3A_8 : vector<1000x32xf32>
    %swap3A = arith.constant 0 : index
    %swap3A_10 = arith.constant 0 : index
    %swap3A_11 = vector.load %arg3[%swap3A, %swap3A_10] : memref<1000x32xf32, #tpu.memory_space<vmem>>, vector<1000x32xf32>
    tpu.vector_store %arg3[%swap3A, %swap3A_10], %add3A_9 {strides = array<i32>} : memref<1000x32xf32, #tpu.memory_space<vmem>>, vector<1000x32xf32>,
    return
  }
  func.func @transform_0(%arg0: i32) -> (i32, i32) {
    %c0_i32 = arith.constant 0 : i32
    %c0_i32_0 = arith.constant 0 : i32
    return %arg0, %c0_i32 : i32, i32
  }
  func.func @transform_1(%arg0: i32) -> (i32, i32) {
    %c0_i32 = arith.constant 0 : i32
    %c0_i32_0 = arith.constant 0 : i32
    return %arg0, %c0_i32 : i32, i32
  }
  func.func @transform_2(%arg0: i32) -> (i32, i32) {
    %c0_i32 = arith.constant 0 : i32
    %c0_i32_0 = arith.constant 0 : i32
    return %arg0, %c0_i32 : i32, i32
  }
}

</mosaic_0001>

<sc_bundles>
// kernel: kernel.10.cloned.1.call-start
scs
__scs_entry_jumppad:
0x0: {  	(pc) =	sbr.rel $0x88, $3  }
0x1: {  	(tag) =	ssettag $0x0;
	lr =	simm.s32 $0x1  }
0x2: {  	[smem:$0x3F8F] =	sst lr;
	_ =	strace $0xD0000000  }
0x3: {  	_ = 	snop  }
0x4: {  	_ = 	snop  }
0x5: {  	_ = 	snop  }
0x6: {  	_ = 	snop  }
0x7: {  	_ = 	snop  }
__scs_overlays_trampoline_lowered:
0x8: {  	[smem:$0x3F9E] =	sst s0  }
0x9: {  	[smem:$0x3F9F] =	sst s1  }
0xa: {  	[smem:$0x3FA0] =	sst s2  }
0xb: {  	[smem:$0x3FA1] =	sst s3  }
0xc: {  	[smem:$0x3FA2] =	sst s4  }
0xd: {  	[smem:$0x3FA3] =	sst s5  }
0xe: {  	[smem:$0x3FA4] =	sst s6  }
0xf: {  	[smem:$0x3FA5] =	sst s7  }
0x10: {  	[smem:$0x3FA6] =	sst s8  }
0x11: {  	[smem:$0x3FA7] =	sst s9;
	s0 =	simm.s32 @!p0 $0x0  }
0x12: {  	s1 =	sld [smem:$0x3F8D];
	s0 =	simm.s32 @p0 $0x1  }
0x13: {  	[smem:$0x3FA8] =	sst s0;
	s0 =	simm.s32 @!p1 $0x0  }
0x14: {  	s2 =	sld [smem:$0x3F8C];
	s0 =	simm.s32 @p1 $0x1  }
0x15: {  	[smem:$0x3FA9] =	sst s0;
	s0 =	simm.s32 @!p2 $0x0  }
0x16: {  	s3 =	sld [smem:$0x3FDB];
	s0 =	simm.s32 @p2 $0x1  }
0x17: {  	s4 =	simm.s32 $0x1BF5;
	[smem:$0x3FAB] =	sst s0  }
0x18: {  	s0 =	sld [smem:$0x3F8E];
	_ =	swait.ge [sflag:s4], $0x0  }
0x19: {  	s7 =	sld [smem:$0x3F8F]  }
0x1a: {  	s8 =	sadd.s32 $0xFFFFE003, lr  }
0x1b: {  	s9 =	sadd.s32 $0xFFFFFEF7, lr;
	s5 =	simm.s32 $0xFFFFFFFF;
	p2 =	slt.u32 s8, $0xFFFFF086  }
0x1c: {  	p1 =	slt.u32 s9, $0xF7A;
	s5 =	simm.s32 @!p2 $0x0  }
0x1d: {  	s5 =	simm.s32 @p1 $0x1;
	p0 =	seq.s32 s7, s2  }
0x1e: {  	s7 =	smul.u32 @!p0 $0xF7A, s2;
	p2 =	seq.s32 @!p0 s5, $0x0  }
0x1f: {  	s9 =	smul.u32 $0xF7A, s1;
	s8 =	simm.s32 @!p0 $0x1BF5;
	p2 =	por !p2, p0  }
0x20: {  	[sflag:s8] =	ssyncset.s32 @!p0 $0xFFFFF086;
	s6 =	sadd.s32 @!p0 s3, s7;
	s7 =	simm.s32 @!p0 $0x108  }
0x21: {  	s3 =	sadd.s32 s3, s9;
	s6 =	sadd.s32 @!p0 $0x88, s6;
	s7 =	simm.s32 @p2 $0x1082  }
0x22: {  	[simem:s7], [sflag:s8] =	dma.local @!p0 [hbm:s6], $0xF7A  }
0x23: {  	s9 =	sor.u32 $0xD0000000, s2;
	s6 =	simm.s32 $0x108;
	_ =	swait.ge @!p0 [sflag:s8], $0x0  }
0x24: {  	s3 =	sadd.s32 $0x88, s3;
	s6 =	simm.s32 @!p1 $0x1082;
	[sflag:s4] =	ssyncset.s32 $0xFFFFF086  }
0x25: {  	[simem:s6], [sflag:s4] =	dma.local [hbm:s3], $0xF7A  }
0x26: {  	[smem:$0x3F8F] =	sst s1;
	(tag) =	ssettag s2;
	_ =	strace s9  }
0x27: {  	s1 =	sld [smem:$0x3F9F]  }
0x28: {  	s2 =	sld [smem:$0x3FA0]  }
0x29: {  	s4 =	sld [smem:$0x3FA2]  }
0x2a: {  	p0 =	seq.s32 s5, $0x0;
	s5 =	sld [smem:$0x3FA3]  }
0x2b: {  	s6 =	sld [smem:$0x3FA4]  }
0x2c: {  	s7 =	sld [smem:$0x3FA5]  }
0x2d: {  	s3 =	simm.s32 $0x108;
	s8 =	sld [smem:$0x3FA6]  }
0x2e: {  	s3 =	simm.s32 @!p0 $0x1082;
	s9 =	sld [smem:$0x3FA7]  }
0x2f: {  	lr =	sadd.s32 s0, s3;
	s0 =	sld [smem:$0x3F9E]  }
0x30: {  	s3 =	sld [smem:$0x3FA1]  }
0x31: {  	[smem:$0x3FAA] =	sst s10  }
0x32: {  	s10 =	sld [smem:$0x3FA8];
	_ =	sdelay $0x3  }
0x33: {  	p0 =	seq.s32 s10, $0x1;
	s10 =	sld [smem:$0x3FAA];
	_ =	sdelay $0x3  }
0x34: {  	[smem:$0x3FAA] =	sst s10  }
0x35: {  	s10 =	sld [smem:$0x3FA9];
	_ =	sdelay $0x3  }
0x36: {  	p1 =	seq.s32 s10, $0x1;
	s10 =	sld [smem:$0x3FAA];
	_ =	sdelay $0x3  }
0x37: {  	[smem:$0x3FAA] =	sst s10  }
0x38: {  	s10 =	sld [smem:$0x3FAB]  }
0x39: {  	_ = 	snop;
	(pc) =	sbr.ind lr, $3  }
0x3a: {  	_ = 	snop  }
0x3b: {  	_ = 	snop  }
0x3c: {  	p2 =	seq.s32 s10, $0x1;
	s10 =	sld [smem:$0x3FAA]  }
0x3d: {  	_ =	shalt  }
0x3e: {  	_ =	shalt  }
0x3f: {  	_ =	shalt  }
0x40: {  	_ =	shalt  }
0x41: {  	_ =	shalt  }
0x42: {  	_ =	shalt  }
0x43: {  	_ =	shalt  }
0x44: {  	_ =	shalt  }
0x45: {  	_ =	shalt  }
0x46: {  	_ =	shalt  }
0x47: {  	_ =	shalt  }
0x48: {  	_ =	shalt  }
0x49: {  	_ =	shalt  }
0x4a: {  	_ =	shalt  }
0x4b: {  	_ =	shalt  }
0x4c: {  	_ =	shalt  }
0x4d: {  	_ =	shalt  }
0x4e: {  	_ =	shalt  }
0x4f: {  	_ =	shalt  }
0x50: {  	_ =	shalt  }
0x51: {  	_ =	shalt  }
0x52: {  	_ =	shalt  }
0x53: {  	_ =	shalt  }
0x54: {  	_ =	shalt  }
0x55: {  	_ =	shalt  }
0x56: {  	_ =	shalt  }
0x57: {  	_ =	shalt  }
0x58: {  	_ =	shalt  }
0x59: {  	_ =	shalt  }
0x5a: {  	_ =	shalt  }
0x5b: {  	_ =	shalt  }
0x5c: {  	_ =	shalt  }
0x5d: {  	_ =	shalt  }
0x5e: {  	_ =	shalt  }
0x5f: {  	_ =	shalt  }
0x60: {  	_ =	shalt  }
0x61: {  	_ =	shalt  }
0x62: {  	_ =	shalt  }
0x63: {  	_ =	shalt  }
0x64: {  	_ =	shalt  }
0x65: {  	_ =	shalt  }
0x66: {  	_ =	shalt  }
0x67: {  	_ =	shalt  }
0x68: {  	_ =	shalt  }
0x69: {  	_ =	shalt  }
0x6a: {  	_ =	shalt  }
0x6b: {  	_ =	shalt  }
0x6c: {  	_ =	shalt  }
0x6d: {  	_ =	shalt  }
0x6e: {  	_ =	shalt  }
0x6f: {  	_ =	shalt  }
0x70: {  	_ =	shalt  }
0x71: {  	_ =	shalt  }
0x72: {  	_ =	shalt  }
0x73: {  	_ =	shalt  }
0x74: {  	_ =	shalt  }
0x75: {  	_ =	shalt  }
0x76: {  	_ =	shalt  }
0x77: {  	_ =	shalt  }
0x78: {  	_ =	shalt  }
0x79: {  	_ =	shalt  }
0x7a: {  	_ =	shalt  }
0x7b: {  	_ =	shalt  }
0x7c: {  	_ =	shalt  }
0x7d: {  	_ =	shalt  }
0x7e: {  	_ =	shalt  }
0x7f: {  	_ =	shalt  }
0x80: {  	_ =	shalt  }
0x81: {  	_ =	shalt  }
0x82: {  	_ =	shalt  }
0x83: {  	_ =	shalt  }
0x84: {  	_ =	shalt  }
0x85: {  	_ =	shalt  }
0x86: {  	_ =	shalt  }
0x87: {  	_ =	shalt  }
.Lfunc_end0:
.L_simem_size_0:
called_computation.1_lowered:
.L_overlay_start_0:
0x88: {  	s2 =	sld [smem:$0x3FD9]  }
0x89: {  	s3 =	sld [smem:$0x3FFE];
	_ =	sdelay $0x1  }
0x8a: {  	s1 =	srdreg.scid  }
0x8b: {  	s0 =	sand.u32 $0x1, s1  }
0x8c: {  	s17 =	sshll.u32 s0, $0xA;
	s2 =	sadd.s32 s3, s2  }
0x8d: {  	s2 =	sadd.s32 s2, s17  }
0x8e: {  	[smem:$0x3FB6] =	sst s2  }
0x8f: {  	_ = 	snop  }
0x90: {  	s2 =	sld [smem:$0x3FD0];
	(tm) =	ssettm $0x1  }
0x91: {  	s18 =	sld [smem:$0x3FFB];
	_ =	sdelay $0x3  }
0x92: {  	_ =	strace s18  }
0x93: {  	s3 =	sld [smem:$0x3FFC];
	_ =	sdelay $0x3  }
0x94: {  	_ =	strace s3  }
0x95: {  	s3 =	sld [smem:$0x3FFD];
	_ =	sdelay $0x3  }
0x96: {  	_ =	strace s3  }
0x97: {  	_ =	strace $0x8FFFFFFF  }
0x98: {  	s19 =	sld [smem:$0x3FDB];
	_ =	sdelay $0x1  }
0x99: {  	s4 =	simm.s32 $_scs_section_size  }
0x9a: {  	s5 =	simm.s32 $_size__tile_overlayer_lowered;
	s6 =	simm.s32 $_tile_overlayer_lowered  }
0x9b: {  	s22 =	simm.s32 $0x1BFF;
	s21 =	sshll.u32 s6, $0x1;
	s3 =	sadd.s32 s4, s19  }
0x9c: {  	s7 =	simm.s32 $0x0;
	s20 =	sshll.u32 s5, $0x1;
	s5 =	sadd.s32 s21, s3  }
0x9d: {  	[timem:s7], [sflag:s22] =	dma.local [hbm:s5], s20  }
0x9e: {  	_ =	swait.ge [sflag:s22], s20  }
0x9f: {  	s4 =	ssub.s32 $0x0, s20;
	[sflag:s22] =	ssyncset.done $0x0  }
0xa0: {  	[sflag:s22] =	ssyncadd.s32 s4;
	_ =	sdelay $0x1  }
0xa1: {  	s23 =	simm.s32 $0x1B8B  }
0xa2: {  	_ =	swait.ge [sflag:s23], $0x1  }
0xa3: {  	[sflag:s23] =	ssyncset.done $0x0  }
0xa4: {  	s25 =	simm.s32 $0x1B8E;
	s24 =	sld [smem:$0x3FFE];
	[sflag:s23] =	ssyncadd.s32 $0xFFFFFFFF  }
0xa5: {  	s26 =	simm.s32 $execute0_lowered;
	[smem:$0x3FD2] =	sst s25  }
0xa6: {  	s5 =	sshll.u32 s26, $0x1;
	_ =	strace $0x80000049;
	[dreg:$0x1] =	wrdreg $0xFFFFFFFF  }
0xa7: {  	s28 =	simm.s32 $_size_execute0_lowered;
	s3 =	sadd.s32 s3, s5;
	[dreg:$0x0] =	wrdreg $0x0  }
0xa8: {  	s5 =	sshll.u32 s28, $0x1;
	[dreg:$0x2] =	wrdreg s3  }
0xa9: {  	[dreg:$0x3] =	wrdreg s5  }
0xaa: {  	[dreg:$0x4] =	wrdreg $0xC0  }
0xab: {  	_ =	task [dreg:s7], $0x5FFFF  }
0xac: {  	[dreg:$0x1] =	wrdreg $0xFFFFFFFF  }
0xad: {  	[dreg:$0x0] =	wrdreg $0x60  }
0xae: {  	[dreg:$0x2] =	wrdreg s24  }
0xaf: {  	[dreg:$0x3] =	wrdreg s2  }
0xb0: {  	[dreg:$0x4] =	wrdreg $0x39F00  }
0xb1: {  	[dreg:$0x5] =	wrdreg $0x9  }
0xb2: {  	_ =	task.clear_ibuf [dreg:s7], $0x6FFFF;
	_ =	strace $0x90000049  }
0xb3: {  	s29 =	simm.s32 $0x9;
	_ =	strace $0x8000004B  }
0xb4: {  	_ =	swait.ge [sflag:s29], $0x1  }
0xb5: {  	[sflag:s29] =	ssyncadd.s32 $0xFFFFFFFF  }
0xb6: {  	_ =	strace $0x9000004B  }
0xb7: {  	_ =	sfence  }
0xb8: {  	s30 =	sld [smem:$0x0];
	_ =	sdelay $0x2  }
0xb9: {  	s31 =	sshll.u32 s1, $0xD;
	s1 =	sshrl.u32 s1, $0x2  }
0xba: {  	s3 =	sand.u32 $0x4000, s31;
	s1 =	sadd.s32 s1, s30  }
0xbb: {  	s0 =	sor.u32 s3, s0;
	s1 =	sshll.u32 s1, $0x11  }
0xbc: {  	s0 =	sor.u32 s1, s0  }
0xbd: {  	s0 =	sadd.s32 $0x8F2B, s0  }
0xbe: {  	[sflag:s0] =	ssyncadd.remote.s32 $0x1  }
0xbf: {  	_ =	sfence.sel $0xFFFF  }
0xc0: {  	[dreg:$0x0] =	wrdreg $0xFFFFFFFF;
	(pc) =	sbr.abs _section_cstart, $3  }
0xc1: {  	[dreg:$0x1] =	wrdreg $0xFFFFFFFF  }
0xc2: {  	_ =	task.clear_ibuf [dreg:s7], $0x2FFFF;
	_ =	strace $0x9FFFFFFF  }
0xc3: {  	(tm) =	ssettm $0x7FFFFFFF  }
tec
execute0_lowered:
.L_overlay_start_1:
0x0: {  	(tag) =	ssettag $0x1  }
0x1: {  	s0 =	rddreg [dreg:$0x0]  }
0x2: {  	s1 =	rddreg [dreg:$0x1]  }
0x3: {  	s3 =	rddreg [dreg:$0x2];
	s4 =	simm.s32 $0x0;
	s2 =	srdreg.scid  }
0x4: {  	s14 =	stileid.u32;
	s17 =	simm.s32 $0x2DF0;
	s18 =	simm.s32 $0x2  }
0x5: {  	s19 =	simm.s32 $0x50;
	s20 =	simm.s32 $0xF0;
	s21 =	simm.s32 $0xAF0  }
0x6: {  	s22 =	simm.s32 $0x14F0;
	s23 =	simm.s32 $0x1;
	s24 =	simm.s32 $0xA0  }
0x7: {  	v0 =	vimm.s32 $0xEFCDAB89;
	v1 =	vimm.s32 $0x67452301;
	[smem:$0x7FF] =	sst s4;
	s2 =	sand.u32 $0x1, s2;
	s9 =	smul.u32 $0x3C00, s14  }
0x8: {  	v2 =	vimm.s32 $0xDCFE98BA;
	s5 =	sadd.s32 $0x2C00, s0;
	s6 =	sadd.s32 $0xCA00, s0;
	s11 =	smul.u32 $0xF000, s14  }
0x9: {  	v3 =	vimm.s32 $0xBA98FEDC;
	v0 =	vunpack.c.l.s4.s8 v0;
	v1 =	vunpack.c.l.s4.s8 v1;
	s7 =	sadd.s32 $0x16800, s0;
	s8 =	sadd.s32 $0x20600, s0;
	s10 =	smul.u32 $0x3C180, s2  }
0xa: {  	v4 =	vimm.s32 $0xFEDCBA98;
	v5 =	vimm.s32 $0x32107654;
	_ =	strace $0x8000004A;
	s12 =	ssub.s32 $0x2, s2;
	s11 =	sshrl.u32 s11, $0x2  }
0xb: {  	v6 =	vimm.s32 $0x76543210;
	v0 =	vunpack.c.0.s8.s32 v0;
	v1 =	vunpack.c.0.s8.s32 v1;
	s10 =	sadd.s32 s9, s10;
	s11 =	sadd.s32 s11, s3;
	s9 =	sadd.s32 s9, s3  }
0xc: {  	v4 =	vunpack.c.l.s4.s8 v4;
	v3 =	vunpack.c.l.s4.s8 v3;
	v5 =	vunpack.c.l.s4.s8 v5;
	s2 =	smul.u32 $0x1400, s2;
	s28 =	sadd.s32 $0xC00, s11;
	[dreg:$0x4] =	wrdreg s9  }
0xd: {  	s13 =	sshrl.u32 s12, $0x1;
	v0 =	vcombine.low v1, v0;
	v1 =	vunpack.c.l.s4.s8 v2;
	v2 =	vimm.s32 $0x54761032;
	s29 =	sadd.s32 $0x1800, s11;
	[dreg:$0x5] =	wrdreg s28  }
0xe: {  	v6 =	vunpack.c.l.s4.s8 v6;
	s26 =	ssub.s32 s12, s13;
	s30 =	sadd.s32 $0x2400, s11;
	v2 =	vunpack.c.l.s4.s8 v2;
	[dreg:$0x6] =	wrdreg s29  }
0xf: {  	v4 =	vunpack.c.0.s8.s32 v4;
	v3 =	vunpack.c.0.s8.s32 v3;
	v5 =	vunpack.c.0.s8.s32 v5;
	s10 =	sshrl.u32 s10, $0x3;
	s11 =	sadd.s32 $0x3000, s11;
	[dreg:$0x7] =	wrdreg s30  }
0x10: {  	v6 =	vunpack.c.0.s8.s32 v6;
	s31 =	smax.u32 s26, $0x1;
	s0 =	sadd.s32 s10, s0;
	[dreg:$0x8] =	wrdreg s11;
	v1 =	vunpack.c.0.s8.s32 v1;
	v2 =	vunpack.c.0.s8.s32 v2  }
0x11: {  	s25 =	simm.s32 $0x1EF0;
	v7 =	vand.u32 $0xF, v4;
	v3 =	vcombine.low v5, v3;
	v4 =	vimm.f32 $0.0e+00;
	[dreg:$0xa] =	wrdreg s31;
	s0 =	sadd.s32 $0x2A400, s0  }
0x12: {  	s14 =	smul.u32 $0x4E20, s14;
	s26 =	simm.s32 $0x0;
	v5 =	vcombine.low v7, v6;
	[dreg:$0x9] =	wrdreg s0;
	v1 =	vcombine.low v2, v1;
	v2 =	vmov s2  }
.LBB2_1:
0x13: {  	s0 =	simm.s32 $0xC0;
	s2 =	simm.s32 $0x0  }
.LBB2_2:
0x14: {  	p0 =	sne.s32 s0, $0x2F40;
	[tilespmem:s2+$0x2E10] =	vst v4;
	s10 =	smov.u32 s0;
	s0 =	sadd.s32 $0xC0, s0  }
.Ltmp0:
0x15: {  	[tilespmem:s2+$0x2DF0] =	vst v4;
	(pc) =	sbr.rel @p0 .LBB2_2-.Ltmp0, $2  }
0x16: {  	[tilespmem:s2+$0x2E00] =	vst v4;
	_ =	sdelay $0x2  }
0x17: {  	s2 =	sshra.s32 s10, $0x2  }
0x18: {  	[tilespmem:s2+$0x2E10] =	vst v4  }
0x19: {  	[tilespmem:s2+$0x2DF0] =	vst v4  }
0x1a: {  	[tilespmem:s2+$0x2E00] =	vst v4  }
0x1b: {  	[spmem:s9] =	stream.linear.scatter [tilespmem:s17], [sflag:$0x2], $0xC00, $0x38;
	[tilespmem:$0x7608] =	vst v63  }
0x1c: {  	_ =	swait.ge [sflag:s18], $0xC00  }
0x1d: {  	[sflag:s18] =	ssyncset.done $0x0  }
0x1e: {  	s0 =	rddreg [dreg:$0x5];
	[sflag:s18] =	ssyncadd.s32 $0xFFFFF400  }
0x1f: {  	[spmem:s0] =	stream.linear.scatter [tilespmem:s17], [sflag:$0x2], $0xC00, $0x38;
	[tilespmem:$0x7608] =	vst v63  }
0x20: {  	_ =	swait.ge [sflag:s18], $0xC00  }
0x21: {  	[sflag:s18] =	ssyncset.done $0x0  }
0x22: {  	s29 =	rddreg [dreg:$0x6];
	[sflag:s18] =	ssyncadd.s32 $0xFFFFF400  }
0x23: {  	[spmem:s29] =	stream.linear.scatter [tilespmem:s17], [sflag:$0x2], $0xC00, $0x38;
	[tilespmem:$0x7608] =	vst v63  }
0x24: {  	_ =	swait.ge [sflag:s18], $0xC00  }
0x25: {  	[sflag:s18] =	ssyncset.done $0x0  }
0x26: {  	s30 =	rddreg [dreg:$0x7];
	[sflag:s18] =	ssyncadd.s32 $0xFFFFF400  }
0x27: {  	[spmem:s30] =	stream.linear.scatter [tilespmem:s17], [sflag:$0x2], $0xC00, $0x38;
	[tilespmem:$0x7608] =	vst v63  }
0x28: {  	_ =	swait.ge [sflag:s18], $0xC00  }
0x29: {  	[sflag:s18] =	ssyncset.done $0x0  }
0x2a: {  	s31 =	rddreg [dreg:$0x8];
	[sflag:s18] =	ssyncadd.s32 $0xFFFFF400  }
0x2b: {  	[spmem:s31] =	stream.linear.scatter [tilespmem:s17], [sflag:$0x2], $0xC00, $0x38;
	[tilespmem:$0x7608] =	vst v63  }
0x2c: {  	_ =	swait.ge [sflag:s18], $0xC00  }
0x2d: {  	[sflag:s18] =	ssyncset.done $0x0  }
0x2e: {  	[sflag:s18] =	ssyncadd.s32 $0xFFFFF400  }
0x2f: {  	s28 =	simm.s32 $0x0;
	[bflag:$0x0] =	sbarrier.arrive $0xFFFF  }
.LBB2_4:
0x30: {  	s0 =	smul.u32 $0x50, s28;
	_ =	sdelay $0x1  }
0x31: {  	s0 =	sadd.s32 s14, s0  }
0x32: {  	s0 =	sshrl.u32 s0, $0x3  }
0x33: {  	s2 =	sadd.s32 s5, s0  }
0x34: {  	[tilespmem:s26], [sflag:$0x2] =	stream.linear.gather [hbm4b:s2+s26], $0x50, $0x38;
	[tilespmem:$0x7608] =	vst v63  }
0x35: {  	_ =	swait.ge [sflag:s18], $0x50  }
0x36: {  	[sflag:s18] =	ssyncset.done $0x0  }
0x37: {  	s0 =	sadd.s32 s1, s0;
	[sflag:s18] =	ssyncadd.s32 $0xFFFFFFB0  }
0x38: {  	[tilespmem:s19], [sflag:$0x2] =	stream.linear.gather [hbm4b:s0+s26], $0x50, $0x38;
	[tilespmem:$0x7608] =	vst v63  }
0x39: {  	_ =	swait.ge [sflag:s18], $0x50  }
0x3a: {  	[sflag:s18] =	ssyncset.done $0x0  }
0x3b: {  	[sflag:s18] =	ssyncadd.s32 $0xFFFFFFB0  }
0x3c: {  	[tilespmem:s20], [sflag:$0x1] =	stream.indirect.gather [hbm4b:s6+s19], $0x20, s19, s19, $0xb8;
	[tilespmem:$0x7608] =	vst v63  }
0x3d: {  	_ = 	snop  }
0x3e: {  	[tilespmem:s21], [sflag:$0x1] =	stream.indirect.gather [hbm4b:s7+s19], $0x20, s26, s19, $0xb8;
	[tilespmem:$0x7608] =	vst v63  }
0x3f: {  	_ = 	snop  }
0x40: {  	[tilespmem:s22], [sflag:$0x1] =	stream.indirect.gather [hbm4b:s8+s19], $0x20, s26, s19, $0xb8;
	[tilespmem:$0x7608] =	vst v63  }
0x41: {  	v6 =	vld [tilespmem:$0x50]  }
0x42: {  	v7 =	vld [tilespmem:$0x60]  }
0x43: {  	v8 =	vld [tilespmem:$0x70]  }
0x44: {  	v9 =	vld [tilespmem:$0x80]  }
0x45: {  	v10 =	vld [tilespmem:$0x90]  }
0x46: {  	v6 =	vsub.s32 v6, v2  }
0x47: {  	v7 =	vsub.s32 v7, v2;
	v6 =	vmin.u32 v6, $0x1400  }
0x48: {  	[tilespmem:$0xA0] =	vst v6;
	v6 =	vmin.u32 v7, $0x1400;
	v7 =	vsub.s32 v8, v2  }
0x49: {  	[tilespmem:$0xB0] =	vst v6;
	v6 =	vmin.u32 v7, $0x1400;
	v7 =	vsub.s32 v9, v2  }
0x4a: {  	[tilespmem:$0xC0] =	vst v6;
	v6 =	vmin.u32 v7, $0x1400;
	v7 =	vsub.s32 v10, v2  }
0x4b: {  	[tilespmem:$0xD0] =	vst v6;
	v6 =	vmin.u32 v7, $0x1400  }
0x4c: {  	[tilespmem:$0xE0] =	vst v6  }
0x4d: {  	_ =	swait.ge [sflag:s23], $0xA00  }
0x4e: {  	[sflag:s23] =	ssyncset.done $0x0  }
0x4f: {  	[sflag:s23] =	ssyncadd.s32 $0xFFFFF600  }
0x50: {  	_ =	swait.ge [sflag:s23], $0xA00  }
0x51: {  	[sflag:s23] =	ssyncset.done $0x0  }
0x52: {  	[sflag:s23] =	ssyncadd.s32 $0xFFFFF600  }
0x53: {  	_ =	swait.ge [sflag:s23], $0xA00  }
0x54: {  	[sflag:s23] =	ssyncset.done $0x0  }
0x55: {  	s11 =	simm.s32 $0x0;
	[sflag:s23] =	ssyncadd.s32 $0xFFFFF600  }
0x56: {  	v6 =	vld [tilespmem:s11+$0x100]  }
0x57: {  	v7 =	vld [tilespmem:s11+$0xAF0]  }
0x58: {  	v8 =	vld [tilespmem:s11+$0xF0]  }
0x59: {  	v9 =	vld [tilespmem:s11+$0xB00]  }
0x5a: {  	s12 =	simm.s32 $0x20  }
0x5b: {  	v10 =	vld [tilespmem:s12+$0x100]  }
0x5c: {  	v11 =	vld [tilespmem:s12+$0xAF0]  }
0x5d: {  	v7 =	vmul.f32 v7, v8;
	v8 =	vld [tilespmem:s12+$0xF0]  }
0x5e: {  	v6 =	vmul.f32 v9, v6;
	v9 =	vld [tilespmem:s12+$0xB00];
	_ =	sdelay $0x1  }
0x5f: {  	s31 =	simm.s32 $0x40;
	v6 =	vadd.f32 v6, v7  }
0x60: {  	v13 =	vld [tilespmem:s31+$0xAF0]  }
0x61: {  	v14 =	vld [tilespmem:s31+$0xF0];
	v12 =	vperm.xlane v6, v0  }
0x62: {  	v7 =	vld [tilespmem:s31+$0x100];
	v8 =	vmul.f32 v11, v8;
	v9 =	vmul.f32 v9, v10  }
0x63: {  	s29 =	simm.s32 $0x60;
	v10 =	vld [tilespmem:s31+$0xB00];
	v6 =	vadd.f32 v6, v12  }
0x64: {  	v15 =	vld [tilespmem:s29+$0xF0];
	v8 =	vadd.f32 v9, v8  }
0x65: {  	v12 =	vld [tilespmem:s29+$0xAF0];
	v9 =	vperm.xlane v6, v1  }
0x66: {  	v11 =	vld [tilespmem:s29+$0x100];
	v16 =	vperm.xlane v8, v0  }
0x67: {  	v6 =	vadd.f32 v6, v9;
	v9 =	vld [tilespmem:s29+$0xB00]  }
0x68: {  	s30 =	simm.s32 $0x80;
	v13 =	vmul.f32 v13, v14;
	v7 =	vmul.f32 v10, v7;
	v8 =	vadd.f32 v8, v16  }
0x69: {  	v14 =	vld [tilespmem:s30+$0x100];
	v10 =	vperm.xlane v6, v3  }
0x6a: {  	v12 =	vmul.f32 v12, v15;
	v15 =	vld [tilespmem:s30+$0xF0];
	v7 =	vadd.f32 v7, v13;
	v13 =	vperm.xlane v8, v1  }
0x6b: {  	v16 =	vld [tilespmem:s30+$0xB00];
	v6 =	vadd.f32 v6, v10  }
0x6c: {  	v10 =	vld [tilespmem:s30+$0xAF0];
	v9 =	vmul.f32 v9, v11;
	v11 =	vperm.xlane v7, v0;
	v8 =	vadd.f32 v8, v13;
	_ =	sdelay $0x1  }
0x6d: {  	v13 =	vperm.xlane v6, v5;
	v7 =	vadd.f32 v7, v11;
	v11 =	vperm.xlane v8, v3  }
0x6e: {  	s0 =	simm.s32 $0xA0;
	v9 =	vadd.f32 v9, v12  }
0x6f: {  	v14 =	vmul.f32 v16, v14;
	v6 =	vadd.f32 v6, v13;
	v8 =	vadd.f32 v8, v11;
	v11 =	vld [tilespmem:s0+$0xAF0]  }
0x70: {  	v13 =	vperm.xlane v9, v0;
	v10 =	vmul.f32 v10, v15;
	v15 =	vld [tilespmem:s0+$0xF0]  }
0x71: {  	v16 =	vld [tilespmem:s0+$0xB00];
	v17 =	vperm.xlane v7, v1;
	v6 =	vmul.f32 $1.442695020e+00, v6  }
0x72: {  	v12 =	vld [tilespmem:s0+$0x100];
	v9 =	vadd.f32 v9, v13  }
0x73: {  	s2 =	simm.s32 $0xC0;
	v13 =	vperm.xlane v8, v5;
	(erf) = vpow2.f32 v6;
	v6 =	vadd.f32 v7, v17  }
0x74: {  	v7 =	vadd.f32 v14, v10;
	v17 =	vld [tilespmem:s2+$0x100];
	v10 =	vperm.xlane v9, v1  }
0x75: {  	v8 =	vadd.f32 v8, v13;
	v14 =	vperm.xlane v6, v3;
	v11 =	vmul.f32 v11, v15;
	v15 =	vld [tilespmem:s2+$0xF0]  }
0x76: {  	v18 =	vperm.xlane v7, v0;
	v9 =	vadd.f32 v9, v10;
	v10 =	vld [tilespmem:s2+$0xAF0]  }
0x77: {  	v12 =	vmul.f32 v16, v12;
	v8 =	vmul.f32 $1.442695020e+00, v8;
	v6 =	vadd.f32 v6, v14;
	v14 =	vld [tilespmem:s2+$0xB00]  }
0x78: {  	v13 =	vld [tilespmem:s11+$0x14F0];
	v7 =	vadd.f32 v7, v18;
	v16 =	vperm.xlane v9, v3  }
0x79: {  	(erf) = vpow2.f32 v8;
	v8 =	vadd.f32 v12, v11;
	v12 =	vperm.xlane v6, v5  }
0x7a: {  	s10 =	simm.s32 $0xE0;
	v11 =	vperm.xlane v7, v1;
	v9 =	vadd.f32 v9, v16  }
0x7b: {  	v18 =	vld [tilespmem:s10+$0x100];
	v19 =	vperm.xlane v8, v0;
	v6 =	vadd.f32 v6, v12;
	v10 =	vmul.f32 v10, v15  }
0x7c: {  	v7 =	vadd.f32 v7, v11;
	v12 =	vld [tilespmem:s10+$0xAF0];
	v11 =	vperm.xlane v9, v5;
	v20 =	vpop (erf);
	v14 =	vmul.f32 v14, v17  }
0x7d: {  	v15 =	vld [tilespmem:s10+$0xF0];
	v13 =	vmul.f32 v20, v13;
	v6 =	vmul.f32 $1.442695020e+00, v6  }
0x7e: {  	s15 =	simm.s32 $0x1F10;
	v16 =	vld [tilespmem:s12+$0x14F0];
	v8 =	vadd.f32 v8, v19;
	v17 =	vperm.xlane v7, v3  }
0x7f: {  	v19 =	vld [tilespmem:s10+$0xB00];
	v9 =	vadd.f32 v9, v11;
	v11 =	vadd.f32 v14, v10;
	[tilespmem:s15+$0xFFFFFFE0] =	vst v13;
	(erf) = vpow2.f32 v6  }
0x80: {  	v10 =	vperm.xlane v8, v1;
	v17 =	vadd.f32 v7, v17;
	v21 =	vld [tilespmem:s11+$0x1500]  }
0x81: {  	v7 =	vld [tilespmem:s31+$0x14F0];
	s11 =	simm.s32 $0x100;
	v22 =	vmul.f32 $1.442695020e+00, v9;
	v14 =	vperm.xlane v11, v0  }
0x82: {  	v8 =	vadd.f32 v8, v10;
	v12 =	vmul.f32 v12, v15;
	v9 =	vld [tilespmem:s11+$0x100];
	v23 =	vperm.xlane v17, v5;
	v6 =	vpop (erf)  }
0x83: {  	v10 =	vld [tilespmem:s11+$0xAF0];
	v16 =	vmul.f32 v6, v16;
	(erf) = vpow2.f32 v22  }
0x84: {  	s13 =	simm.s32 $0x1F40;
	v13 =	vld [tilespmem:s11+$0xF0];
	v18 =	vmul.f32 v19, v18;
	v15 =	vadd.f32 v11, v14;
	v19 =	vperm.xlane v8, v3  }
0x85: {  	v14 =	vld [tilespmem:s11+$0xB00];
	v17 =	vadd.f32 v17, v23;
	[tilespmem:s13+$0xFFFFFFE0] =	vst v16;
	v11 =	vmul.f32 v20, v21  }
0x86: {  	s16 =	simm.s32 $0x480;
	[tilespmem:s15+$0x0] =	vst v20;
	v16 =	vadd.f32 v18, v12;
	v18 =	vperm.xlane v15, v1;
	v12 =	vadd.f32 v8, v19;
	v8 =	vld [tilespmem:s12+$0x1500]  }
.LBB2_5:
0x87: {  	s12 =	sshra.s32 s16, $0x2;
	p0 =	sne.s32 s16, $0x2780;
	s16 =	sadd.s32 $0x80, s16;
	v19 =	vmul.f32 $1.442695020e+00, v17;
	[tilespmem:s15+$0xFFFFFFF0] =	vst v11;
	v11 =	vmovc v7;
	v7 =	vld [tilespmem:s29+$0x14F0];
	v17 =	vmov v9;
	v20 =	vmov v6  }
.Ltmp1:
0x88: {  	s9 =	smov.u32 s0;
	s0 =	smov.u32 s2;
	v9 =	vld [tilespmem:s12+$0x100];
	v21 =	vperm.xlane v16, v0;
	v22 =	vadd.f32 v15, v18;
	v18 =	vperm.xlane v12, v5;
	v6 =	vpop (erf);
	(pc) =	sbr.rel @p0 .LBB2_5-.Ltmp1, $4  }
0x89: {  	s2 =	smov.u32 s10;
	s10 =	smov.u32 s11;
	s11 =	smov.u32 s12;
	v23 =	vmul.f32 v10, v13;
	v10 =	vld [tilespmem:s12+$0xAF0];
	v11 =	vmul.f32 v6, v11  }
0x8a: {  	s15 =	smov.u32 s13;
	s13 =	sadd.s32 $0x30, s13;
	v13 =	vld [tilespmem:s11+$0xF0];
	v24 =	vmul.f32 v14, v17;
	v15 =	vadd.f32 v16, v21;
	v21 =	vperm.xlane v22, v3  }
0x8b: {  	v17 =	vadd.f32 v12, v18;
	v14 =	vld [tilespmem:s11+$0xB00];
	(erf) = vpow2.f32 v19;
	[tilespmem:s13+$0xFFFFFFE0] =	vst v11;
	v11 =	vmul.f32 v20, v8  }
0x8c: {  	v16 =	vadd.f32 v24, v23;
	v18 =	vperm.xlane v15, v1;
	v12 =	vadd.f32 v22, v21;
	v8 =	vld [tilespmem:s31+$0x1500];
	[tilespmem:s15+$0x0] =	vst v20;
	s31 =	smov.u32 s29;
	s29 =	smov.u32 s30;
	s30 =	smov.u32 s9  }
0x8d: {  	_ =	sdelay $0x2  }
0x8e: {  	v10 =	vmul.f32 v10, v13;
	v9 =	vmul.f32 v14, v9;
	_ =	sdelay $0x1  }
0x8f: {  	v31 =	vperm.xlane v16, v0;
	v9 =	vadd.f32 v9, v10;
	_ =	sdelay $0x1  }
0x90: {  	v32 =	vadd.f32 v16, v31;
	v33 =	vperm.xlane v9, v0;
	_ =	sdelay $0x1  }
0x91: {  	v34 =	vadd.f32 v15, v18;
	v35 =	vperm.xlane v32, v1;
	v9 =	vadd.f32 v9, v33;
	_ =	sdelay $0x1  }
0x92: {  	v36 =	vperm.xlane v34, v3;
	v10 =	vadd.f32 v32, v35;
	v37 =	vperm.xlane v9, v1  }
0x93: {  	v38 =	vperm.xlane v12, v5  }
0x94: {  	v13 =	vadd.f32 v34, v36;
	v39 =	vperm.xlane v10, v3;
	v9 =	vadd.f32 v9, v37  }
0x95: {  	v40 =	vmul.f32 $1.442695020e+00, v17;
	v12 =	vadd.f32 v12, v38  }
0x96: {  	v41 =	vperm.xlane v13, v5;
	v10 =	vadd.f32 v10, v39;
	v42 =	vperm.xlane v9, v3  }
0x97: {  	(erf) = vpow2.f32 v40;
	v12 =	vmul.f32 $1.442695020e+00, v12  }
0x98: {  	v43 =	vld [tilespmem:s29+$0x14F0];
	v44 =	vpop (erf);
	v13 =	vadd.f32 v13, v41;
	v45 =	vperm.xlane v10, v5;
	v9 =	vadd.f32 v9, v42  }
0x99: {  	v7 =	vmul.f32 v44, v7;
	(erf) = vpow2.f32 v12  }
0x9a: {  	v46 =	vmul.f32 $1.442695020e+00, v13;
	v10 =	vadd.f32 v10, v45;
	v47 =	vperm.xlane v9, v5  }
0x9b: {  	s9 =	sadd.s32 $0x30, s13  }
0x9c: {  	[tilespmem:s9+$0xFFFFFFE0] =	vst v7;
	v7 =	vld [tilespmem:s30+$0x14F0];
	v48 =	vpop (erf);
	(erf) = vpow2.f32 v46;
	v10 =	vmul.f32 $1.442695020e+00, v10;
	v9 =	vadd.f32 v9, v47  }
0x9d: {  	v49 =	vld [tilespmem:s31+$0x1500];
	v50 =	vmul.f32 v48, v43  }
0x9e: {  	[tilespmem:s15+$0xFFFFFFF0] =	vst v11;
	s12 =	sadd.s32 $0x30, s9;
	(erf) = vpow2.f32 v10;
	v9 =	vmul.f32 $1.442695020e+00, v9  }
0x9f: {  	v51 =	vld [tilespmem:s0+$0x14F0];
	[tilespmem:s12+$0xFFFFFFE0] =	vst v50  }
0xa0: {  	[tilespmem:s13+$0x0] =	vst v6;
	v8 =	vmul.f32 v6, v8;
	v6 =	vld [tilespmem:s29+$0x1500];
	v52 =	vpop (erf);
	(erf) = vpow2.f32 v9  }
0xa1: {  	v53 =	vld [tilespmem:s2+$0x14F0];
	[tilespmem:s9+$0x0] =	vst v44;
	v7 =	vmul.f32 v52, v7  }
0xa2: {  	s15 =	sadd.s32 $0x30, s12;
	[tilespmem:s13+$0xFFFFFFF0] =	vst v8;
	v54 =	vmul.f32 v44, v49  }
0xa3: {  	[tilespmem:s15+$0xFFFFFFE0] =	vst v7;
	v7 =	vld [tilespmem:s10+$0x14F0];
	v55 =	vpop (erf)  }
0xa4: {  	[tilespmem:s9+$0xFFFFFFF0] =	vst v54;
	v56 =	vld [tilespmem:s30+$0x1500];
	v10 =	vmul.f32 v55, v51  }
0xa5: {  	v58 =	vld [tilespmem:s11+$0x14F0];
	s16 =	sadd.s32 $0x30, s15;
	[tilespmem:s12+$0x0] =	vst v48;
	v6 =	vmul.f32 v48, v6;
	v57 =	vpop (erf)  }
0xa6: {  	[tilespmem:s16+$0xFFFFFFE0] =	vst v10;
	v8 =	vmul.f32 v57, v53  }
0xa7: {  	s29 =	sadd.s32 $0x30, s16;
	[tilespmem:s12+$0xFFFFFFF0] =	vst v6;
	v6 =	vld [tilespmem:s0+$0x1500];
	v59 =	vpop (erf)  }
0xa8: {  	[tilespmem:s29+$0xFFFFFFE0] =	vst v8;
	v7 =	vmul.f32 v59, v7  }
0xa9: {  	[tilespmem:s15+$0x0] =	vst v52;
	s30 =	sadd.s32 $0x30, s29;
	v60 =	vmul.f32 v52, v56;
	v61 =	vld [tilespmem:s2+$0x1500];
	v62 =	vpop (erf)  }
0xaa: {  	[tilespmem:s30+$0xFFFFFFE0] =	vst v7;
	v7 =	vmul.f32 v62, v58  }
0xab: {  	s31 =	sadd.s32 $0x30, s30;
	[tilespmem:s15+$0xFFFFFFF0] =	vst v60;
	v63 =	vld [tilespmem:s10+$0x1500]  }
0xac: {  	v6 =	vmul.f32 v55, v6;
	[tilespmem:s31+$0xFFFFFFE0] =	vst v7  }
0xad: {  	[tilespmem:s16+$0x0] =	vst v55;
	v7 =	vld [tilespmem:s11+$0x1500]  }
0xae: {  	[tilespmem:s16+$0xFFFFFFF0] =	vst v6;
	v6 =	vmul.f32 v57, v61  }
0xaf: {  	[tilespmem:s29+$0x0] =	vst v57  }
0xb0: {  	[tilespmem:s29+$0xFFFFFFF0] =	vst v6;
	v6 =	vmul.f32 v59, v63  }
0xb1: {  	[tilespmem:s30+$0x0] =	vst v59  }
0xb2: {  	s28 =	sadd.s32 $0x1, s28;
	[tilespmem:s30+$0xFFFFFFF0] =	vst v6;
	v6 =	vmul.f32 v62, v7  }
0xb3: {  	p0 =	sne.s32 s28, $0xFA;
	[tilespmem:s31+$0x0] =	vst v62  }
.Ltmp2:
0xb4: {  	[tilespmem:s31+$0xFFFFFFF0] =	vst v6;
	(pc) =	sbr.rel @p0 .LBB2_4-.Ltmp2, $4  }
0xb5: {  	[spmem:s3] =	stream.indirect.scatter.add.f32 [tilespmem:s25], [sflag:$0x2], $0x30, s24, s19, $0xb8;
	[tilespmem:$0x7608] =	vst v63  }
0xb6: {  	_ =	swait.ge [sflag:s18], $0xF00  }
0xb7: {  	[sflag:s18] =	ssyncset.done $0x0  }
0xb8: {  	[sflag:s18] =	ssyncadd.s32 $0xFFFFF100  }
0xb9: {  	s0 =	stileid.u32;
	[bflag:$0x0] =	sbarrier.arrive $0xFFFF  }
0xba: {  	s0 =	sshll.u32 s0, $0x6;
	s9 =	rddreg [dreg:$0x4]  }
0xbb: {  	s10 =	rddreg [dreg:$0x9];
	s0 =	sor.u32 $0x1C02, s0;
	s2 =	sshrl.u32 s9, $0x3  }
0xbc: {  	[hbm:s10], [sflag:s0] =	dma.local [spmem:s2], $0x780  }
0xbd: {  	_ =	swait.ge [sflag:s18], $0x780  }
0xbe: {  	s4 =	sadd.s32 $0x1, s4;
	s31 =	rddreg [dreg:$0xa]  }
0xbf: {  	p0 =	sne.s32 s4, s31  }
.Ltmp3:
0xc0: {  	_ = 	snop;
	(pc) =	sbr.rel @p0 .LBB2_1-.Ltmp3, $3  }
0xc1: {  	_ =	sdelay $0x1  }
0xc2: {  	[sflag:s18] =	ssyncset.done $0x0  }
0xc3: {  	[sflag:s18] =	ssyncadd.s32 $0xFFFFF880  }
0xc4: {  	_ =	sfence.sel $0x180000  }
0xc5: {  	[bflag:$0x0] =	sbarrier.arrive $0xFFFF  }
0xc6: {  	_ =	strace $0x9000004A  }
0xc7: {  	s0 =	stileid.u32;
	[bflag:$0x2] =	sbarrier.arrive $0xFFFF  }
0xc8: {  	p0 =	sne.s32 s0, $0x0;
	s0 =	rddreg [dreg:$0x3]  }
0xc9: {  	s0 =	sadd.s32 @!p0 $0x100000, s0  }
0xca: {  	[sflag:s0] =	ssyncadd.tile.s32 @!p0 $0x1;
	_ =	shalt  }
.Lfunc_end2:
_tile_overlayer_lowered:
.L_overlay_start_2:
0xcb: {  	(tag) =	ssettag $0x2  }
0xcc: {  	s0 =	rddreg [dreg:$0x0];
	s2 =	stileid.u32  }
0xcd: {  	s1 =	rddreg [dreg:$0x1];
	p0 =	sne.s32 s2, $0x0  }
0xce: {  	s3 =	rddreg [dreg:$0x2];
	[bflag:$0x3] =	sbarrier.arrive $0xFFFF;
	s2 =	simm.s32 @!p0 $0x1C02  }
0xcf: {  	[timem:s3], [sflag:s2] =	dma.local @!p0 [hbm:s0], s1  }
0xd0: {  	s0 =	simm.s32 @!p0 $0x2  }
0xd1: {  	_ =	swait.ge @!p0 [sflag:s0], s1  }
0xd2: {  	s1 =	ssub.s32 @!p0 $0x0, s1;
	[sflag:s0] =	ssyncset.done @!p0 $0x0  }
0xd3: {  	[sflag:s0] =	ssyncadd.s32 @!p0 s1  }
0xd4: {  	[bflag:$0x3] =	sbarrier.arrive $0xFFFF  }
0xd5: {  	_ =	shalt  }

// kernel: kernel.7.cloned.1.call-start
scs
__scs_entry_jumppad:
0x0: {  	(pc) =	sbr.rel $0x88, $3  }
0x1: {  	(tag) =	ssettag $0x0;
	lr =	simm.s32 $0x1  }
0x2: {  	[smem:$0x3F8F] =	sst lr;
	_ =	strace $0xD0000000  }
0x3: {  	_ = 	snop  }
0x4: {  	_ = 	snop  }
0x5: {  	_ = 	snop  }
0x6: {  	_ = 	snop  }
0x7: {  	_ = 	snop  }
__scs_overlays_trampoline_lowered:
0x8: {  	[smem:$0x3F9E] =	sst s0  }
0x9: {  	[smem:$0x3F9F] =	sst s1  }
0xa: {  	[smem:$0x3FA0] =	sst s2  }
0xb: {  	[smem:$0x3FA1] =	sst s3  }
0xc: {  	[smem:$0x3FA2] =	sst s4  }
0xd: {  	[smem:$0x3FA3] =	sst s5  }
0xe: {  	[smem:$0x3FA4] =	sst s6  }
0xf: {  	[smem:$0x3FA5] =	sst s7  }
0x10: {  	[smem:$0x3FA6] =	sst s8  }
0x11: {  	[smem:$0x3FA7] =	sst s9;
	s0 =	simm.s32 @!p0 $0x0  }
0x12: {  	s1 =	sld [smem:$0x3F8D];
	s0 =	simm.s32 @p0 $0x1  }
0x13: {  	[smem:$0x3FA8] =	sst s0;
	s0 =	simm.s32 @!p1 $0x0  }
0x14: {  	s2 =	sld [smem:$0x3F8C];
	s0 =	simm.s32 @p1 $0x1  }
0x15: {  	[smem:$0x3FA9] =	sst s0;
	s0 =	simm.s32 @!p2 $0x0  }
0x16: {  	s3 =	sld [smem:$0x3FDB];
	s0 =	simm.s32 @p2 $0x1  }
0x17: {  	s4 =	simm.s32 $0x1BF5;
	[smem:$0x3FAB] =	sst s0  }
0x18: {  	s0 =	sld [smem:$0x3F8E];
	_ =	swait.ge [sflag:s4], $0x0  }
0x19: {  	s7 =	sld [smem:$0x3F8F]  }
0x1a: {  	s8 =	sadd.s32 $0xFFFFE003, lr  }
0x1b: {  	s9 =	sadd.s32 $0xFFFFFEF7, lr;
	s5 =	simm.s32 $0xFFFFFFFF;
	p2 =	slt.u32 s8, $0xFFFFF086  }
0x1c: {  	p1 =	slt.u32 s9, $0xF7A;
	s5 =	simm.s32 @!p2 $0x0  }
0x1d: {  	s5 =	simm.s32 @p1 $0x1;
	p0 =	seq.s32 s7, s2  }
0x1e: {  	s7 =	smul.u32 @!p0 $0xF7A, s2;
	p2 =	seq.s32 @!p0 s5, $0x0  }
0x1f: {  	s9 =	smul.u32 $0xF7A, s1;
	s8 =	simm.s32 @!p0 $0x1BF5;
	p2 =	por !p2, p0  }
0x20: {  	[sflag:s8] =	ssyncset.s32 @!p0 $0xFFFFF086;
	s6 =	sadd.s32 @!p0 s3, s7;
	s7 =	simm.s32 @!p0 $0x108  }
0x21: {  	s3 =	sadd.s32 s3, s9;
	s6 =	sadd.s32 @!p0 $0x88, s6;
	s7 =	simm.s32 @p2 $0x1082  }
0x22: {  	[simem:s7], [sflag:s8] =	dma.local @!p0 [hbm:s6], $0xF7A  }
0x23: {  	s9 =	sor.u32 $0xD0000000, s2;
	s6 =	simm.s32 $0x108;
	_ =	swait.ge @!p0 [sflag:s8], $0x0  }
0x24: {  	s3 =	sadd.s32 $0x88, s3;
	s6 =	simm.s32 @!p1 $0x1082;
	[sflag:s4] =	ssyncset.s32 $0xFFFFF086  }
0x25: {  	[simem:s6], [sflag:s4] =	dma.local [hbm:s3], $0xF7A  }
0x26: {  	[smem:$0x3F8F] =	sst s1;
	(tag) =	ssettag s2;
	_ =	strace s9  }
0x27: {  	s1 =	sld [smem:$0x3F9F]  }
0x28: {  	s2 =	sld [smem:$0x3FA0]  }
0x29: {  	s4 =	sld [smem:$0x3FA2]  }
0x2a: {  	p0 =	seq.s32 s5, $0x0;
	s5 =	sld [smem:$0x3FA3]  }
0x2b: {  	s6 =	sld [smem:$0x3FA4]  }
0x2c: {  	s7 =	sld [smem:$0x3FA5]  }
0x2d: {  	s3 =	simm.s32 $0x108;
	s8 =	sld [smem:$0x3FA6]  }
0x2e: {  	s3 =	simm.s32 @!p0 $0x1082;
	s9 =	sld [smem:$0x3FA7]  }
0x2f: {  	lr =	sadd.s32 s0, s3;
	s0 =	sld [smem:$0x3F9E]  }
0x30: {  	s3 =	sld [smem:$0x3FA1]  }
0x31: {  	[smem:$0x3FAA] =	sst s10  }
0x32: {  	s10 =	sld [smem:$0x3FA8];
	_ =	sdelay $0x3  }
0x33: {  	p0 =	seq.s32 s10, $0x1;
	s10 =	sld [smem:$0x3FAA];
	_ =	sdelay $0x3  }
0x34: {  	[smem:$0x3FAA] =	sst s10  }
0x35: {  	s10 =	sld [smem:$0x3FA9];
	_ =	sdelay $0x3  }
0x36: {  	p1 =	seq.s32 s10, $0x1;
	s10 =	sld [smem:$0x3FAA];
	_ =	sdelay $0x3  }
0x37: {  	[smem:$0x3FAA] =	sst s10  }
0x38: {  	s10 =	sld [smem:$0x3FAB]  }
0x39: {  	_ = 	snop;
	(pc) =	sbr.ind lr, $3  }
0x3a: {  	_ = 	snop  }
0x3b: {  	_ = 	snop  }
0x3c: {  	p2 =	seq.s32 s10, $0x1;
	s10 =	sld [smem:$0x3FAA]  }
0x3d: {  	_ =	shalt  }
0x3e: {  	_ =	shalt  }
0x3f: {  	_ =	shalt  }
0x40: {  	_ =	shalt  }
0x41: {  	_ =	shalt  }
0x42: {  	_ =	shalt  }
0x43: {  	_ =	shalt  }
0x44: {  	_ =	shalt  }
0x45: {  	_ =	shalt  }
0x46: {  	_ =	shalt  }
0x47: {  	_ =	shalt  }
0x48: {  	_ =	shalt  }
0x49: {  	_ =	shalt  }
0x4a: {  	_ =	shalt  }
0x4b: {  	_ =	shalt  }
0x4c: {  	_ =	shalt  }
0x4d: {  	_ =	shalt  }
0x4e: {  	_ =	shalt  }
0x4f: {  	_ =	shalt  }
0x50: {  	_ =	shalt  }
0x51: {  	_ =	shalt  }
0x52: {  	_ =	shalt  }
0x53: {  	_ =	shalt  }
0x54: {  	_ =	shalt  }
0x55: {  	_ =	shalt  }
0x56: {  	_ =	shalt  }
0x57: {  	_ =	shalt  }
0x58: {  	_ =	shalt  }
0x59: {  	_ =	shalt  }
0x5a: {  	_ =	shalt  }
0x5b: {  	_ =	shalt  }
0x5c: {  	_ =	shalt  }
0x5d: {  	_ =	shalt  }
0x5e: {  	_ =	shalt  }
0x5f: {  	_ =	shalt  }
0x60: {  	_ =	shalt  }
0x61: {  	_ =	shalt  }
0x62: {  	_ =	shalt  }
0x63: {  	_ =	shalt  }
0x64: {  	_ =	shalt  }
0x65: {  	_ =	shalt  }
0x66: {  	_ =	shalt  }
0x67: {  	_ =	shalt  }
0x68: {  	_ =	shalt  }
0x69: {  	_ =	shalt  }
0x6a: {  	_ =	shalt  }
0x6b: {  	_ =	shalt  }
0x6c: {  	_ =	shalt  }
0x6d: {  	_ =	shalt  }
0x6e: {  	_ =	shalt  }
0x6f: {  	_ =	shalt  }
0x70: {  	_ =	shalt  }
0x71: {  	_ =	shalt  }
0x72: {  	_ =	shalt  }
0x73: {  	_ =	shalt  }
0x74: {  	_ =	shalt  }
0x75: {  	_ =	shalt  }
0x76: {  	_ =	shalt  }
0x77: {  	_ =	shalt  }
0x78: {  	_ =	shalt  }
0x79: {  	_ =	shalt  }
0x7a: {  	_ =	shalt  }
0x7b: {  	_ =	shalt  }
0x7c: {  	_ =	shalt  }
0x7d: {  	_ =	shalt  }
0x7e: {  	_ =	shalt  }
0x7f: {  	_ =	shalt  }
0x80: {  	_ =	shalt  }
0x81: {  	_ =	shalt  }
0x82: {  	_ =	shalt  }
0x83: {  	_ =	shalt  }
0x84: {  	_ =	shalt  }
0x85: {  	_ =	shalt  }
0x86: {  	_ =	shalt  }
0x87: {  	_ =	shalt  }
.Lfunc_end0:
.L_simem_size_0:
called_computation_lowered:
.L_overlay_start_0:
0x88: {  	s2 =	sld [smem:$0x3FD9]  }
0x89: {  	s3 =	sld [smem:$0x3FFE];
	_ =	sdelay $0x1  }
0x8a: {  	s1 =	srdreg.scid  }
0x8b: {  	s0 =	sand.u32 $0x1, s1  }
0x8c: {  	s17 =	sshll.u32 s0, $0xA;
	s2 =	sadd.s32 s3, s2  }
0x8d: {  	s2 =	sadd.s32 s2, s17  }
0x8e: {  	[smem:$0x3FB6] =	sst s2  }
0x8f: {  	_ = 	snop  }
0x90: {  	s2 =	sld [smem:$0x3FD0];
	(tm) =	ssettm $0x1  }
0x91: {  	s18 =	sld [smem:$0x3FFB];
	_ =	sdelay $0x3  }
0x92: {  	_ =	strace s18  }
0x93: {  	s3 =	sld [smem:$0x3FFC];
	_ =	sdelay $0x3  }
0x94: {  	_ =	strace s3  }
0x95: {  	s3 =	sld [smem:$0x3FFD];
	_ =	sdelay $0x3  }
0x96: {  	_ =	strace s3  }
0x97: {  	_ =	strace $0x8FFFFFFF  }
0x98: {  	s19 =	sld [smem:$0x3FDB];
	_ =	sdelay $0x1  }
0x99: {  	s4 =	simm.s32 $_scs_section_size  }
0x9a: {  	s5 =	simm.s32 $_size__tile_overlayer_lowered;
	s6 =	simm.s32 $_tile_overlayer_lowered  }
0x9b: {  	s22 =	simm.s32 $0x1BFF;
	s21 =	sshll.u32 s6, $0x1;
	s3 =	sadd.s32 s4, s19  }
0x9c: {  	s7 =	simm.s32 $0x0;
	s20 =	sshll.u32 s5, $0x1;
	s5 =	sadd.s32 s21, s3  }
0x9d: {  	[timem:s7], [sflag:s22] =	dma.local [hbm:s5], s20  }
0x9e: {  	_ =	swait.ge [sflag:s22], s20  }
0x9f: {  	s4 =	ssub.s32 $0x0, s20;
	[sflag:s22] =	ssyncset.done $0x0  }
0xa0: {  	[sflag:s22] =	ssyncadd.s32 s4;
	_ =	sdelay $0x1  }
0xa1: {  	s23 =	simm.s32 $0x1B8B  }
0xa2: {  	_ =	swait.ge [sflag:s23], $0x1  }
0xa3: {  	[sflag:s23] =	ssyncset.done $0x0  }
0xa4: {  	s25 =	simm.s32 $0x1B8E;
	s24 =	sld [smem:$0x3FFE];
	[sflag:s23] =	ssyncadd.s32 $0xFFFFFFFF  }
0xa5: {  	s26 =	simm.s32 $execute0_lowered;
	[smem:$0x3FD2] =	sst s25  }
0xa6: {  	s5 =	sshll.u32 s26, $0x1;
	_ =	strace $0x80000046;
	[dreg:$0x1] =	wrdreg $0xFFFFFFFF  }
0xa7: {  	s28 =	simm.s32 $_size_execute0_lowered;
	s3 =	sadd.s32 s3, s5;
	[dreg:$0x0] =	wrdreg $0x0  }
0xa8: {  	s5 =	sshll.u32 s28, $0x1;
	[dreg:$0x2] =	wrdreg s3  }
0xa9: {  	[dreg:$0x3] =	wrdreg s5  }
0xaa: {  	[dreg:$0x4] =	wrdreg $0xC0  }
0xab: {  	_ =	task [dreg:s7], $0x5FFFF  }
0xac: {  	[dreg:$0x1] =	wrdreg $0xFFFFFFFF  }
0xad: {  	[dreg:$0x0] =	wrdreg $0x60  }
0xae: {  	[dreg:$0x2] =	wrdreg s24  }
0xaf: {  	[dreg:$0x3] =	wrdreg s2  }
0xb0: {  	[dreg:$0x4] =	wrdreg $0xC9F00  }
0xb1: {  	[dreg:$0x5] =	wrdreg $0x9  }
0xb2: {  	_ =	task.clear_ibuf [dreg:s7], $0x6FFFF;
	_ =	strace $0x90000046  }
0xb3: {  	s29 =	simm.s32 $0x9;
	_ =	strace $0x80000048  }
0xb4: {  	_ =	swait.ge [sflag:s29], $0x1  }
0xb5: {  	[sflag:s29] =	ssyncadd.s32 $0xFFFFFFFF  }
0xb6: {  	_ =	strace $0x90000048  }
0xb7: {  	_ =	sfence  }
0xb8: {  	s30 =	sld [smem:$0x0];
	_ =	sdelay $0x2  }
0xb9: {  	s31 =	sshll.u32 s1, $0xD;
	s1 =	sshrl.u32 s1, $0x2  }
0xba: {  	s3 =	sand.u32 $0x4000, s31;
	s1 =	sadd.s32 s1, s30  }
0xbb: {  	s0 =	sor.u32 s3, s0;
	s1 =	sshll.u32 s1, $0x11  }
0xbc: {  	s0 =	sor.u32 s1, s0  }
0xbd: {  	s0 =	sadd.s32 $0x8F2B, s0  }
0xbe: {  	[sflag:s0] =	ssyncadd.remote.s32 $0x1  }
0xbf: {  	_ =	sfence.sel $0xFFFF  }
0xc0: {  	[dreg:$0x0] =	wrdreg $0xFFFFFFFF;
	(pc) =	sbr.abs _section_cstart, $3  }
0xc1: {  	[dreg:$0x1] =	wrdreg $0xFFFFFFFF  }
0xc2: {  	_ =	task.clear_ibuf [dreg:s7], $0x2FFFF;
	_ =	strace $0x9FFFFFFF  }
0xc3: {  	(tm) =	ssettm $0x7FFFFFFF  }
tec
execute0_lowered:
.L_overlay_start_1:
0x0: {  	(tag) =	ssettag $0x1  }
0x1: {  	s0 =	rddreg [dreg:$0x0]  }
0x2: {  	s10 =	rddreg [dreg:$0x2]  }
0x3: {  	s1 =	srdreg.scid;
	s11 =	stileid.u32  }
0x4: {  	v0 =	vimm.s32 $0xEFCDAB89;
	v1 =	vimm.s32 $0x67452301;
	s12 =	simm.s32 $0x0;
	s18 =	simm.s32 $0x2;
	s19 =	simm.s32 $0x50  }
0x5: {  	s22 =	simm.s32 $0x50F0;
	s23 =	simm.s32 $0x1;
	s24 =	simm.s32 $0xA0;
	v0 =	vunpack.c.l.s4.s8 v0;
	v1 =	vunpack.c.l.s4.s8 v1  }
0x6: {  	v2 =	vimm.s32 $0xDCFE98BA;
	v4 =	vimm.s32 $0x32107654;
	s1 =	sand.u32 $0x1, s1;
	s2 =	smul.u32 $0xB400, s11;
	[smem:$0x7FF] =	sst s12  }
0x7: {  	v5 =	vimm.s32 $0xFEDCBA98;
	s5 =	sadd.s32 $0x2C00, s0;
	s6 =	sadd.s32 $0xCA00, s0;
	s4 =	smul.u32 $0x2D000, s11;
	v0 =	vunpack.c.0.s8.s32 v0;
	v1 =	vunpack.c.0.s8.s32 v1  }
0x8: {  	v6 =	vimm.s32 $0x76543210;
	v2 =	vunpack.c.l.s4.s8 v2;
	s7 =	sadd.s32 $0x33C00, s0;
	s8 =	sadd.s32 $0x5AE00, s0;
	s3 =	smul.u32 $0xB4480, s1  }
0x9: {  	vm0 =	vmmov $0x1;
	v4 =	vunpack.c.l.s4.s8 v4;
	_ =	strace $0x80000047;
	s26 =	ssub.s32 $0x2, s1;
	s4 =	sshrl.u32 s4, $0x2;
	v3 =	vcombine.low v1, v0  }
0xa: {  	s3 =	sadd.s32 s2, s3;
	s4 =	sadd.s32 s4, s10;
	s2 =	sadd.s32 s2, s10;
	v0 =	vunpack.c.0.s8.s32 v2;
	v1 =	vimm.s32 $0x54761032;
	v2 =	vimm.s32 $0xBA98FEDC  }
0xb: {  	v5 =	vunpack.c.l.s4.s8 v5;
	s1 =	smul.u32 $0x1400, s1;
	s28 =	sadd.s32 $0x2400, s4;
	[dreg:$0x5] =	wrdreg s2;
	v1 =	vunpack.c.l.s4.s8 v1;
	v2 =	vunpack.c.l.s4.s8 v2  }
0xc: {  	vm1 =	vcmask $0x310;
	v6 =	vunpack.c.l.s4.s8 v6;
	s9 =	sshrl.u32 s26, $0x1;
	v4 =	vunpack.c.0.s8.s32 v4;
	s29 =	sadd.s32 $0x4800, s4;
	[dreg:$0x6] =	wrdreg s28  }
0xd: {  	v5 =	vunpack.c.0.s8.s32 v5;
	s3 =	sshrl.u32 s3, $0x3;
	s30 =	sadd.s32 $0x6C00, s4;
	[dreg:$0x7] =	wrdreg s29;
	v1 =	vunpack.c.0.s8.s32 v1;
	v2 =	vunpack.c.0.s8.s32 v2  }
0xe: {  	vm2 =	vcmask $0x710;
	vm3 =	vcmask $0xB10;
	v6 =	vunpack.c.0.s8.s32 v6;
	s4 =	sadd.s32 $0x9000, s4;
	s0 =	sadd.s32 s3, s0;
	[dreg:$0x8] =	wrdreg s30  }
0xf: {  	v5 =	vand.u32 $0xF, v5;
	s3 =	ssub.s32 s26, s9;
	[dreg:$0x9] =	wrdreg s4;
	s0 =	sadd.s32 $0xA9200, s0;
	v7 =	vcombine.low v1, v0;
	v4 =	vcombine.low v4, v2  }
0x10: {  	s25 =	simm.s32 $0x78F0;
	v5 =	vcombine.low v5, v6;
	s31 =	smax.u32 s3, $0x1;
	[dreg:$0xa] =	wrdreg s0;
	v0 =	vmov s1;
	v1 =	vimm.f32 $0.0e+00  }
0x11: {  	s14 =	smul.u32 $0x4E20, s11;
	s26 =	simm.s32 $0x0;
	[dreg:$0xb] =	wrdreg s31;
	v2 =	vand.u32 $0xF, v3;
	v3 =	vand.u32 $0xF, v7;
	v4 =	vand.u32 $0xF, v4  }
.LBB2_1:
0x12: {  	[dreg:$0x4] =	wrdreg s12;
	s0 =	simm.s32 $0x0;
	s1 =	simm.s32 $0x240  }
.LBB2_2:
0x13: {  	p0 =	sne.s32 s1, $0x8DC0;
	[tilespmem:s0+$0xA670] =	vst v1  }
0x14: {  	[tilespmem:s0+$0xA5F0] =	vst v1  }
0x15: {  	[tilespmem:s0+$0xA600] =	vst v1  }
0x16: {  	[tilespmem:s0+$0xA610] =	vst v1  }
.Ltmp0:
0x17: {  	[tilespmem:s0+$0xA620] =	vst v1;
	(pc) =	sbr.rel @p0 .LBB2_2-.Ltmp0, $4  }
0x18: {  	[tilespmem:s0+$0xA630] =	vst v1  }
0x19: {  	[tilespmem:s0+$0xA640] =	vst v1  }
0x1a: {  	[tilespmem:s0+$0xA650] =	vst v1  }
0x1b: {  	[tilespmem:s0+$0xA660] =	vst v1;
	s0 =	sshra.s32 s1, $0x2;
	s1 =	sadd.s32 $0x240, s1  }
0x1c: {  	[tilespmem:s0+$0xA670] =	vst v1  }
0x1d: {  	[tilespmem:s0+$0xA5F0] =	vst v1  }
0x1e: {  	[tilespmem:s0+$0xA600] =	vst v1  }
0x1f: {  	[tilespmem:s0+$0xA610] =	vst v1  }
0x20: {  	[tilespmem:s0+$0xA620] =	vst v1  }
0x21: {  	[tilespmem:s0+$0xA630] =	vst v1  }
0x22: {  	[tilespmem:s0+$0xA640] =	vst v1  }
0x23: {  	[tilespmem:s0+$0xA650] =	vst v1  }
0x24: {  	[tilespmem:s0+$0xA660] =	vst v1;
	s1 =	simm.s32 $0xA5F0  }
0x25: {  	[spmem:s2] =	stream.linear.scatter [tilespmem:s1], [sflag:$0x2], $0x2400, $0x38;
	[tilespmem:$0x17E38] =	vst v63  }
0x26: {  	_ =	swait.ge [sflag:s18], $0x2400  }
0x27: {  	[sflag:s18] =	ssyncset.done $0x0  }
0x28: {  	s21 =	rddreg [dreg:$0x6];
	[sflag:s18] =	ssyncadd.s32 $0xFFFFDC00  }
0x29: {  	[spmem:s21] =	stream.linear.scatter [tilespmem:s1], [sflag:$0x2], $0x2400, $0x38;
	[tilespmem:$0x17E38] =	vst v63  }
0x2a: {  	_ =	swait.ge [sflag:s18], $0x2400  }
0x2b: {  	[sflag:s18] =	ssyncset.done $0x0  }
0x2c: {  	s29 =	rddreg [dreg:$0x7];
	[sflag:s18] =	ssyncadd.s32 $0xFFFFDC00  }
0x2d: {  	[spmem:s29] =	stream.linear.scatter [tilespmem:s1], [sflag:$0x2], $0x2400, $0x38;
	[tilespmem:$0x17E38] =	vst v63  }
0x2e: {  	_ =	swait.ge [sflag:s18], $0x2400  }
0x2f: {  	[sflag:s18] =	ssyncset.done $0x0  }
0x30: {  	s30 =	rddreg [dreg:$0x8];
	[sflag:s18] =	ssyncadd.s32 $0xFFFFDC00  }
0x31: {  	[spmem:s30] =	stream.linear.scatter [tilespmem:s1], [sflag:$0x2], $0x2400, $0x38;
	[tilespmem:$0x17E38] =	vst v63  }
0x32: {  	_ =	swait.ge [sflag:s18], $0x2400  }
0x33: {  	[sflag:s18] =	ssyncset.done $0x0  }
0x34: {  	s31 =	rddreg [dreg:$0x9];
	[sflag:s18] =	ssyncadd.s32 $0xFFFFDC00  }
0x35: {  	[spmem:s31] =	stream.linear.scatter [tilespmem:s1], [sflag:$0x2], $0x2400, $0x38;
	[tilespmem:$0x17E38] =	vst v63  }
0x36: {  	_ =	swait.ge [sflag:s18], $0x2400  }
0x37: {  	[sflag:s18] =	ssyncset.done $0x0  }
0x38: {  	[sflag:s18] =	ssyncadd.s32 $0xFFFFDC00  }
0x39: {  	s28 =	simm.s32 $0x0;
	[bflag:$0x0] =	sbarrier.arrive $0xFFFF  }
.LBB2_4:
0x3a: {  	s0 =	smul.u32 $0x50, s28;
	_ =	sdelay $0x1  }
0x3b: {  	s0 =	sadd.s32 s14, s0  }
0x3c: {  	s0 =	sshrl.u32 s0, $0x3  }
0x3d: {  	s1 =	sadd.s32 s5, s0  }
0x3e: {  	[tilespmem:s26], [sflag:$0x2] =	stream.linear.gather [hbm4b:s1+s26], $0x50, $0x38;
	[tilespmem:$0x17E38] =	vst v63  }
0x3f: {  	_ =	swait.ge [sflag:s18], $0x50  }
0x40: {  	[sflag:s18] =	ssyncset.done $0x0  }
0x41: {  	[sflag:s18] =	ssyncadd.s32 $0xFFFFFFB0  }
0x42: {  	s17 =	rddreg [dreg:$0x1]  }
0x43: {  	s0 =	sadd.s32 s17, s0  }
0x44: {  	[tilespmem:s19], [sflag:$0x2] =	stream.linear.gather [hbm4b:s0+s26], $0x50, $0x38;
	[tilespmem:$0x17E38] =	vst v63  }
0x45: {  	_ =	swait.ge [sflag:s18], $0x50  }
0x46: {  	[sflag:s18] =	ssyncset.done $0x0  }
0x47: {  	s20 =	simm.s32 $0xF0;
	[sflag:s18] =	ssyncadd.s32 $0xFFFFFFB0  }
0x48: {  	[tilespmem:s20], [sflag:$0x1] =	stream.indirect.gather [hbm4b:s6+s19], $0x80, s19, s19, $0xb8;
	[tilespmem:$0x17E38] =	vst v63  }
0x49: {  	s21 =	simm.s32 $0x28F0  }
0x4a: {  	[tilespmem:s21], [sflag:$0x1] =	stream.indirect.gather [hbm4b:s7+s19], $0x80, s26, s19, $0xb8;
	[tilespmem:$0x17E38] =	vst v63  }
0x4b: {  	_ = 	snop  }
0x4c: {  	[tilespmem:s22], [sflag:$0x1] =	stream.indirect.gather [hbm4b:s8+s19], $0x80, s26, s19, $0xb8;
	[tilespmem:$0x17E38] =	vst v63  }
0x4d: {  	v6 =	vld [tilespmem:$0x50]  }
0x4e: {  	v7 =	vld [tilespmem:$0x60]  }
0x4f: {  	v8 =	vld [tilespmem:$0x70]  }
0x50: {  	v9 =	vld [tilespmem:$0x80]  }
0x51: {  	v10 =	vld [tilespmem:$0x90]  }
0x52: {  	v6 =	vsub.s32 v6, v0  }
0x53: {  	v7 =	vsub.s32 v7, v0;
	v6 =	vmin.u32 v6, $0x1400  }
0x54: {  	[tilespmem:$0xA0] =	vst v6;
	v6 =	vmin.u32 v7, $0x1400;
	v7 =	vsub.s32 v8, v0  }
0x55: {  	[tilespmem:$0xB0] =	vst v6;
	v6 =	vmin.u32 v7, $0x1400;
	v7 =	vsub.s32 v9, v0  }
0x56: {  	[tilespmem:$0xC0] =	vst v6;
	v6 =	vmin.u32 v7, $0x1400;
	v7 =	vsub.s32 v10, v0  }
0x57: {  	[tilespmem:$0xD0] =	vst v6;
	v6 =	vmin.u32 v7, $0x1400  }
0x58: {  	[tilespmem:$0xE0] =	vst v6  }
0x59: {  	_ =	swait.ge [sflag:s23], $0x2800  }
0x5a: {  	[sflag:s23] =	ssyncset.done $0x0  }
0x5b: {  	[sflag:s23] =	ssyncadd.s32 $0xFFFFD800  }
0x5c: {  	_ =	swait.ge [sflag:s23], $0x2800  }
0x5d: {  	[sflag:s23] =	ssyncset.done $0x0  }
0x5e: {  	[sflag:s23] =	ssyncadd.s32 $0xFFFFD800  }
0x5f: {  	_ =	swait.ge [sflag:s23], $0x2800  }
0x60: {  	[sflag:s23] =	ssyncset.done $0x0  }
0x61: {  	s29 =	simm.s32 $0x0;
	[sflag:s23] =	ssyncadd.s32 $0xFFFFD800  }
0x62: {  	v6 =	vld [tilespmem:s29+$0xF0]  }
0x63: {  	v7 =	vld [tilespmem:s29+$0x100]  }
0x64: {  	v8 =	vld [tilespmem:s29+$0x28F0]  }
0x65: {  	v9 =	vld [tilespmem:s29+$0x2900];
	_ =	sdelay $0x4  }
0x66: {  	v6 =	vmul.f32 v8, v6;
	v7 =	vmul.f32 v9, v7;
	_ =	sdelay $0x1  }
0x67: {  	v6 =	vadd.f32 v7, v6;
	_ =	sdelay $0x1  }
0x68: {  	v7 =	vperm.xlane v6, v2;
	_ =	sdelay $0x1  }
0x69: {  	v6 =	vadd.f32 v6, v7;
	_ =	sdelay $0x1  }
0x6a: {  	v7 =	vperm.xlane v6, v3;
	_ =	sdelay $0x1  }
0x6b: {  	v6 =	vadd.f32 v6, v7;
	_ =	sdelay $0x1  }
0x6c: {  	v7 =	vperm.xlane v6, v4;
	_ =	sdelay $0x1  }
0x6d: {  	v6 =	vadd.f32 v6, v7  }
0x6e: {  	s30 =	simm.s32 $0x80  }
0x6f: {  	v10 =	vld [tilespmem:s30+$0x28F0];
	v8 =	vperm.xlane v6, v5  }
0x70: {  	v9 =	vld [tilespmem:s30+$0x100]  }
0x71: {  	v7 =	vld [tilespmem:s30+$0xF0];
	v6 =	vadd.f32 v6, v8  }
0x72: {  	v8 =	vld [tilespmem:s30+$0x2900]  }
0x73: {  	v6 =	vmul.f32 $1.442695020e+00, v6;
	_ =	sdelay $0x1  }
0x74: {  	(erf) = vpow2.f32 v6;
	_ =	sdelay $0x1  }
0x75: {  	v6 =	vmul.f32 v10, v7;
	v7 =	vmul.f32 v8, v9;
	_ =	sdelay $0x1  }
0x76: {  	v6 =	vadd.f32 v7, v6  }
0x77: {  	v7 =	vld [tilespmem:s29+$0x50F0]  }
0x78: {  	v8 =	vperm.xlane v6, v2;
	_ =	sdelay $0x1  }
0x79: {  	v8 =	vadd.f32 v6, v8  }
0x7a: {  	v6 =	vpop (erf)  }
0x7b: {  	v9 =	vperm.xlane v8, v3;
	v7 =	vmul.f32 v6, v7  }
0x7c: {  	s31 =	simm.s32 $0x7930  }
0x7d: {  	[tilespmem:s31+$0xFFFFFFC0] =	vst v7;
	v7 =	vadd.f32 v8, v9  }
0x7e: {  	v8 =	vld [tilespmem:s29+$0x5100]  }
0x7f: {  	v9 =	vperm.xlane v7, v4;
	_ =	sdelay $0x1  }
0x80: {  	s0 =	simm.s32 $0x100;
	v7 =	vadd.f32 v7, v9  }
0x81: {  	v11 =	vld [tilespmem:s0+$0x100]  }
0x82: {  	v12 =	vld [tilespmem:s0+$0x28F0];
	v8 =	vmul.f32 v6, v8;
	v10 =	vperm.xlane v7, v5  }
0x83: {  	v9 =	vld [tilespmem:s0+$0xF0]  }
0x84: {  	[tilespmem:s31+$0xFFFFFFD0] =	vst v8;
	v7 =	vadd.f32 v7, v10;
	v10 =	vld [tilespmem:s0+$0x2900]  }
0x85: {  	v8 =	vld [tilespmem:s29+$0x110]  }
0x86: {  	v13 =	vld [tilespmem:s29+$0x2910];
	v7 =	vmul.f32 $1.442695020e+00, v7  }
0x87: {  	v14 =	vld [tilespmem:s29+$0x120]  }
0x88: {  	(erf) = vpow2.f32 v7;
	v7 =	vld [tilespmem:s29+$0x2920]  }
0x89: {  	v9 =	vmul.f32 v12, v9;
	v10 =	vmul.f32 v10, v11;
	_ =	sdelay $0x1  }
0x8a: {  	v9 =	vadd.f32 v10, v9  }
0x8b: {  	v8 =	vmul.f32 v13, v8  }
0x8c: {  	v11 =	vld [tilespmem:s30+$0x50F0];
	v7 =	vmul.f32 v7, v14;
	v10 =	vperm.xlane v9, v2;
	_ =	sdelay $0x1  }
0x8d: {  	v8 =	vadd.f32 v7, v8;
	v9 =	vadd.f32 v9, v10;
	_ =	sdelay $0x1  }
0x8e: {  	v7 =	vpop (erf);
	v10 =	vperm.xlane v8, v2;
	v12 =	vperm.xlane v9, v3  }
0x8f: {  	v11 =	vmul.f32 v7, v11  }
0x90: {  	s3 =	simm.s32 $0x79C0;
	v8 =	vadd.f32 v8, v10;
	v9 =	vadd.f32 v9, v12  }
0x91: {  	[tilespmem:s3+$0xFFFFFFC0] =	vst v11  }
0x92: {  	v10 =	vld [tilespmem:s30+$0x5100];
	v11 =	vperm.xlane v8, v3;
	v12 =	vperm.xlane v9, v4;
	_ =	sdelay $0x1  }
0x93: {  	v8 =	vadd.f32 v8, v11;
	v9 =	vadd.f32 v9, v12  }
0x94: {  	s10 =	simm.s32 $0x180  }
0x95: {  	v15 =	vld [tilespmem:s10+$0x2900];
	v11 =	vperm.xlane v8, v4;
	v14 =	vperm.xlane v9, v5  }
0x96: {  	v12 =	vld [tilespmem:s10+$0xF0];
	v10 =	vmul.f32 v7, v10  }
0x97: {  	v8 =	vadd.f32 v8, v11;
	v11 =	vld [tilespmem:s10+$0x28F0];
	v9 =	vadd.f32 v9, v14  }
0x98: {  	v13 =	vld [tilespmem:s10+$0x100];
	[tilespmem:s3+$0xFFFFFFD0] =	vst v10  }
0x99: {  	v10 =	vld [tilespmem:s30+$0x110];
	v14 =	vperm.xlane v8, v5;
	v9 =	vmul.f32 $1.442695020e+00, v9  }
0x9a: {  	v16 =	vld [tilespmem:s30+$0x2910]  }
0x9b: {  	v17 =	vld [tilespmem:s30+$0x120];
	v8 =	vadd.f32 v8, v14;
	(erf) = vpow2.f32 v9  }
0x9c: {  	v14 =	vld [tilespmem:s30+$0x2920];
	v9 =	vmul.f32 v11, v12  }
0x9d: {  	v11 =	vmul.f32 v15, v13;
	v8 =	vmul.f32 $1.442695020e+00, v8;
	_ =	sdelay $0x1  }
0x9e: {  	(erf) = vpow2.f32 v8;
	v8 =	vadd.f32 v11, v9  }
0x9f: {  	v10 =	vmul.f32 v16, v10;
	v9 =	vld [tilespmem:s0+$0x50F0]  }
0xa0: {  	v11 =	vmul.f32 v14, v17;
	v12 =	vperm.xlane v8, v2;
	_ =	sdelay $0x1  }
0xa1: {  	v10 =	vadd.f32 v11, v10;
	v11 =	vadd.f32 v8, v12  }
0xa2: {  	v8 =	vpop (erf)  }
0xa3: {  	v9 =	vmul.f32 v8, v9;
	v14 =	vperm.xlane v11, v3  }
0xa4: {  	s11 =	simm.s32 $0x7A50;
	v13 =	vperm.xlane v10, v2  }
0xa5: {  	v12 =	vld [tilespmem:s29+$0x5110];
	[tilespmem:s11+$0xFFFFFFC0] =	vst v9;
	v9 =	vadd.f32 v11, v14  }
0xa6: {  	v10 =	vadd.f32 v10, v13  }
0xa7: {  	v13 =	vld [tilespmem:s0+$0x5100];
	v15 =	vperm.xlane v9, v4  }
0xa8: {  	v14 =	vperm.xlane v10, v3  }
0xa9: {  	s12 =	simm.s32 $0x200;
	v11 =	vpop (erf);
	v9 =	vadd.f32 v9, v15  }
0xaa: {  	v18 =	vld [tilespmem:s12+$0x2900];
	v12 =	vmul.f32 v11, v12;
	v10 =	vadd.f32 v10, v14  }
0xab: {  	v17 =	vld [tilespmem:s12+$0x100];
	v16 =	vperm.xlane v9, v5  }
0xac: {  	[tilespmem:s31+$0xFFFFFFE0] =	vst v12;
	v15 =	vld [tilespmem:s12+$0xF0];
	v14 =	vperm.xlane v10, v4;
	v13 =	vmul.f32 v8, v13  }
0xad: {  	v12 =	vld [tilespmem:s29+$0x5120];
	v9 =	vadd.f32 v9, v16  }
0xae: {  	v10 =	vadd.f32 v10, v14;
	v14 =	vld [tilespmem:s12+$0x28F0];
	[tilespmem:s11+$0xFFFFFFD0] =	vst v13  }
0xaf: {  	v13 =	vld [tilespmem:s0+$0x110];
	v9 =	vmul.f32 $1.442695020e+00, v9  }
0xb0: {  	v16 =	vperm.xlane v10, v5;
	v20 =	vld [tilespmem:s0+$0x120]  }
0xb1: {  	(erf) = vpow2.f32 v9;
	v9 =	vld [tilespmem:s0+$0x2920]  }
0xb2: {  	v19 =	vld [tilespmem:s0+$0x2910];
	v10 =	vadd.f32 v10, v16  }
0xb3: {  	v14 =	vmul.f32 v14, v15  }
0xb4: {  	v15 =	vmul.f32 v18, v17;
	v10 =	vmul.f32 $1.442695020e+00, v10  }
0xb5: {  	v12 =	vmul.f32 v11, v12  }
0xb6: {  	v14 =	vadd.f32 v15, v14;
	(erf) = vpow2.f32 v10;
	v10 =	vld [tilespmem:s10+$0x50F0];
	v9 =	vmul.f32 v9, v20  }
0xb7: {  	[tilespmem:s31+$0xFFFFFFF0] =	vst v12;
	v13 =	vmul.f32 v19, v13  }
0xb8: {  	v18 =	vld [tilespmem:s29+$0x140];
	v12 =	vperm.xlane v14, v2  }
0xb9: {  	v15 =	vld [tilespmem:s29+$0x2930];
	v13 =	vadd.f32 v9, v13  }
0xba: {  	v12 =	vadd.f32 v14, v12;
	v14 =	vld [tilespmem:s29+$0x130];
	v9 =	vpop (erf)  }
0xbb: {  	v20 =	vld [tilespmem:s29+$0x2940];
	v17 =	vperm.xlane v13, v2;
	v10 =	vmul.f32 v9, v10  }
0xbc: {  	s13 =	simm.s32 $0x7AE0;
	v16 =	vld [tilespmem:s30+$0x5110];
	v19 =	vperm.xlane v12, v3  }
0xbd: {  	v13 =	vadd.f32 v13, v17;
	[tilespmem:s13+$0xFFFFFFC0] =	vst v10  }
0xbe: {  	v12 =	vadd.f32 v12, v19;
	v17 =	vld [tilespmem:s10+$0x5100]  }
0xbf: {  	v14 =	vmul.f32 v15, v14;
	v19 =	vperm.xlane v13, v3  }
0xc0: {  	s15 =	simm.s32 $0x280;
	v15 =	vmul.f32 v20, v18;
	v21 =	vperm.xlane v12, v4;
	v10 =	vpop (erf)  }
0xc1: {  	v22 =	vld [tilespmem:s15+$0x2900];
	v16 =	vmul.f32 v10, v16;
	v13 =	vadd.f32 v13, v19  }
0xc2: {  	v14 =	vadd.f32 v15, v14;
	v15 =	vld [tilespmem:s15+$0x100];
	v12 =	vadd.f32 v12, v21  }
0xc3: {  	v19 =	vld [tilespmem:s15+$0xF0];
	[tilespmem:s3+$0xFFFFFFE0] =	vst v16;
	v18 =	vperm.xlane v13, v4;
	v17 =	vmul.f32 v9, v17  }
0xc4: {  	v20 =	vperm.xlane v12, v5;
	v16 =	vld [tilespmem:s30+$0x5120]  }
0xc5: {  	v13 =	vadd.f32 v13, v18;
	v18 =	vld [tilespmem:s15+$0x28F0];
	[tilespmem:s13+$0xFFFFFFD0] =	vst v17;
	v17 =	vperm.xlane v14, v2  }
0xc6: {  	v12 =	vadd.f32 v12, v20;
	v21 =	vld [tilespmem:s10+$0x110]  }
0xc7: {  	v20 =	vperm.xlane v13, v5;
	v23 =	vld [tilespmem:s10+$0x2910];
	v14 =	vadd.f32 v14, v17  }
0xc8: {  	v12 =	vmul.f32 $1.442695020e+00, v12;
	v17 =	vld [tilespmem:s10+$0x120]  }
0xc9: {  	v13 =	vadd.f32 v13, v20;
	v20 =	vld [tilespmem:s10+$0x2920];
	v24 =	vperm.xlane v14, v3  }
0xca: {  	v15 =	vmul.f32 v22, v15;
	(erf) = vpow2.f32 v12  }
0xcb: {  	v12 =	vmul.f32 $1.442695020e+00, v13;
	v13 =	vadd.f32 v14, v24;
	v14 =	vmul.f32 v18, v19  }
0xcc: {  	v16 =	vmul.f32 v10, v16  }
0xcd: {  	(erf) = vpow2.f32 v12;
	v12 =	vperm.xlane v13, v4;
	v14 =	vadd.f32 v15, v14  }
0xce: {  	[tilespmem:s3+$0xFFFFFFF0] =	vst v16;
	v16 =	vmul.f32 v23, v21;
	v17 =	vmul.f32 v20, v17  }
0xcf: {  	v15 =	vld [tilespmem:s12+$0x50F0];
	v13 =	vadd.f32 v13, v12;
	v12 =	vperm.xlane v14, v2  }
0xd0: {  	v18 =	vld [tilespmem:s30+$0x2930];
	v16 =	vadd.f32 v17, v16  }
0xd1: {  	v19 =	vld [tilespmem:s30+$0x130];
	v20 =	vperm.xlane v13, v5  }
0xd2: {  	v17 =	vld [tilespmem:s0+$0x5110];
	v14 =	vadd.f32 v14, v12;
	v22 =	vperm.xlane v16, v2  }
0xd3: {  	v21 =	vld [tilespmem:s30+$0x140];
	v12 =	vpop (erf);
	v20 =	vadd.f32 v13, v20  }
0xd4: {  	v23 =	vld [tilespmem:s30+$0x2940];
	v24 =	vperm.xlane v14, v3;
	v16 =	vadd.f32 v16, v22;
	v15 =	vmul.f32 v12, v15  }
0xd5: {  	s16 =	simm.s32 $0x7B70;
	v20 =	vmul.f32 $1.442695020e+00, v20  }
0xd6: {  	v13 =	vpop (erf);
	v14 =	vadd.f32 v14, v24;
	v22 =	vperm.xlane v16, v3;
	[tilespmem:s16+$0xFFFFFFC0] =	vst v15  }
0xd7: {  	v15 =	vmul.f32 v13, v17;
	v17 =	vld [tilespmem:s12+$0x5100];
	(erf) = vpow2.f32 v20  }
0xd8: {  	s9 =	simm.s32 $0x300;
	v20 =	vperm.xlane v14, v4  }
0xd9: {  	v25 =	vld [tilespmem:s9+$0x28F0];
	v18 =	vmul.f32 v18, v19;
	v19 =	vmul.f32 v23, v21;
	[tilespmem:s11+$0xFFFFFFE0] =	vst v15;
	v15 =	vadd.f32 v16, v22  }
0xda: {  	v26 =	vld [tilespmem:s9+$0x2900];
	v14 =	vadd.f32 v14, v20  }
0xdb: {  	v21 =	vld [tilespmem:s9+$0xF0];
	v18 =	vadd.f32 v19, v18;
	v20 =	vperm.xlane v15, v4  }
0xdc: {  	v19 =	vld [tilespmem:s29+$0x5130];
	v22 =	vperm.xlane v14, v5;
	v17 =	vmul.f32 v12, v17  }
0xdd: {  	v23 =	vperm.xlane v18, v2;
	v24 =	vld [tilespmem:s9+$0x100];
	v20 =	vadd.f32 v15, v20  }
0xde: {  	v16 =	vld [tilespmem:s0+$0x5120];
	v14 =	vadd.f32 v14, v22;
	[tilespmem:s16+$0xFFFFFFD0] =	vst v17  }
0xdf: {  	v18 =	vadd.f32 v18, v23;
	v22 =	vperm.xlane v20, v5;
	v17 =	vld [tilespmem:s12+$0x110]  }
0xe0: {  	v23 =	vld [tilespmem:s12+$0x2910];
	v14 =	vmul.f32 $1.442695020e+00, v14;
	v15 =	vpop (erf)  }
0xe1: {  	v27 =	vld [tilespmem:s12+$0x120];
	v20 =	vadd.f32 v20, v22;
	v22 =	vperm.xlane v18, v3;
	v19 =	vmul.f32 v15, v19  }
0xe2: {  	(erf) = vpow2.f32 v14;
	v14 =	vld [tilespmem:s12+$0x2920]  }
0xe3: {  	v21 =	vmul.f32 v25, v21;
	v20 =	vmul.f32 $1.442695020e+00, v20;
	v18 =	vadd.f32 v18, v22;
	[tilespmem:s31+$0x0] =	vst v19  }
0xe4: {  	v16 =	vmul.f32 v13, v16;
	v22 =	vmul.f32 v26, v24;
	v19 =	vld [tilespmem:s29+$0x5140]  }
0xe5: {  	(erf) = vpow2.f32 v20;
	v20 =	vperm.xlane v18, v4  }
0xe6: {  	v17 =	vmul.f32 v23, v17  }
0xe7: {  	[tilespmem:s11+$0xFFFFFFF0] =	vst v16;
	v16 =	vadd.f32 v18, v20;
	v14 =	vmul.f32 v14, v27;
	v20 =	vadd.f32 v22, v21  }
0xe8: {  	v24 =	vld [tilespmem:s15+$0x50F0]  }
0xe9: {  	v26 =	vld [tilespmem:s0+$0x140];
	v17 =	vadd.f32 v14, v17;
	v25 =	vperm.xlane v20, v2;
	v19 =	vmul.f32 v15, v19  }
0xea: {  	v23 =	vld [tilespmem:s10+$0x5110];
	v22 =	vperm.xlane v16, v5  }
0xeb: {  	v18 =	vld [tilespmem:s0+$0x2930];
	v20 =	vadd.f32 v20, v25;
	[tilespmem:s31+$0x10] =	vst v19;
	v19 =	vperm.xlane v17, v2  }
0xec: {  	v21 =	vld [tilespmem:s0+$0x130];
	v14 =	vpop (erf);
	v16 =	vadd.f32 v16, v22  }
0xed: {  	v22 =	vld [tilespmem:s0+$0x2940];
	v24 =	vmul.f32 v14, v24;
	v17 =	vadd.f32 v17, v19;
	v19 =	vperm.xlane v20, v3  }
0xee: {  	s17 =	simm.s32 $0x7C00;
	v25 =	vld [tilespmem:s29+$0x150];
	v27 =	vmul.f32 $1.442695020e+00, v16  }
0xef: {  	v28 =	vld [tilespmem:s29+$0x2950];
	[tilespmem:s17+$0xFFFFFFC0] =	vst v24;
	v29 =	vperm.xlane v17, v3;
	v19 =	vadd.f32 v20, v19  }
0xf0: {  	v16 =	vpop (erf);
	v24 =	vld [tilespmem:s15+$0x5100];
	(erf) = vpow2.f32 v27  }
0xf1: {  	v27 =	vld [tilespmem:s29+$0x160];
	v17 =	vadd.f32 v17, v29;
	v29 =	vperm.xlane v19, v4  }
0xf2: {  	s4 =	simm.s32 $0x380;
	v18 =	vmul.f32 v18, v21;
	v20 =	vld [tilespmem:s29+$0x2960]  }
0xf3: {  	v30 =	vld [tilespmem:s4+$0xF0];
	v21 =	vmul.f32 v22, v26;
	v26 =	vperm.xlane v17, v4;
	v19 =	vadd.f32 v19, v29  }
0xf4: {  	v33 =	vld [tilespmem:s4+$0x2900];
	v23 =	vmul.f32 v16, v23  }
0xf5: {  	v22 =	vld [tilespmem:s30+$0x5130];
	v26 =	vadd.f32 v17, v26;
	v17 =	vperm.xlane v19, v5  }
0xf6: {  	[tilespmem:s13+$0xFFFFFFE0] =	vst v23;
	v18 =	vadd.f32 v21, v18;
	v21 =	vmul.f32 v28, v25;
	v25 =	vld [tilespmem:s4+$0x100];
	v24 =	vmul.f32 v14, v24  }
0xf7: {  	v23 =	vld [tilespmem:s10+$0x5120];
	v20 =	vmul.f32 v20, v27  }
0xf8: {  	v27 =	vld [tilespmem:s4+$0x28F0];
	[tilespmem:s17+$0xFFFFFFD0] =	vst v24;
	v24 =	vperm.xlane v18, v2  }
0xf9: {  	v28 =	vld [tilespmem:s15+$0x110];
	v20 =	vadd.f32 v20, v21;
	v21 =	vperm.xlane v26, v5;
	v19 =	vadd.f32 v19, v17;
	v17 =	vpop (erf)  }
0xfa: {  	v29 =	vld [tilespmem:s15+$0x2910];
	v18 =	vadd.f32 v18, v24;
	v22 =	vmul.f32 v17, v22  }
0xfb: {  	v24 =	vld [tilespmem:s15+$0x120];
	v31 =	vperm.xlane v20, v2;
	v21 =	vadd.f32 v26, v21;
	v19 =	vmul.f32 $1.442695020e+00, v19  }
0xfc: {  	v23 =	vmul.f32 v16, v23;
	v26 =	vld [tilespmem:s15+$0x2920];
	v32 =	vperm.xlane v18, v3;
	[tilespmem:s3+$0x0] =	vst v22  }
0xfd: {  	v20 =	vadd.f32 v20, v31;
	v21 =	vmul.f32 $1.442695020e+00, v21;
	(erf) = vpow2.f32 v19;
	v19 =	vld [tilespmem:s30+$0x5140]  }
0xfe: {  	[tilespmem:s13+$0xFFFFFFF0] =	vst v23;
	v18 =	vadd.f32 v18, v32  }
0xff: {  	v31 =	vld [tilespmem:s10+$0x130];
	(erf) = vpow2.f32 v21;
	v21 =	vperm.xlane v20, v3  }
0x100: {  	v23 =	vmul.f32 v29, v28;
	v28 =	vld [tilespmem:s10+$0x2930];
	v29 =	vperm.xlane v18, v4  }
0x101: {  	v25 =	vmul.f32 v33, v25;
	v27 =	vmul.f32 v27, v30;
	v22 =	vld [tilespmem:s9+$0x50F0];
	v20 =	vadd.f32 v20, v21  }
0x102: {  	v24 =	vmul.f32 v26, v24;
	v21 =	vld [tilespmem:s10+$0x140];
	v26 =	vadd.f32 v18, v29;
	v18 =	vmul.f32 v17, v19  }
0x103: {  	v29 =	vld [tilespmem:s10+$0x2940];
	v19 =	vadd.f32 v25, v27;
	v25 =	vperm.xlane v20, v4  }
0x104: {  	v23 =	vadd.f32 v24, v23;
	v24 =	vld [tilespmem:s12+$0x5110];
	v27 =	vperm.xlane v26, v5;
	[tilespmem:s3+$0x10] =	vst v18  }
0x105: {  	v30 =	vperm.xlane v19, v2;
	v25 =	vadd.f32 v20, v25;
	v62 =	vld [tilespmem:s30+$0x150]  }
0x106: {  	v28 =	vmul.f32 v28, v31;
	v20 =	vperm.xlane v23, v2;
	v26 =	vadd.f32 v26, v27;
	v27 =	vld [tilespmem:s30+$0x2950];
	v18 =	vpop (erf)  }
0x107: {  	v63 =	vld [tilespmem:s30+$0x160];
	v30 =	vadd.f32 v19, v30;
	v31 =	vperm.xlane v25, v5;
	v22 =	vmul.f32 v18, v22  }
0x108: {  	s2 =	simm.s32 $0x7C90;
	v21 =	vmul.f32 v29, v21;
	v35 =	vld [tilespmem:s30+$0x2960];
	v34 =	vadd.f32 v23, v20;
	v26 =	vmul.f32 $1.442695020e+00, v26;
	v19 =	vpop (erf)  }
0x109: {  	v29 =	vperm.xlane v30, v3;
	v24 =	vmul.f32 v19, v24;
	v36 =	vadd.f32 v25, v31;
	[tilespmem:s2+$0xFFFFFFC0] =	vst v22;
	v22 =	vld [tilespmem:s30+$0x5150]  }
0x10a: {  	v37 =	vperm.xlane v34, v3;
	v25 =	vadd.f32 v21, v28;
	(erf) = vpow2.f32 v26;
	v23 =	vld [tilespmem:s9+$0x5100]  }
0x10b: {  	v20 =	vld [tilespmem:s29+$0x5150];
	v31 =	vadd.f32 v30, v29;
	[tilespmem:s16+$0xFFFFFFE0] =	vst v24;
	v27 =	vmul.f32 v27, v62  }
0x10c: {  	v21 =	vmul.f32 $1.442695020e+00, v36;
	v26 =	vperm.xlane v25, v2;
	v28 =	vadd.f32 v34, v37;
	v29 =	vld [tilespmem:s12+$0x5120]  }
0x10d: {  	s1 =	simm.s32 $0x7C90;
	s20 =	simm.s32 $0x1000;
	v24 =	vld [tilespmem:s0+$0x5130];
	v30 =	vmul.f32 v35, v63;
	v32 =	vperm.xlane v31, v4  }
.LBB2_5:
0x10e: {  	s21 =	sshra.s32 s20, $0x2;
	p0 =	sne.s32 s20, $0x9E00;
	s20 =	sadd.s32 $0x200, s20;
	v33 =	vld [tilespmem:s4+$0x50F0];
	v34 =	vperm.xlane v28, v4;
	(erf) = vpow2.f32 v21;
	v21 =	vmov v22  }
0x10f: {  	v22 =	vld [tilespmem:s21+$0xF0];
	v31 =	vadd.f32 v31, v32;
	v23 =	vmul.f32 v18, v23;
	v27 =	vadd.f32 v30, v27  }
0x110: {  	v30 =	vld [tilespmem:s21+$0x100];
	v28 =	vadd.f32 v28, v34  }
0x111: {  	v32 =	vld [tilespmem:s21+$0x28F0];
	v34 =	vperm.xlane v31, v5;
	[tilespmem:s2+$0xFFFFFFD0] =	vst v23;
	v23 =	vmul.f32 v19, v29  }
0x112: {  	v36 =	vperm.xlane v27, v2;
	v29 =	vld [tilespmem:s9+$0x110];
	v35 =	vperm.xlane v28, v5  }
0x113: {  	v31 =	vadd.f32 v31, v34;
	v34 =	vld [tilespmem:s9+$0x2910];
	[tilespmem:s16+$0xFFFFFFF0] =	vst v23;
	v23 =	vadd.f32 v25, v26;
	v25 =	vpop (erf)  }
0x114: {  	v27 =	vadd.f32 v27, v36;
	v26 =	vld [tilespmem:s9+$0x120];
	v28 =	vadd.f32 v28, v35;
	v24 =	vmul.f32 v25, v24  }
0x115: {  	v38 =	vmul.f32 $1.442695020e+00, v31;
	v35 =	vld [tilespmem:s9+$0x2920];
	v36 =	vperm.xlane v23, v3  }
0x116: {  	v37 =	vld [tilespmem:s21+$0x2900];
	v28 =	vmul.f32 $1.442695020e+00, v28;
	[tilespmem:s11+$0x0] =	vst v24  }
0x117: {  	(erf) = vpow2.f32 v38;
	v23 =	vadd.f32 v23, v36;
	v24 =	vld [tilespmem:s0+$0x5140];
	v36 =	vnsel vm0, $0x0, v6;
	v31 =	vpop (erf)  }
0x118: {  	v6 =	vmovc v7;
	v29 =	vmul.f32 v34, v29;
	v34 =	vld [tilespmem:s12+$0x2930];
	v11 =	vsel vm1, v36, v11;
	v20 =	vmul.f32 v31, v20  }
0x119: {  	v36 =	vperm.xlane v27, v3;
	(erf) = vpow2.f32 v28;
	v28 =	vld [tilespmem:s12+$0x130];
	v11 =	vsel vm2, v11, v15;
	v15 =	vmovc v17;
	v17 =	vmovc v25  }
0x11a: {  	v22 =	vmul.f32 v32, v22;
	v32 =	vperm.xlane v23, v4;
	v25 =	vld [tilespmem:s12+$0x140];
	[tilespmem:s31+$0x20] =	vst v20;
	v11 =	vsel vm3, v11, v31  }
0x11b: {  	v7 =	vmovc v8;
	v26 =	vmul.f32 v35, v26;
	v27 =	vadd.f32 v27, v36;
	v20 =	vmul.f32 v37, v30;
	v30 =	vld [tilespmem:s29+$0x5160];
	s29 =	smov.u32 s30;
	s30 =	smov.u32 s0;
	s0 =	smov.u32 s10  }
0x11c: {  	v8 =	vmovc v9;
	v9 =	vmov v12;
	v23 =	vadd.f32 v23, v32;
	s10 =	smov.u32 s12;
	v35 =	vld [tilespmem:s12+$0x2940];
	v24 =	vmul.f32 v17, v24;
	[tilespmem:s31+$0x40] =	vst v11;
	s12 =	smov.u32 s15;
	s15 =	smov.u32 s9  }
0x11d: {  	s2 =	sadd.s32 $0x90, s2;
	v12 =	vmovc v14;
	s9 =	smov.u32 s4;
	s4 =	smov.u32 s21;
	v20 =	vadd.f32 v20, v22;
	v22 =	vadd.f32 v26, v29;
	v26 =	vperm.xlane v27, v4  }
0x11e: {  	v14 =	vmovc v18;
	v32 =	vperm.xlane v23, v5;
	v11 =	vmov v10;
	v29 =	vld [tilespmem:s12+$0x5110];
	v28 =	vmul.f32 v34, v28;
	[tilespmem:s11+$0x10] =	vst v24  }
0x11f: {  	v10 =	vmovc v13;
	v24 =	vperm.xlane v20, v2;
	v34 =	vperm.xlane v22, v2;
	v36 =	vld [tilespmem:s30+$0x150];
	v26 =	vadd.f32 v27, v26  }
0x120: {  	v13 =	vmov v16;
	v23 =	vadd.f32 v23, v32;
	v18 =	vpop (erf);
	v27 =	vld [tilespmem:s30+$0x2950];
	v30 =	vmul.f32 v31, v30  }
0x121: {  	v16 =	vmovc v19;
	v24 =	vadd.f32 v20, v24;
	v38 =	vmul.f32 v18, v33;
	v33 =	vld [tilespmem:s30+$0x160];
	v31 =	vperm.xlane v26, v5  }
0x122: {  	v32 =	vadd.f32 v22, v34;
	v25 =	vmul.f32 v35, v25;
	v34 =	vmul.f32 $1.442695020e+00, v23;
	v19 =	vpop (erf);
	v35 =	vld [tilespmem:s30+$0x2960];
	[tilespmem:s31+$0x30] =	vst v30;
	s31 =	smov.u32 s3;
	s3 =	smov.u32 s11;
	s11 =	smov.u32 s13  }
.Ltmp1:
0x123: {  	s13 =	smov.u32 s16;
	s16 =	smov.u32 s17;
	v30 =	vperm.xlane v24, v3;
	[tilespmem:s2+$0xFFFFFFC0] =	vst v38;
	v29 =	vmul.f32 v19, v29;
	v22 =	vld [tilespmem:s30+$0x5150];
	v26 =	vadd.f32 v26, v31;
	(pc) =	sbr.rel @p0 .LBB2_5-.Ltmp1, $4  }
0x124: {  	v20 =	vmovc v21;
	s17 =	smov.u32 s1;
	s1 =	smov.u32 s2;
	v37 =	vperm.xlane v32, v3;
	v25 =	vadd.f32 v25, v28;
	v23 =	vld [tilespmem:s9+$0x5100];
	(erf) = vpow2.f32 v34  }
0x125: {  	v31 =	vadd.f32 v24, v30;
	[tilespmem:s16+$0xFFFFFFE0] =	vst v29;
	v27 =	vmul.f32 v27, v36;
	v21 =	vmul.f32 $1.442695020e+00, v26  }
0x126: {  	v28 =	vadd.f32 v32, v37;
	v26 =	vperm.xlane v25, v2;
	v29 =	vld [tilespmem:s12+$0x5120]  }
0x127: {  	v32 =	vperm.xlane v31, v4;
	v24 =	vld [tilespmem:s0+$0x5130];
	v30 =	vmul.f32 v35, v33  }
0x128: {  	_ = 	snop  }
0x129: {  	v31 =	vadd.f32 v31, v32;
	_ =	sdelay $0x1  }
0x12a: {  	v32 =	vperm.xlane v31, v5;
	_ =	sdelay $0x1  }
0x12b: {  	v31 =	vadd.f32 v31, v32;
	_ =	sdelay $0x1  }
0x12c: {  	v31 =	vmul.f32 $1.442695020e+00, v31  }
0x12d: {  	(erf) = vpow2.f32 v21  }
0x12e: {  	(erf) = vpow2.f32 v31;
	_ =	sdelay $0x3  }
0x12f: {  	v59 =	vmul.f32 v18, v23  }
0x130: {  	v60 =	vld [tilespmem:s4+$0x50F0];
	v23 =	vpop (erf)  }
0x131: {  	[tilespmem:s2+$0xFFFFFFD0] =	vst v59;
	v61 =	vmul.f32 v23, v24  }
0x132: {  	v62 =	vld [tilespmem:s9+$0x110]  }
0x133: {  	v33 =	vld [tilespmem:s9+$0x2910];
	[tilespmem:s11+$0x0] =	vst v61;
	v24 =	vpop (erf)  }
0x134: {  	v29 =	vmul.f32 v19, v29;
	v34 =	vld [tilespmem:s0+$0x5140];
	v21 =	vpop (erf)  }
0x135: {  	v35 =	vld [tilespmem:s9+$0x120];
	v31 =	vmul.f32 v21, v60  }
0x136: {  	s21 =	sadd.s32 $0x90, s2;
	v63 =	vld [tilespmem:s9+$0x2920];
	[tilespmem:s16+$0xFFFFFFF0] =	vst v29  }
0x137: {  	v36 =	vld [tilespmem:s12+$0x2930];
	[tilespmem:s21+$0xFFFFFFC0] =	vst v31  }
0x138: {  	v37 =	vld [tilespmem:s4+$0x5100]  }
0x139: {  	v25 =	vadd.f32 v25, v26;
	v38 =	vld [tilespmem:s12+$0x130];
	v34 =	vmul.f32 v23, v34  }
0x13a: {  	v27 =	vadd.f32 v30, v27;
	v44 =	vld [tilespmem:s12+$0x140]  }
0x13b: {  	v40 =	vperm.xlane v25, v3;
	v45 =	vld [tilespmem:s12+$0x2940];
	[tilespmem:s11+$0x10] =	vst v34  }
0x13c: {  	v46 =	vperm.xlane v27, v2;
	v39 =	vld [tilespmem:s0+$0x150]  }
0x13d: {  	v25 =	vadd.f32 v25, v40;
	v41 =	vld [tilespmem:s0+$0x2950];
	v37 =	vmul.f32 v21, v37  }
0x13e: {  	v27 =	vadd.f32 v27, v46;
	v32 =	vmul.f32 v33, v62;
	v29 =	vmul.f32 v63, v35;
	v47 =	vld [tilespmem:s0+$0x160]  }
0x13f: {  	v43 =	vperm.xlane v28, v4;
	v48 =	vld [tilespmem:s0+$0x2960];
	[tilespmem:s21+$0xFFFFFFD0] =	vst v37  }
0x140: {  	v51 =	vperm.xlane v25, v4;
	v49 =	vperm.xlane v27, v3;
	v29 =	vadd.f32 v29, v32;
	v50 =	vld [tilespmem:s4+$0x110]  }
0x141: {  	v28 =	vadd.f32 v28, v43;
	v54 =	vmul.f32 v36, v38;
	v26 =	vmul.f32 v45, v44;
	v37 =	vld [tilespmem:s4+$0x2910]  }
0x142: {  	v25 =	vadd.f32 v25, v51;
	v52 =	vperm.xlane v29, v2;
	v53 =	vld [tilespmem:s4+$0x120]  }
0x143: {  	v27 =	vadd.f32 v27, v49;
	v26 =	vadd.f32 v26, v54;
	v31 =	vperm.xlane v28, v5;
	v55 =	vld [tilespmem:s4+$0x2920]  }
0x144: {  	v58 =	vperm.xlane v25, v5;
	v56 =	vadd.f32 v29, v52  }
0x145: {  	v57 =	vperm.xlane v27, v4;
	v61 =	vperm.xlane v26, v2;
	v28 =	vadd.f32 v28, v31  }
0x146: {  	v59 =	vperm.xlane v56, v3;
	v60 =	vmul.f32 v41, v39  }
0x147: {  	v27 =	vadd.f32 v27, v57;
	v33 =	vmul.f32 v48, v47;
	v28 =	vmul.f32 $1.442695020e+00, v28  }
0x148: {  	v26 =	vadd.f32 v26, v61;
	v62 =	vmul.f32 v37, v50;
	v30 =	vmul.f32 v55, v53  }
0x149: {  	v33 =	vadd.f32 v33, v60;
	(erf) = vpow2.f32 v28;
	v28 =	vadd.f32 v56, v59  }
0x14a: {  	v63 =	vperm.xlane v27, v5;
	v41 =	vperm.xlane v26, v3;
	v37 =	vadd.f32 v30, v62  }
0x14b: {  	v25 =	vadd.f32 v25, v58;
	v39 =	vperm.xlane v33, v2;
	v38 =	vperm.xlane v28, v4  }
0x14c: {  	v27 =	vadd.f32 v27, v63;
	v26 =	vadd.f32 v26, v41;
	v42 =	vperm.xlane v37, v2  }
0x14d: {  	v25 =	vmul.f32 $1.442695020e+00, v25;
	v43 =	vadd.f32 v33, v39;
	v28 =	vadd.f32 v28, v38  }
0x14e: {  	v27 =	vmul.f32 $1.442695020e+00, v27;
	v46 =	vperm.xlane v26, v4;
	v29 =	vadd.f32 v37, v42  }
0x14f: {  	v45 =	vperm.xlane v43, v3;
	v44 =	vperm.xlane v28, v5  }
0x150: {  	v40 =	vld [tilespmem:s15+$0x5110];
	(erf) = vpow2.f32 v25;
	v35 =	vperm.xlane v29, v3  }
0x151: {  	v28 =	vadd.f32 v28, v44;
	v30 =	vadd.f32 v43, v45  }
0x152: {  	v26 =	vadd.f32 v26, v46;
	(erf) = vpow2.f32 v27;
	v47 =	vadd.f32 v29, v35  }
0x153: {  	v28 =	vmul.f32 $1.442695020e+00, v28;
	v48 =	vperm.xlane v30, v4  }
0x154: {  	v49 =	vperm.xlane v26, v5;
	v25 =	vpop (erf);
	v50 =	vperm.xlane v47, v4  }
0x155: {  	v51 =	vld [tilespmem:s10+$0x5130];
	v34 =	vmul.f32 v25, v40;
	(erf) = vpow2.f32 v28;
	v29 =	vadd.f32 v30, v48  }
0x156: {  	v26 =	vadd.f32 v26, v49;
	v27 =	vadd.f32 v47, v50  }
0x157: {  	[tilespmem:s17+$0xFFFFFFE0] =	vst v34;
	v53 =	vperm.xlane v29, v5  }
0x158: {  	v26 =	vmul.f32 $1.442695020e+00, v26;
	v52 =	vld [tilespmem:s15+$0x5120];
	v32 =	vperm.xlane v27, v5  }
0x159: {  	v28 =	vpop (erf);
	v29 =	vadd.f32 v29, v53  }
0x15a: {  	v55 =	vld [tilespmem:s9+$0x5110];
	(erf) = vpow2.f32 v26;
	v54 =	vmul.f32 v28, v51;
	v56 =	vadd.f32 v27, v32  }
0x15b: {  	v29 =	vmul.f32 $1.442695020e+00, v29  }
0x15c: {  	[tilespmem:s13+$0x0] =	vst v54;
	v58 =	vmul.f32 $1.442695020e+00, v56  }
0x15d: {  	v57 =	vmul.f32 v25, v52;
	v59 =	vld [tilespmem:s10+$0x5140];
	v30 =	vpop (erf);
	(erf) = vpow2.f32 v29  }
0x15e: {  	v62 =	vld [tilespmem:s12+$0x5130];
	v26 =	vpop (erf);
	(erf) = vpow2.f32 v58  }
0x15f: {  	v48 =	vld [tilespmem:s4+$0x5110];
	[tilespmem:s17+$0xFFFFFFF0] =	vst v57;
	v61 =	vmul.f32 v26, v55  }
0x160: {  	v60 =	vld [tilespmem:s15+$0x2930]  }
0x161: {  	v63 =	vld [tilespmem:s15+$0x130];
	[tilespmem:s1+$0xFFFFFFE0] =	vst v61  }
0x162: {  	v47 =	vld [tilespmem:s9+$0x5120];
	v27 =	vmul.f32 v28, v59  }
0x163: {  	v34 =	vld [tilespmem:s15+$0x140];
	v29 =	vpop (erf)  }
0x164: {  	v49 =	vld [tilespmem:s15+$0x2940];
	[tilespmem:s13+$0x10] =	vst v27;
	v50 =	vmul.f32 v29, v62  }
0x165: {  	v51 =	vld [tilespmem:s10+$0x150]  }
0x166: {  	v52 =	vld [tilespmem:s10+$0x2950];
	[tilespmem:s16+$0x0] =	vst v50;
	v31 =	vpop (erf)  }
0x167: {  	v35 =	vmul.f32 v26, v47;
	v53 =	vld [tilespmem:s12+$0x5140];
	v27 =	vpop (erf)  }
0x168: {  	v54 =	vld [tilespmem:s10+$0x160];
	v36 =	vmul.f32 v27, v48  }
0x169: {  	v42 =	vld [tilespmem:s10+$0x2960];
	[tilespmem:s1+$0xFFFFFFF0] =	vst v35  }
0x16a: {  	v35 =	vld [tilespmem:s9+$0x2930];
	[tilespmem:s21+$0xFFFFFFE0] =	vst v36  }
0x16b: {  	v36 =	vld [tilespmem:s4+$0x5120]  }
0x16c: {  	v43 =	vld [tilespmem:s9+$0x130];
	v40 =	vmul.f32 v29, v53  }
0x16d: {  	v44 =	vld [tilespmem:s9+$0x140]  }
0x16e: {  	v45 =	vld [tilespmem:s9+$0x2940];
	[tilespmem:s16+$0x10] =	vst v40  }
0x16f: {  	v32 =	vmul.f32 v60, v63;
	v55 =	vmul.f32 v49, v34;
	v40 =	vld [tilespmem:s12+$0x150]  }
0x170: {  	v46 =	vld [tilespmem:s12+$0x2950];
	v36 =	vmul.f32 v27, v36  }
0x171: {  	v32 =	vadd.f32 v55, v32;
	v56 =	vld [tilespmem:s12+$0x160]  }
0x172: {  	v57 =	vld [tilespmem:s12+$0x2960];
	[tilespmem:s21+$0xFFFFFFF0] =	vst v36  }
0x173: {  	v62 =	vperm.xlane v32, v2;
	v58 =	vld [tilespmem:s4+$0x2930]  }
0x174: {  	v59 =	vmul.f32 v52, v51;
	v60 =	vmul.f32 v42, v54;
	v61 =	vld [tilespmem:s4+$0x130]  }
0x175: {  	v35 =	vmul.f32 v35, v43;
	v48 =	vmul.f32 v45, v44;
	v63 =	vld [tilespmem:s4+$0x140]  }
0x176: {  	v36 =	vadd.f32 v60, v59;
	v49 =	vld [tilespmem:s4+$0x2940]  }
0x177: {  	v32 =	vadd.f32 v32, v62;
	v35 =	vadd.f32 v48, v35  }
0x178: {  	v50 =	vperm.xlane v36, v2  }
0x179: {  	v51 =	vperm.xlane v32, v3;
	v52 =	vperm.xlane v35, v2  }
0x17a: {  	v40 =	vmul.f32 v46, v40;
	v34 =	vmul.f32 v57, v56;
	v36 =	vadd.f32 v36, v50  }
0x17b: {  	v35 =	vadd.f32 v35, v52;
	v33 =	vmul.f32 v58, v61;
	v53 =	vmul.f32 v49, v63  }
0x17c: {  	v32 =	vadd.f32 v32, v51;
	v34 =	vadd.f32 v34, v40;
	v54 =	vperm.xlane v36, v3  }
0x17d: {  	v57 =	vperm.xlane v35, v3;
	v33 =	vadd.f32 v53, v33  }
0x17e: {  	v55 =	vperm.xlane v32, v4;
	v56 =	vperm.xlane v34, v2;
	v36 =	vadd.f32 v36, v54  }
0x17f: {  	v35 =	vadd.f32 v35, v57;
	v58 =	vperm.xlane v33, v2  }
0x180: {  	v32 =	vadd.f32 v32, v55;
	v34 =	vadd.f32 v34, v56;
	v59 =	vperm.xlane v36, v4  }
0x181: {  	v61 =	vperm.xlane v35, v4;
	v33 =	vadd.f32 v33, v58  }
0x182: {  	v60 =	vperm.xlane v32, v5;
	v39 =	vperm.xlane v34, v3;
	v36 =	vadd.f32 v36, v59  }
0x183: {  	v35 =	vadd.f32 v35, v61;
	v40 =	vperm.xlane v33, v3  }
0x184: {  	v32 =	vadd.f32 v32, v60;
	v34 =	vadd.f32 v34, v39;
	v62 =	vperm.xlane v36, v5  }
0x185: {  	v44 =	vperm.xlane v35, v5;
	v33 =	vadd.f32 v33, v40  }
0x186: {  	v32 =	vmul.f32 $1.442695020e+00, v32;
	v63 =	vperm.xlane v34, v4;
	v36 =	vadd.f32 v36, v62  }
0x187: {  	v46 =	vadd.f32 v35, v44;
	v40 =	vperm.xlane v33, v4  }
0x188: {  	(erf) = vpow2.f32 v32;
	v45 =	vadd.f32 v34, v63;
	v47 =	vmul.f32 $1.442695020e+00, v36  }
0x189: {  	v34 =	vmul.f32 $1.442695020e+00, v46;
	v33 =	vadd.f32 v33, v40  }
0x18a: {  	v48 =	vperm.xlane v45, v5;
	(erf) = vpow2.f32 v47  }
0x18b: {  	(erf) = vpow2.f32 v34;
	v49 =	vperm.xlane v33, v5  }
0x18c: {  	v32 =	vadd.f32 v45, v48  }
0x18d: {  	v50 =	vld [tilespmem:s15+$0x5130];
	v33 =	vadd.f32 v33, v49  }
0x18e: {  	v32 =	vmul.f32 $1.442695020e+00, v32  }
0x18f: {  	v33 =	vmul.f32 $1.442695020e+00, v33  }
0x190: {  	v52 =	vld [tilespmem:s9+$0x5130];
	(erf) = vpow2.f32 v32  }
0x191: {  	v34 =	vpop (erf);
	(erf) = vpow2.f32 v33  }
0x192: {  	v51 =	vmul.f32 v34, v50  }
0x193: {  	v36 =	vpop (erf)  }
0x194: {  	[tilespmem:s17+$0x0] =	vst v51;
	v33 =	vpop (erf)  }
0x195: {  	v32 =	vld [tilespmem:s15+$0x5140];
	v35 =	vmul.f32 v33, v52  }
0x196: {  	v53 =	vld [tilespmem:s4+$0x5130];
	_ =	sdelay $0x2  }
0x197: {  	[tilespmem:s1+$0x0] =	vst v35;
	v35 =	vpop (erf)  }
0x198: {  	v54 =	vmul.f32 v34, v32;
	v55 =	vld [tilespmem:s9+$0x5140];
	v32 =	vpop (erf)  }
0x199: {  	v37 =	vmul.f32 v32, v53  }
0x19a: {  	[tilespmem:s17+$0x10] =	vst v54  }
0x19b: {  	v38 =	vld [tilespmem:s15+$0x150];
	[tilespmem:s21+$0x0] =	vst v37  }
0x19c: {  	v37 =	vld [tilespmem:s4+$0x5140]  }
0x19d: {  	v56 =	vld [tilespmem:s15+$0x2950];
	v39 =	vmul.f32 v33, v55  }
0x19e: {  	v57 =	vld [tilespmem:s15+$0x160]  }
0x19f: {  	v58 =	vld [tilespmem:s15+$0x2960];
	[tilespmem:s1+$0x10] =	vst v39  }
0x1a0: {  	v39 =	vld [tilespmem:s9+$0x150]  }
0x1a1: {  	v59 =	vld [tilespmem:s9+$0x2950];
	v37 =	vmul.f32 v32, v37  }
0x1a2: {  	v60 =	vld [tilespmem:s9+$0x160]  }
0x1a3: {  	v61 =	vld [tilespmem:s9+$0x2960];
	[tilespmem:s21+$0x10] =	vst v37  }
0x1a4: {  	v37 =	vld [tilespmem:s4+$0x150]  }
0x1a5: {  	v62 =	vld [tilespmem:s4+$0x2950]  }
0x1a6: {  	v47 =	vld [tilespmem:s4+$0x160]  }
0x1a7: {  	v38 =	vmul.f32 v56, v38;
	v63 =	vmul.f32 v58, v57;
	v48 =	vld [tilespmem:s4+$0x2960];
	_ =	sdelay $0x1  }
0x1a8: {  	v38 =	vadd.f32 v63, v38  }
0x1a9: {  	v39 =	vmul.f32 v59, v39;
	v45 =	vmul.f32 v61, v60  }
0x1aa: {  	v49 =	vperm.xlane v38, v2  }
0x1ab: {  	v39 =	vadd.f32 v45, v39;
	v37 =	vmul.f32 v62, v37;
	v48 =	vmul.f32 v48, v47;
	_ =	sdelay $0x1  }
0x1ac: {  	v38 =	vadd.f32 v38, v49;
	v50 =	vperm.xlane v39, v2;
	v37 =	vadd.f32 v48, v37;
	_ =	sdelay $0x1  }
0x1ad: {  	v51 =	vperm.xlane v38, v3;
	v39 =	vadd.f32 v39, v50;
	v52 =	vperm.xlane v37, v2;
	_ =	sdelay $0x1  }
0x1ae: {  	v38 =	vadd.f32 v38, v51;
	v53 =	vperm.xlane v39, v3;
	v37 =	vadd.f32 v37, v52;
	_ =	sdelay $0x1  }
0x1af: {  	v54 =	vperm.xlane v38, v4;
	v39 =	vadd.f32 v39, v53;
	v55 =	vperm.xlane v37, v3;
	_ =	sdelay $0x1  }
0x1b0: {  	v38 =	vadd.f32 v38, v54;
	v56 =	vperm.xlane v39, v4;
	v37 =	vadd.f32 v37, v55;
	_ =	sdelay $0x1  }
0x1b1: {  	v57 =	vperm.xlane v38, v5;
	v39 =	vadd.f32 v39, v56;
	v58 =	vperm.xlane v37, v4  }
0x1b2: {  	v6 =	vnsel vm0, $0x0, v6  }
0x1b3: {  	v59 =	vld [tilespmem:s0+$0x5150];
	v38 =	vadd.f32 v38, v57;
	v60 =	vperm.xlane v39, v5;
	v37 =	vadd.f32 v37, v58  }
0x1b4: {  	v6 =	vsel vm1, v6, v11;
	v61 =	vmul.f32 v30, v22  }
0x1b5: {  	v38 =	vmul.f32 $1.442695020e+00, v38;
	v39 =	vadd.f32 v39, v60;
	v63 =	vperm.xlane v37, v5  }
0x1b6: {  	v6 =	vsel vm2, v6, v15;
	v20 =	vmul.f32 v24, v20;
	v44 =	vld [tilespmem:s10+$0x5150];
	[tilespmem:s3+$0x20] =	vst v61  }
0x1b7: {  	v46 =	vld [tilespmem:s30+$0x5160];
	(erf) = vpow2.f32 v38;
	v45 =	vmul.f32 $1.442695020e+00, v39;
	v43 =	vadd.f32 v37, v63  }
0x1b8: {  	v7 =	vnsel vm0, $0x0, v7;
	v6 =	vsel vm3, v6, v24;
	[tilespmem:s31+$0x20] =	vst v20;
	v47 =	vmul.f32 v31, v59  }
0x1b9: {  	v7 =	vsel vm1, v7, v10;
	v62 =	vld [tilespmem:s29+$0x5160];
	[tilespmem:s31+$0x40] =	vst v6;
	(erf) = vpow2.f32 v45;
	v11 =	vmul.f32 $1.442695020e+00, v43  }
0x1ba: {  	v8 =	vnsel vm0, $0x0, v8;
	v6 =	vsel vm2, v7, v17;
	[tilespmem:s11+$0x20] =	vst v47;
	v48 =	vld [tilespmem:s12+$0x5150]  }
0x1bb: {  	v49 =	vmul.f32 v36, v44;
	v6 =	vsel vm3, v6, v30;
	v7 =	vld [tilespmem:s0+$0x5160];
	(erf) = vpow2.f32 v11  }
0x1bc: {  	v8 =	vsel vm1, v8, v13;
	v50 =	vld [tilespmem:s15+$0x5150];
	[tilespmem:s3+$0x40] =	vst v6;
	v6 =	vmul.f32 v30, v46  }
0x1bd: {  	v8 =	vsel vm2, v8, v23;
	[tilespmem:s13+$0x20] =	vst v49  }
0x1be: {  	v51 =	vld [tilespmem:s9+$0x5150];
	[tilespmem:s3+$0x30] =	vst v6;
	v6 =	vsel vm3, v8, v31;
	v22 =	vmul.f32 v24, v62  }
0x1bf: {  	[tilespmem:s11+$0x40] =	vst v6;
	v52 =	vld [tilespmem:s10+$0x5160];
	v10 =	vmul.f32 v35, v48  }
0x1c0: {  	v54 =	vld [tilespmem:s4+$0x5150];
	[tilespmem:s31+$0x30] =	vst v22;
	v6 =	vmul.f32 v31, v7;
	v7 =	vnsel vm0, $0x0, v9;
	v53 =	vpop (erf)  }
0x1c1: {  	v7 =	vsel vm1, v7, v16;
	[tilespmem:s16+$0x20] =	vst v10;
	v55 =	vmul.f32 v53, v50  }
0x1c2: {  	[tilespmem:s11+$0x30] =	vst v6;
	v6 =	vsel vm2, v7, v28;
	v7 =	vld [tilespmem:s12+$0x5160];
	v56 =	vpop (erf)  }
0x1c3: {  	v6 =	vsel vm3, v6, v36;
	[tilespmem:s17+$0x20] =	vst v55;
	v57 =	vmul.f32 v56, v51  }
0x1c4: {  	[tilespmem:s13+$0x40] =	vst v6;
	v6 =	vmul.f32 v36, v52;
	v58 =	vnsel vm0, $0x0, v12;
	v59 =	vld [tilespmem:s15+$0x5160];
	v60 =	vpop (erf)  }
0x1c5: {  	v8 =	vsel vm1, v58, v19;
	[tilespmem:s1+$0x20] =	vst v57;
	v9 =	vmul.f32 v60, v54  }
0x1c6: {  	v61 =	vnsel vm0, $0x0, v14;
	[tilespmem:s13+$0x30] =	vst v6;
	v6 =	vsel vm2, v8, v29;
	v10 =	vld [tilespmem:s9+$0x5160]  }
0x1c7: {  	v7 =	vmul.f32 v35, v7;
	v8 =	vsel vm1, v61, v25;
	v6 =	vsel vm3, v6, v35;
	[tilespmem:s21+$0x20] =	vst v9  }
0x1c8: {  	v62 =	vnsel vm0, $0x0, v18;
	[tilespmem:s16+$0x40] =	vst v6;
	v6 =	vsel vm2, v8, v34;
	v9 =	vld [tilespmem:s4+$0x5160]  }
0x1c9: {  	[tilespmem:s16+$0x30] =	vst v7;
	v8 =	vsel vm1, v62, v26;
	v6 =	vsel vm3, v6, v53;
	v7 =	vmul.f32 v53, v59  }
0x1ca: {  	v63 =	vnsel vm0, $0x0, v21;
	[tilespmem:s17+$0x40] =	vst v6;
	v6 =	vsel vm2, v8, v33  }
0x1cb: {  	v8 =	vsel vm1, v63, v27;
	v6 =	vsel vm3, v6, v56;
	[tilespmem:s17+$0x30] =	vst v7;
	v7 =	vmul.f32 v56, v10  }
0x1cc: {  	[tilespmem:s1+$0x40] =	vst v6;
	v6 =	vsel vm2, v8, v32  }
0x1cd: {  	s28 =	sadd.s32 $0x1, s28;
	v6 =	vsel vm3, v6, v60;
	[tilespmem:s1+$0x30] =	vst v7;
	v7 =	vmul.f32 v60, v9  }
0x1ce: {  	p0 =	sne.s32 s28, $0xFA;
	[tilespmem:s21+$0x40] =	vst v6  }
.Ltmp2:
0x1cf: {  	s31 =	rddreg [dreg:$0x2];
	[tilespmem:s21+$0x30] =	vst v7;
	(pc) =	sbr.rel @p0 .LBB2_4-.Ltmp2, $4  }
0x1d0: {  	[spmem:s31] =	stream.indirect.scatter.add.f32 [tilespmem:s25], [sflag:$0x2], $0x90, s24, s19, $0xb8;
	[tilespmem:$0x17E38] =	vst v63  }
0x1d1: {  	_ =	swait.ge [sflag:s18], $0x2D00  }
0x1d2: {  	[sflag:s18] =	ssyncset.done $0x0  }
0x1d3: {  	[sflag:s18] =	ssyncadd.s32 $0xFFFFD300  }
0x1d4: {  	s0 =	stileid.u32;
	[bflag:$0x0] =	sbarrier.arrive $0xFFFF  }
0x1d5: {  	s0 =	sshll.u32 s0, $0x6;
	s2 =	rddreg [dreg:$0x5]  }
0x1d6: {  	s3 =	rddreg [dreg:$0xa];
	s0 =	sor.u32 $0x1C02, s0;
	s1 =	sshrl.u32 s2, $0x3  }
0x1d7: {  	[hbm:s3], [sflag:s0] =	dma.local [spmem:s1], $0x1680  }
0x1d8: {  	_ =	swait.ge [sflag:s18], $0x1680  }
0x1d9: {  	s12 =	rddreg [dreg:$0x4]  }
0x1da: {  	s31 =	rddreg [dreg:$0xb];
	s12 =	sadd.s32 $0x1, s12  }
0x1db: {  	p0 =	sne.s32 s12, s31  }
.Ltmp3:
0x1dc: {  	_ = 	snop;
	(pc) =	sbr.rel @p0 .LBB2_1-.Ltmp3, $3  }
0x1dd: {  	_ =	sdelay $0x1  }
0x1de: {  	[sflag:s18] =	ssyncset.done $0x0  }
0x1df: {  	[sflag:s18] =	ssyncadd.s32 $0xFFFFE980  }
0x1e0: {  	_ =	sfence.sel $0x180000  }
0x1e1: {  	[bflag:$0x0] =	sbarrier.arrive $0xFFFF  }
0x1e2: {  	_ =	strace $0x90000047  }
0x1e3: {  	s0 =	stileid.u32;
	[bflag:$0x2] =	sbarrier.arrive $0xFFFF  }
0x1e4: {  	p0 =	sne.s32 s0, $0x0;
	s0 =	rddreg [dreg:$0x3]  }
0x1e5: {  	s0 =	sadd.s32 @!p0 $0x100000, s0  }
0x1e6: {  	[sflag:s0] =	ssyncadd.tile.s32 @!p0 $0x1;
	_ =	shalt  }
.Lfunc_end2:
_tile_overlayer_lowered:
.L_overlay_start_2:
0x1e7: {  	(tag) =	ssettag $0x2  }
0x1e8: {  	s0 =	rddreg [dreg:$0x0];
	s2 =	stileid.u32  }
0x1e9: {  	s1 =	rddreg [dreg:$0x1];
	p0 =	sne.s32 s2, $0x0  }
0x1ea: {  	s3 =	rddreg [dreg:$0x2];
	[bflag:$0x3] =	sbarrier.arrive $0xFFFF;
	s2 =	simm.s32 @!p0 $0x1C02  }
0x1eb: {  	[timem:s3], [sflag:s2] =	dma.local @!p0 [hbm:s0], s1  }
0x1ec: {  	s0 =	simm.s32 @!p0 $0x2  }
0x1ed: {  	_ =	swait.ge @!p0 [sflag:s0], s1  }
0x1ee: {  	s1 =	ssub.s32 @!p0 $0x0, s1;
	[sflag:s0] =	ssyncset.done @!p0 $0x0  }
0x1ef: {  	[sflag:s0] =	ssyncadd.s32 @!p0 s1  }
0x1f0: {  	[bflag:$0x3] =	sbarrier.arrive $0xFFFF  }
0x1f1: {  	_ =	shalt  }

</sc_bundles>
